<compile_context>
chip_gen: v7x
topology: tpu7x:2x2x1
jax: 0.10.2.dev20260603
libtpu: 0.0.44.dev20260713+nightly
codegen_flags: <defaults>
</compile_context>

<pallas_src>
import functools

import jax
import jax.numpy as jnp
from jax import lax
from jax.experimental import pallas as pl
from jax.experimental.pallas import tpu as pltpu
from jax.experimental.pallas import tpu_sc as plsc




def _make_sc_routing(n_experts, n_tokens):
    info = plsc.get_sparse_core_info()
    num_workers = info.num_cores * info.num_subcores
    lanes = info.num_lanes
    tok_per_w = n_tokens // num_workers
    mesh = plsc.VectorSubcoreMesh(core_axis_name="c", subcore_axis_name="s")

    chunk = tok_per_w * n_experts

    @functools.partial(
        pl.kernel,
        mesh=mesh,
        out_type=jax.ShapeDtypeStruct((n_tokens * n_experts,), jnp.float32),
        scratch_types=[
            pltpu.VMEM((chunk,), jnp.float32),
            pltpu.VMEM((chunk,), jnp.float32),
        ],
    )
    def sc_routing(logits_hbm, out_hbm, lg_v, out_v):
        wid = lax.axis_index("s") * info.num_cores + lax.axis_index("c")
        base = wid * chunk
        pltpu.sync_copy(logits_hbm.at[pl.ds(base, chunk)], lg_v)
        big = jnp.int32(n_experts)
        for i in range(tok_per_w // lanes):
            off = i * lanes
            v = [lg_v[pl.ds(e * tok_per_w + off, lanes)]
                 for e in range(n_experts)]
            m1 = v[0]
            for e in range(1, n_experts):
                m1 = jnp.maximum(m1, v[e])
            i1 = big
            for e in range(n_experts - 1, -1, -1):
                i1 = jnp.where(v[e] == m1, jnp.int32(e), i1)
            m2 = None
            for e in range(n_experts):
                l2 = jnp.where(i1 == e, jnp.float32(-jnp.inf), v[e])
                m2 = l2 if m2 is None else jnp.maximum(m2, l2)
            i2 = big
            for e in range(n_experts - 1, -1, -1):
                masked = jnp.logical_and(v[e] == m2, i1 != e)
                i2 = jnp.where(masked, jnp.int32(e), i2)
            w1 = 1.0 / (1.0 + jnp.exp(m2 - m1))
            w2 = 1.0 - w1
            zero = jnp.float32(0.0)
            for e in range(n_experts):
                r_e = (jnp.where(i1 == e, w1, zero)
                       + jnp.where(i2 == e, w2, zero))
                out_v[pl.ds(e * tok_per_w + off, lanes)] = r_e
        pltpu.sync_copy(out_v, out_hbm.at[pl.ds(base, chunk)])

    def run(router_logits):
        lg = (router_logits.T
              .reshape(n_experts, num_workers, tok_per_w)
              .transpose(1, 0, 2).reshape(-1))
        out = sc_routing(lg)
        return (out.reshape(num_workers, n_experts, tok_per_w)
                .transpose(0, 2, 1).reshape(n_tokens, n_experts))

    return run




def _expand_scales(s, width):
    o, nb = s.shape
    sf = jax.lax.bitcast_convert_type(s << 23, jnp.float32).astype(jnp.bfloat16)
    row = jax.lax.broadcasted_iota(jnp.int32, (nb, width), 0)
    col = jax.lax.broadcasted_iota(jnp.int32, (nb, width), 1)
    exp = (row == col // (width // nb)).astype(jnp.bfloat16)
    return jax.lax.dot_general(sf, exp, (((1,), (0,)), ((), ())),
                               preferred_element_type=jnp.float32)


def _dequant_half(nib, scale_f32):
    mag_bits = jnp.where((nib & 6) == 0,
                         (nib & 1) * 0x3F000000,
                         0x3F000000 + ((nib & 7) << 22))
    bits = mag_bits | ((nib & 8) << 28)
    mag = jax.lax.bitcast_convert_type(bits, jnp.float32)
    return (mag * scale_f32).astype(jnp.bfloat16)


def _nt(a, b):
    return jax.lax.dot_general(a, b, (((1,), (1,)), ((), ())),
                               preferred_element_type=jnp.float32)


def _proj_half(xe, xo, blocks, scales, width):
    sc = _expand_scales(scales, width)
    return (_nt(xe, _dequant_half(blocks & 15, sc))
            + _nt(xo, _dequant_half((blocks >> 4) & 15, sc)))


def _moe_body(xe_ref, xo_ref, rw_ref, gb_ref, gs_ref, gbias_ref,
              ub_ref, us_ref, ubias_ref, db_ref, ds_ref, dbias_ref,
              sc_ref, out_ref):
    e = pl.program_id(0)

    rw = rw_ref[...]
    lane = jax.lax.broadcasted_iota(jnp.int32, rw.shape, 1)
    r = jnp.sum(jnp.where(lane == e, rw, 0.0), axis=1, keepdims=True)

    alpha = sc_ref[0]
    limit = sc_ref[1]

    xe = xe_ref[...]
    xo = xo_ref[...]
    width = xe.shape[1]

    gb = gb_ref[0].astype(jnp.int32)
    gs = gs_ref[0].astype(jnp.int32)
    ub = ub_ref[0].astype(jnp.int32)
    us = us_ref[0].astype(jnp.int32)
    gbias = gbias_ref[0]
    ubias = ubias_ref[0]

    def act(gate, up):
        gate = jnp.minimum(gate, limit)
        up = jnp.clip(up, -limit, limit)
        glu = gate * jax.nn.sigmoid(gate * alpha)
        return ((up + 1.0) * glu).astype(jnp.bfloat16)

    half = gb.shape[0] // 2
    inter_e = act(_proj_half(xe, xo, gb[:half], gs[:half], width)
                  + gbias[:, :half],
                  _proj_half(xe, xo, ub[:half], us[:half], width)
                  + ubias[:, :half])
    inter_o = act(_proj_half(xe, xo, gb[half:], gs[half:], width)
                  + gbias[:, half:],
                  _proj_half(xe, xo, ub[half:], us[half:], width)
                  + ubias[:, half:])

    db = db_ref[0].astype(jnp.int32)
    ds = _expand_scales(ds_ref[0].astype(jnp.int32), inter_e.shape[1])
    acc = (_nt(inter_e, _dequant_half(db & 15, ds))
           + _nt(inter_o, _dequant_half((db >> 4) & 15, ds))
           + dbias_ref[0])

    contrib = r * acc

    @pl.when(e == 0)
    def _():
        out_ref[...] = contrib

    @pl.when(e != 0)
    def _():
        out_ref[...] += contrib


def kernel(hidden_states, router_logits, gate_proj_blocks, gate_proj_scales,
           gate_proj_bias, up_proj_blocks, up_proj_scales, up_proj_bias,
           down_proj_blocks, down_proj_scales, down_proj_bias,
           alpha, limit, k):
    del k
    T, H = hidden_states.shape
    E = router_logits.shape[-1]
    I = gate_proj_blocks.shape[1]

    routing = _make_sc_routing(E, T)(router_logits)

    def perm(a):
        return jnp.concatenate([a[:, 0::2], a[:, 1::2]], axis=1)

    gb_p = perm(gate_proj_blocks)
    gs_p = perm(gate_proj_scales)
    ub_p = perm(up_proj_blocks)
    us_p = perm(up_proj_scales)
    gbias = perm(gate_proj_bias).reshape(E, 1, I)
    ubias = perm(up_proj_bias).reshape(E, 1, I)
    dbias = down_proj_bias.reshape(E, 1, H)

    x = hidden_states.astype(jnp.bfloat16).reshape(T, H // 2, 2)
    xe = x[:, :, 0]
    xo = x[:, :, 1]

    sc = jnp.array([alpha, limit], dtype=jnp.float32)

    wspec = lambda o, c: pl.BlockSpec((1, o, c), lambda e: (e, 0, 0))

    out = pl.pallas_call(
        _moe_body,
        grid=(E,),
        in_specs=[
            pl.BlockSpec((T, H // 2), lambda e: (0, 0)),
            pl.BlockSpec((T, H // 2), lambda e: (0, 0)),
            pl.BlockSpec((T, E), lambda e: (0, 0)),
            wspec(I, H // 2),
            wspec(I, H // 32),
            pl.BlockSpec((1, 1, I), lambda e: (e, 0, 0)),
            wspec(I, H // 2),
            wspec(I, H // 32),
            pl.BlockSpec((1, 1, I), lambda e: (e, 0, 0)),
            wspec(H, I // 2),
            wspec(H, I // 32),
            pl.BlockSpec((1, 1, H), lambda e: (e, 0, 0)),
            pl.BlockSpec(memory_space=pltpu.SMEM),
        ],
        out_specs=pl.BlockSpec((T, H), lambda e: (0, 0)),
        out_shape=jax.ShapeDtypeStruct((T, H), jnp.float32),
        compiler_params=pltpu.CompilerParams(
            dimension_semantics=("arbitrary",)),
    )(xe, xo, routing, gb_p, gs_p, gbias,
      ub_p, us_p, ubias,
      down_proj_blocks, down_proj_scales, dbias, sc)
    return out

# --- scband reference (transcript-rebuilt; emitter-appended) ---
"""Pipeline reference for scband-rblngpt-oss-experts-18442589570203 (READ-ONLY COPY).

The authoritative reference and input builder live on the scoring server;
editing this copy changes nothing except your own understanding.
"""

import jax, jax.numpy as jnp
import numpy as np

FP4_LUT = np.array([0.0, 0.5, 1.0, 1.5, 2.0, 3.0, 4.0, 6.0, -0.0, -0.5, -1.0, -1.5, -2.0, -3.0, -4.0, -6.0], dtype=np.float32)


def _dequant_mxfp4(blocks, scales):
    # blocks: uint8 [out_dim, in_dim//2] (two fp4 e2m1 values per byte, low nibble first)
    # scales: uint8 [out_dim, in_dim//32] (shared power-of-two exponent per block of 32)
    out_dim = blocks.shape[0]
    low = (blocks & 0x0F).astype(jnp.int32)
    high = (blocks >> 4).astype(jnp.int32)
    codes = jnp.stack([low, high], axis=-1).reshape(out_dim, -1)  # [out_dim, in_dim]
    w = jnp.asarray(FP4_LUT)[codes]
    n_blocks = scales.shape[1]
    scale = jnp.exp2(scales.astype(jnp.float32) - 127.0)  # [out_dim, n_blocks]
    w = w.reshape(out_dim, n_blocks, 32) * scale[:, :, None]
    return w.reshape(out_dim, -1)


def setup_inputs(seed: int = 0) -> dict:
    key = jax.random.key(seed)
    ks = jax.random.split(key, 12)
    T, H, I, E = 2048, 1024, 1024, 8
    hidden_states = jax.random.normal(ks[0], (T, H), dtype=jnp.float32)
    router_logits = jax.random.normal(ks[1], (T, E), dtype=jnp.float32)
    gate_proj_blocks = jax.random.randint(ks[2], (E, I, H // 2), 0, 256).astype(jnp.uint8)
    gate_proj_scales = jax.random.randint(ks[3], (E, I, H // 32), 116, 124).astype(jnp.uint8)
    gate_proj_bias = jax.random.normal(ks[4], (E, I), dtype=jnp.float32) * 0.1
    up_proj_blocks = jax.random.randint(ks[5], (E, I, H // 2), 0, 256).astype(jnp.uint8)
    up_proj_scales = jax.random.randint(ks[6], (E, I, H // 32), 116, 124).astype(jnp.uint8)
    up_proj_bias = jax.random.normal(ks[7], (E, I), dtype=jnp.float32) * 0.1
    down_proj_blocks = jax.random.randint(ks[8], (E, H, I // 2), 0, 256).astype(jnp.uint8)
    down_proj_scales = jax.random.randint(ks[9], (E, H, I // 32), 116, 124).astype(jnp.uint8)
    down_proj_bias = jax.random.normal(ks[10], (E, H), dtype=jnp.float32) * 0.1
    return {
        'hidden_states': hidden_states,
        'router_logits': router_logits,
        'gate_proj_blocks': gate_proj_blocks,
        'gate_proj_scales': gate_proj_scales,
        'gate_proj_bias': gate_proj_bias,
        'up_proj_blocks': up_proj_blocks,
        'up_proj_scales': up_proj_scales,
        'up_proj_bias': up_proj_bias,
        'down_proj_blocks': down_proj_blocks,
        'down_proj_scales': down_proj_scales,
        'down_proj_bias': down_proj_bias,
        'alpha': 1.702,
        'limit': 7.0,
        'k': 2,
    }


def reference(hidden_states, router_logits, gate_proj_blocks, gate_proj_scales, gate_proj_bias, up_proj_blocks, up_proj_scales, up_proj_bias, down_proj_blocks, down_proj_scales, down_proj_bias, alpha, limit, k):
    T, H = hidden_states.shape
    E = router_logits.shape[-1]
    # top-k routing: softmax over the selected logits, scattered back to [T, E]
    K = 2
    top_vals, top_idx = jax.lax.top_k(router_logits, K)
    top_vals = top_vals + 0 * k
    top_w = jax.nn.softmax(top_vals, axis=-1)
    routing = jnp.zeros((T, E), dtype=hidden_states.dtype)
    routing = routing.at[jnp.arange(T)[:, None], top_idx].set(top_w)
    out = jnp.zeros((T, H), dtype=hidden_states.dtype)
    for e in range(E):
        Wg = _dequant_mxfp4(gate_proj_blocks[e], gate_proj_scales[e])  # [I, H]
        Wu = _dequant_mxfp4(up_proj_blocks[e], up_proj_scales[e])      # [I, H]
        Wd = _dequant_mxfp4(down_proj_blocks[e], down_proj_scales[e])  # [H, I]
        gate = hidden_states @ Wg.T + gate_proj_bias[e]
        up = hidden_states @ Wu.T + up_proj_bias[e]
        gate = jnp.minimum(gate, limit)
        up = jnp.clip(up, -limit, limit)
        glu = gate * jax.nn.sigmoid(gate * alpha)
        inter = (up + 1.0) * glu
        expert_out = inter @ Wd.T + down_proj_bias[e]
        out = out + routing[:, e:e + 1] * expert_out
    return out

if __name__ == "__main__":
    import jax
    _d = setup_inputs()
    print(jax.jit(kernel)(*tuple(_d.values())))

</pallas_src>

<mosaic_0001>
#map = affine_map<(d0, d1) -> (0)>
module attributes {stable_mosaic.version = 14 : i64} {
  func.func @sc_routing(%arg0: i32, %arg1: i32, %arg2: memref<16384xf32, #tpu.memory_space<hbm>>, %arg3: memref<16384xf32, #tpu.memory_space<hbm>>, %arg4: memref<512xf32, #tpu.memory_space<vmem>>, %arg5: memref<512xf32, #tpu.memory_space<vmem>>) attributes {dimension_semantics = [#tpu.dimension_semantics<core_parallel>, #tpu.dimension_semantics<subcore_parallel>], iteration_bounds = array<i64: 2, 16>, scalar_prefetch = 0 : i64, scratch_operands = 2 : i64, tpu.core_type = #tpu.core_type<sc_vector_subcore>, window_params = [{transform_indices = #map}, {transform_indices = #map}]} {
    %mul3A = arith.constant 2 : i32
    %mul3A_0 = arith.muli %arg1, %mul3A : i32
    %add3A = arith.addi %mul3A_0, %arg0 : i32
    %mul3A_1 = arith.constant 512 : i32
    %mul3A_2 = arith.muli %add3A, %mul3A_1 : i32
    "tpu.region"() ({
      %run_scoped3A = tpu.sem_alloc : memref<!tpu.dma_semaphore, #tpu.memory_space<semaphore_mem>>
      %dma_start3A = tpu.memref_slice %arg2[%mul3A_2] : memref<16384xf32, #tpu.memory_space<hbm>> -> memref<512xf32, #tpu.memory_space<hbm>>
      %dma_start3A_1323 = tpu.memref_slice %arg2[%mul3A_2] : memref<16384xf32, #tpu.memory_space<hbm>> -> memref<512xf32, #tpu.memory_space<hbm>>
      tpu.enqueue_dma source(%dma_start3A_1323 : memref<512xf32, #tpu.memory_space<hbm>>) target(%arg4 : memref<512xf32, #tpu.memory_space<vmem>>) target_semaphore(%run_scoped3A : memref<!tpu.dma_semaphore, #tpu.memory_space<semaphore_mem>>)
      %dma_wait3A = tpu.memref_slice %arg2[%mul3A_2] : memref<16384xf32, #tpu.memory_space<hbm>> -> memref<512xf32, #tpu.memory_space<hbm>>
      %dma_wait3A_1324 = tpu.memref_slice %arg2[%mul3A_2] : memref<16384xf32, #tpu.memory_space<hbm>> -> memref<512xf32, #tpu.memory_space<hbm>>
      tpu.wait_dma2 semaphore(%run_scoped3A : memref<!tpu.dma_semaphore, #tpu.memory_space<semaphore_mem>>) src(%dma_wait3A_1324 : memref<512xf32, #tpu.memory_space<hbm>>) dst(%arg4 : memref<512xf32, #tpu.memory_space<vmem>>)
      tpu.yield
    }) : () -> ()
    %get3A = arith.constant 0 : index
    %get3A_3 = tpu.vector_load %arg4[%get3A] {strides = array<i32>} : memref<512xf32, #tpu.memory_space<vmem>>, vector<16xf32>,
    %get3A_4 = vector.shape_cast %get3A_3 : vector<16xf32> to vector<16xf32>
    %get3A_5 = arith.constant 64 : index
    %get3A_6 = tpu.vector_load %arg4[%get3A_5] {strides = array<i32>} : memref<512xf32, #tpu.memory_space<vmem>>, vector<16xf32>,
    %get3A_7 = vector.shape_cast %get3A_6 : vector<16xf32> to vector<16xf32>
    %get3A_8 = arith.constant 128 : index
    %get3A_9 = tpu.vector_load %arg4[%get3A_8] {strides = array<i32>} : memref<512xf32, #tpu.memory_space<vmem>>, vector<16xf32>,
    %get3A_10 = vector.shape_cast %get3A_9 : vector<16xf32> to vector<16xf32>
    %get3A_11 = arith.constant 192 : index
    %get3A_12 = tpu.vector_load %arg4[%get3A_11] {strides = array<i32>} : memref<512xf32, #tpu.memory_space<vmem>>, vector<16xf32>,
    %get3A_13 = vector.shape_cast %get3A_12 : vector<16xf32> to vector<16xf32>
    %get3A_14 = arith.constant 256 : index
    %get3A_15 = tpu.vector_load %arg4[%get3A_14] {strides = array<i32>} : memref<512xf32, #tpu.memory_space<vmem>>, vector<16xf32>,
    %get3A_16 = vector.shape_cast %get3A_15 : vector<16xf32> to vector<16xf32>
    %get3A_17 = arith.constant 320 : index
    %get3A_18 = tpu.vector_load %arg4[%get3A_17] {strides = array<i32>} : memref<512xf32, #tpu.memory_space<vmem>>, vector<16xf32>,
    %get3A_19 = vector.shape_cast %get3A_18 : vector<16xf32> to vector<16xf32>
    %get3A_20 = arith.constant 384 : index
    %get3A_21 = tpu.vector_load %arg4[%get3A_20] {strides = array<i32>} : memref<512xf32, #tpu.memory_space<vmem>>, vector<16xf32>,
    %get3A_22 = vector.shape_cast %get3A_21 : vector<16xf32> to vector<16xf32>
    %get3A_23 = arith.constant 448 : index
    %get3A_24 = tpu.vector_load %arg4[%get3A_23] {strides = array<i32>} : memref<512xf32, #tpu.memory_space<vmem>>, vector<16xf32>,
    %get3A_25 = vector.shape_cast %get3A_24 : vector<16xf32> to vector<16xf32>
    %max3A = arith.maximumf %get3A_4, %get3A_7 : vector<16xf32>
    %max3A_26 = arith.maximumf %max3A, %get3A_10 : vector<16xf32>
    %max3A_27 = arith.maximumf %max3A_26, %get3A_13 : vector<16xf32>
    %max3A_28 = arith.maximumf %max3A_27, %get3A_16 : vector<16xf32>
    %max3A_29 = arith.maximumf %max3A_28, %get3A_19 : vector<16xf32>
    %max3A_30 = arith.maximumf %max3A_29, %get3A_22 : vector<16xf32>
    %max3A_31 = arith.maximumf %max3A_30, %get3A_25 : vector<16xf32>
    %eq3A = arith.cmpf oeq, %get3A_25, %max3A_31 : vector<16xf32>
    %jit3A = arith.constant 7 : i32
    %jit3A_32 = arith.constant 8 : i32
    %broadcast_in_dim3A = vector.broadcast %jit3A : i32 to vector<16xi32>
    %broadcast_in_dim3A_33 = vector.broadcast %jit3A_32 : i32 to vector<16xi32>
    %select_n3A = arith.select %eq3A, %broadcast_in_dim3A, %broadcast_in_dim3A_33 : vector<16xi1>, vector<16xi32>
    %eq3A_34 = arith.cmpf oeq, %get3A_22, %max3A_31 : vector<16xf32>
    %jit3A_35 = arith.constant 6 : i32
    %broadcast_in_dim3A_36 = vector.broadcast %jit3A_35 : i32 to vector<16xi32>
    %select_n3A_37 = arith.select %eq3A_34, %broadcast_in_dim3A_36, %select_n3A : vector<16xi1>, vector<16xi32>
    %eq3A_38 = arith.cmpf oeq, %get3A_19, %max3A_31 : vector<16xf32>
    %jit3A_39 = arith.constant 5 : i32
    %broadcast_in_dim3A_40 = vector.broadcast %jit3A_39 : i32 to vector<16xi32>
    %select_n3A_41 = arith.select %eq3A_38, %broadcast_in_dim3A_40, %select_n3A_37 : vector<16xi1>, vector<16xi32>
    %eq3A_42 = arith.cmpf oeq, %get3A_16, %max3A_31 : vector<16xf32>
    %jit3A_43 = arith.constant 4 : i32
    %broadcast_in_dim3A_44 = vector.broadcast %jit3A_43 : i32 to vector<16xi32>
    %select_n3A_45 = arith.select %eq3A_42, %broadcast_in_dim3A_44, %select_n3A_41 : vector<16xi1>, vector<16xi32>
    %eq3A_46 = arith.cmpf oeq, %get3A_13, %max3A_31 : vector<16xf32>
    %jit3A_47 = arith.constant 3 : i32
    %broadcast_in_dim3A_48 = vector.broadcast %jit3A_47 : i32 to vector<16xi32>
    %select_n3A_49 = arith.select %eq3A_46, %broadcast_in_dim3A_48, %select_n3A_45 : vector<16xi1>, vector<16xi32>
    %eq3A_50 = arith.cmpf oeq, %get3A_10, %max3A_31 : vector<16xf32>
    %jit3A_51 = arith.constant 2 : i32
    %broadcast_in_dim3A_52 = vector.broadcast %jit3A_51 : i32 to vector<16xi32>
    %select_n3A_53 = arith.select %eq3A_50, %broadcast_in_dim3A_52, %select_n3A_49 : vector<16xi1>, vector<16xi32>
    %eq3A_54 = arith.cmpf oeq, %get3A_7, %max3A_31 : vector<16xf32>
    %jit3A_55 = arith.constant 1 : i32
    %broadcast_in_dim3A_56 = vector.broadcast %jit3A_55 : i32 to vector<16xi32>
    %select_n3A_57 = arith.select %eq3A_54, %broadcast_in_dim3A_56, %select_n3A_53 : vector<16xi1>, vector<16xi32>
    %eq3A_58 = arith.cmpf oeq, %get3A_4, %max3A_31 : vector<16xf32>
    %jit3A_59 = arith.constant 0 : i32
    %broadcast_in_dim3A_60 = vector.broadcast %jit3A_59 : i32 to vector<16xi32>
    %select_n3A_61 = arith.select %eq3A_58, %broadcast_in_dim3A_60, %select_n3A_57 : vector<16xi1>, vector<16xi32>
    %eq3A_62 = arith.constant 0 : i32
    %eq3A_63 = vector.broadcast %eq3A_62 : i32 to vector<16xi32>
    %eq3A_64 = arith.cmpi eq, %select_n3A_61, %eq3A_63 : vector<16xi32>
    %jit3A_65 = arith.constant 0xFF800000 : f32
    %broadcast_in_dim3A_66 = vector.broadcast %jit3A_65 : f32 to vector<16xf32>
    %select_n3A_67 = arith.select %eq3A_64, %broadcast_in_dim3A_66, %get3A_4 : vector<16xi1>, vector<16xf32>
    %eq3A_68 = arith.constant 1 : i32
    %eq3A_69 = vector.broadcast %eq3A_68 : i32 to vector<16xi32>
    %eq3A_70 = arith.cmpi eq, %select_n3A_61, %eq3A_69 : vector<16xi32>
    %jit3A_71 = arith.constant 0xFF800000 : f32
    %broadcast_in_dim3A_72 = vector.broadcast %jit3A_71 : f32 to vector<16xf32>
    %select_n3A_73 = arith.select %eq3A_70, %broadcast_in_dim3A_72, %get3A_7 : vector<16xi1>, vector<16xf32>
    %max3A_74 = arith.maximumf %select_n3A_67, %select_n3A_73 : vector<16xf32>
    %eq3A_75 = arith.constant 2 : i32
    %eq3A_76 = vector.broadcast %eq3A_75 : i32 to vector<16xi32>
    %eq3A_77 = arith.cmpi eq, %select_n3A_61, %eq3A_76 : vector<16xi32>
    %jit3A_78 = arith.constant 0xFF800000 : f32
    %broadcast_in_dim3A_79 = vector.broadcast %jit3A_78 : f32 to vector<16xf32>
    %select_n3A_80 = arith.select %eq3A_77, %broadcast_in_dim3A_79, %get3A_10 : vector<16xi1>, vector<16xf32>
    %max3A_81 = arith.maximumf %max3A_74, %select_n3A_80 : vector<16xf32>
    %eq3A_82 = arith.constant 3 : i32
    %eq3A_83 = vector.broadcast %eq3A_82 : i32 to vector<16xi32>
    %eq3A_84 = arith.cmpi eq, %select_n3A_61, %eq3A_83 : vector<16xi32>
    %jit3A_85 = arith.constant 0xFF800000 : f32
    %broadcast_in_dim3A_86 = vector.broadcast %jit3A_85 : f32 to vector<16xf32>
    %select_n3A_87 = arith.select %eq3A_84, %broadcast_in_dim3A_86, %get3A_13 : vector<16xi1>, vector<16xf32>
    %max3A_88 = arith.maximumf %max3A_81, %select_n3A_87 : vector<16xf32>
    %eq3A_89 = arith.constant 4 : i32
    %eq3A_90 = vector.broadcast %eq3A_89 : i32 to vector<16xi32>
    %eq3A_91 = arith.cmpi eq, %select_n3A_61, %eq3A_90 : vector<16xi32>
    %jit3A_92 = arith.constant 0xFF800000 : f32
    %broadcast_in_dim3A_93 = vector.broadcast %jit3A_92 : f32 to vector<16xf32>
    %select_n3A_94 = arith.select %eq3A_91, %broadcast_in_dim3A_93, %get3A_16 : vector<16xi1>, vector<16xf32>
    %max3A_95 = arith.maximumf %max3A_88, %select_n3A_94 : vector<16xf32>
    %eq3A_96 = arith.constant 5 : i32
    %eq3A_97 = vector.broadcast %eq3A_96 : i32 to vector<16xi32>
    %eq3A_98 = arith.cmpi eq, %select_n3A_61, %eq3A_97 : vector<16xi32>
    %jit3A_99 = arith.constant 0xFF800000 : f32
    %broadcast_in_dim3A_100 = vector.broadcast %jit3A_99 : f32 to vector<16xf32>
    %select_n3A_101 = arith.select %eq3A_98, %broadcast_in_dim3A_100, %get3A_19 : vector<16xi1>, vector<16xf32>
    %max3A_102 = arith.maximumf %max3A_95, %select_n3A_101 : vector<16xf32>
    %eq3A_103 = arith.constant 6 : i32
    %eq3A_104 = vector.broadcast %eq3A_103 : i32 to vector<16xi32>
    %eq3A_105 = arith.cmpi eq, %select_n3A_61, %eq3A_104 : vector<16xi32>
    %jit3A_106 = arith.constant 0xFF800000 : f32
    %broadcast_in_dim3A_107 = vector.broadcast %jit3A_106 : f32 to vector<16xf32>
    %select_n3A_108 = arith.select %eq3A_105, %broadcast_in_dim3A_107, %get3A_22 : vector<16xi1>, vector<16xf32>
    %max3A_109 = arith.maximumf %max3A_102, %select_n3A_108 : vector<16xf32>
    %eq3A_110 = arith.constant 7 : i32
    %eq3A_111 = vector.broadcast %eq3A_110 : i32 to vector<16xi32>
    %eq3A_112 = arith.cmpi eq, %select_n3A_61, %eq3A_111 : vector<16xi32>
    %jit3A_113 = arith.constant 0xFF800000 : f32
    %broadcast_in_dim3A_114 = vector.broadcast %jit3A_113 : f32 to vector<16xf32>
    %select_n3A_115 = arith.select %eq3A_112, %broadcast_in_dim3A_114, %get3A_25 : vector<16xi1>, vector<16xf32>
    %max3A_116 = arith.maximumf %max3A_109, %select_n3A_115 : vector<16xf32>
    %eq3A_117 = arith.cmpf oeq, %get3A_25, %max3A_116 : vector<16xf32>
    %ne3A = arith.constant 7 : i32
    %ne3A_118 = vector.broadcast %ne3A : i32 to vector<16xi32>
    %ne3A_119 = arith.cmpi ne, %select_n3A_61, %ne3A_118 : vector<16xi32>
    %and3A = arith.andi %eq3A_117, %ne3A_119 : vector<16xi1>
    %jit3A_120 = arith.constant 7 : i32
    %jit3A_121 = arith.constant 8 : i32
    %broadcast_in_dim3A_122 = vector.broadcast %jit3A_120 : i32 to vector<16xi32>
    %broadcast_in_dim3A_123 = vector.broadcast %jit3A_121 : i32 to vector<16xi32>
    %select_n3A_124 = arith.select %and3A, %broadcast_in_dim3A_122, %broadcast_in_dim3A_123 : vector<16xi1>, vector<16xi32>
    %eq3A_125 = arith.cmpf oeq, %get3A_22, %max3A_116 : vector<16xf32>
    %ne3A_126 = arith.constant 6 : i32
    %ne3A_127 = vector.broadcast %ne3A_126 : i32 to vector<16xi32>
    %ne3A_128 = arith.cmpi ne, %select_n3A_61, %ne3A_127 : vector<16xi32>
    %and3A_129 = arith.andi %eq3A_125, %ne3A_128 : vector<16xi1>
    %jit3A_130 = arith.constant 6 : i32
    %broadcast_in_dim3A_131 = vector.broadcast %jit3A_130 : i32 to vector<16xi32>
    %select_n3A_132 = arith.select %and3A_129, %broadcast_in_dim3A_131, %select_n3A_124 : vector<16xi1>, vector<16xi32>
    %eq3A_133 = arith.cmpf oeq, %get3A_19, %max3A_116 : vector<16xf32>
    %ne3A_134 = arith.constant 5 : i32
    %ne3A_135 = vector.broadcast %ne3A_134 : i32 to vector<16xi32>
    %ne3A_136 = arith.cmpi ne, %select_n3A_61, %ne3A_135 : vector<16xi32>
    %and3A_137 = arith.andi %eq3A_133, %ne3A_136 : vector<16xi1>
    %jit3A_138 = arith.constant 5 : i32
    %broadcast_in_dim3A_139 = vector.broadcast %jit3A_138 : i32 to vector<16xi32>
    %select_n3A_140 = arith.select %and3A_137, %broadcast_in_dim3A_139, %select_n3A_132 : vector<16xi1>, vector<16xi32>
    %eq3A_141 = arith.cmpf oeq, %get3A_16, %max3A_116 : vector<16xf32>
    %ne3A_142 = arith.constant 4 : i32
    %ne3A_143 = vector.broadcast %ne3A_142 : i32 to vector<16xi32>
    %ne3A_144 = arith.cmpi ne, %select_n3A_61, %ne3A_143 : vector<16xi32>
    %and3A_145 = arith.andi %eq3A_141, %ne3A_144 : vector<16xi1>
    %jit3A_146 = arith.constant 4 : i32
    %broadcast_in_dim3A_147 = vector.broadcast %jit3A_146 : i32 to vector<16xi32>
    %select_n3A_148 = arith.select %and3A_145, %broadcast_in_dim3A_147, %select_n3A_140 : vector<16xi1>, vector<16xi32>
    %eq3A_149 = arith.cmpf oeq, %get3A_13, %max3A_116 : vector<16xf32>
    %ne3A_150 = arith.constant 3 : i32
    %ne3A_151 = vector.broadcast %ne3A_150 : i32 to vector<16xi32>
    %ne3A_152 = arith.cmpi ne, %select_n3A_61, %ne3A_151 : vector<16xi32>
    %and3A_153 = arith.andi %eq3A_149, %ne3A_152 : vector<16xi1>
    %jit3A_154 = arith.constant 3 : i32
    %broadcast_in_dim3A_155 = vector.broadcast %jit3A_154 : i32 to vector<16xi32>
    %select_n3A_156 = arith.select %and3A_153, %broadcast_in_dim3A_155, %select_n3A_148 : vector<16xi1>, vector<16xi32>
    %eq3A_157 = arith.cmpf oeq, %get3A_10, %max3A_116 : vector<16xf32>
    %ne3A_158 = arith.constant 2 : i32
    %ne3A_159 = vector.broadcast %ne3A_158 : i32 to vector<16xi32>
    %ne3A_160 = arith.cmpi ne, %select_n3A_61, %ne3A_159 : vector<16xi32>
    %and3A_161 = arith.andi %eq3A_157, %ne3A_160 : vector<16xi1>
    %jit3A_162 = arith.constant 2 : i32
    %broadcast_in_dim3A_163 = vector.broadcast %jit3A_162 : i32 to vector<16xi32>
    %select_n3A_164 = arith.select %and3A_161, %broadcast_in_dim3A_163, %select_n3A_156 : vector<16xi1>, vector<16xi32>
    %eq3A_165 = arith.cmpf oeq, %get3A_7, %max3A_116 : vector<16xf32>
    %ne3A_166 = arith.constant 1 : i32
    %ne3A_167 = vector.broadcast %ne3A_166 : i32 to vector<16xi32>
    %ne3A_168 = arith.cmpi ne, %select_n3A_61, %ne3A_167 : vector<16xi32>
    %and3A_169 = arith.andi %eq3A_165, %ne3A_168 : vector<16xi1>
    %jit3A_170 = arith.constant 1 : i32
    %broadcast_in_dim3A_171 = vector.broadcast %jit3A_170 : i32 to vector<16xi32>
    %select_n3A_172 = arith.select %and3A_169, %broadcast_in_dim3A_171, %select_n3A_164 : vector<16xi1>, vector<16xi32>
    %eq3A_173 = arith.cmpf oeq, %get3A_4, %max3A_116 : vector<16xf32>
    %ne3A_174 = arith.constant 0 : i32
    %ne3A_175 = vector.broadcast %ne3A_174 : i32 to vector<16xi32>
    %ne3A_176 = arith.cmpi ne, %select_n3A_61, %ne3A_175 : vector<16xi32>
    %and3A_177 = arith.andi %eq3A_173, %ne3A_176 : vector<16xi1>
    %jit3A_178 = arith.constant 0 : i32
    %broadcast_in_dim3A_179 = vector.broadcast %jit3A_178 : i32 to vector<16xi32>
    %select_n3A_180 = arith.select %and3A_177, %broadcast_in_dim3A_179, %select_n3A_172 : vector<16xi1>, vector<16xi32>
    %sub3A = arith.subf %max3A_116, %max3A_31 : vector<16xf32>
    %exp3A = math.exp %sub3A : vector<16xf32>
    %add3A_181 = arith.constant 1.000000e+00 : f32
    %add3A_182 = vector.broadcast %add3A_181 : f32 to vector<16xf32>
    %add3A_183 = arith.addf %add3A_182, %exp3A : vector<16xf32>
    %div3A = arith.constant 1.000000e+00 : f32
    %div3A_184 = vector.broadcast %div3A : f32 to vector<16xf32>
    %div3A_185 = arith.divf %div3A_184, %add3A_183 : vector<16xf32>
    %sub3A_186 = arith.constant 1.000000e+00 : f32
    %sub3A_187 = vector.broadcast %sub3A_186 : f32 to vector<16xf32>
    %sub3A_188 = arith.subf %sub3A_187, %div3A_185 : vector<16xf32>
    %eq3A_189 = arith.constant 0 : i32
    %eq3A_190 = vector.broadcast %eq3A_189 : i32 to vector<16xi32>
    %eq3A_191 = arith.cmpi eq, %select_n3A_61, %eq3A_190 : vector<16xi32>
    %jit3A_192 = arith.constant 0.000000e+00 : f32
    %broadcast_in_dim3A_193 = vector.broadcast %jit3A_192 : f32 to vector<16xf32>
    %select_n3A_194 = arith.select %eq3A_191, %div3A_185, %broadcast_in_dim3A_193 : vector<16xi1>, vector<16xf32>
    %eq3A_195 = arith.constant 0 : i32
    %eq3A_196 = vector.broadcast %eq3A_195 : i32 to vector<16xi32>
    %eq3A_197 = arith.cmpi eq, %select_n3A_180, %eq3A_196 : vector<16xi32>
    %jit3A_198 = arith.constant 0.000000e+00 : f32
    %broadcast_in_dim3A_199 = vector.broadcast %jit3A_198 : f32 to vector<16xf32>
    %select_n3A_200 = arith.select %eq3A_197, %sub3A_188, %broadcast_in_dim3A_199 : vector<16xi1>, vector<16xf32>
    %add3A_201 = arith.addf %select_n3A_194, %select_n3A_200 : vector<16xf32>
    %swap3A = arith.constant 0 : index
    %swap3A_202 = tpu.vector_load %arg5[%swap3A] {strides = array<i32>} : memref<512xf32, #tpu.memory_space<vmem>>, vector<16xf32>,
    %swap3A_203 = vector.shape_cast %swap3A_202 : vector<16xf32> to vector<16xf32>
    %swap3A_204 = vector.shape_cast %add3A_201 : vector<16xf32> to vector<16xf32>
    tpu.vector_store %arg5[%swap3A], %swap3A_204 {strides = array<i32>} : memref<512xf32, #tpu.memory_space<vmem>>, vector<16xf32>,
    %eq3A_205 = arith.constant 1 : i32
    %eq3A_206 = vector.broadcast %eq3A_205 : i32 to vector<16xi32>
    %eq3A_207 = arith.cmpi eq, %select_n3A_61, %eq3A_206 : vector<16xi32>
    %jit3A_208 = arith.constant 0.000000e+00 : f32
    %broadcast_in_dim3A_209 = vector.broadcast %jit3A_208 : f32 to vector<16xf32>
    %select_n3A_210 = arith.select %eq3A_207, %div3A_185, %broadcast_in_dim3A_209 : vector<16xi1>, vector<16xf32>
    %eq3A_211 = arith.constant 1 : i32
    %eq3A_212 = vector.broadcast %eq3A_211 : i32 to vector<16xi32>
    %eq3A_213 = arith.cmpi eq, %select_n3A_180, %eq3A_212 : vector<16xi32>
    %jit3A_214 = arith.constant 0.000000e+00 : f32
    %broadcast_in_dim3A_215 = vector.broadcast %jit3A_214 : f32 to vector<16xf32>
    %select_n3A_216 = arith.select %eq3A_213, %sub3A_188, %broadcast_in_dim3A_215 : vector<16xi1>, vector<16xf32>
    %add3A_217 = arith.addf %select_n3A_210, %select_n3A_216 : vector<16xf32>
    %swap3A_218 = arith.constant 64 : index
    %swap3A_219 = tpu.vector_load %arg5[%swap3A_218] {strides = array<i32>} : memref<512xf32, #tpu.memory_space<vmem>>, vector<16xf32>,
    %swap3A_220 = vector.shape_cast %swap3A_219 : vector<16xf32> to vector<16xf32>
    %swap3A_221 = vector.shape_cast %add3A_217 : vector<16xf32> to vector<16xf32>
    tpu.vector_store %arg5[%swap3A_218], %swap3A_221 {strides = array<i32>} : memref<512xf32, #tpu.memory_space<vmem>>, vector<16xf32>,
    %eq3A_222 = arith.constant 2 : i32
    %eq3A_223 = vector.broadcast %eq3A_222 : i32 to vector<16xi32>
    %eq3A_224 = arith.cmpi eq, %select_n3A_61, %eq3A_223 : vector<16xi32>
    %jit3A_225 = arith.constant 0.000000e+00 : f32
    %broadcast_in_dim3A_226 = vector.broadcast %jit3A_225 : f32 to vector<16xf32>
    %select_n3A_227 = arith.select %eq3A_224, %div3A_185, %broadcast_in_dim3A_226 : vector<16xi1>, vector<16xf32>
    %eq3A_228 = arith.constant 2 : i32
    %eq3A_229 = vector.broadcast %eq3A_228 : i32 to vector<16xi32>
    %eq3A_230 = arith.cmpi eq, %select_n3A_180, %eq3A_229 : vector<16xi32>
    %jit3A_231 = arith.constant 0.000000e+00 : f32
    %broadcast_in_dim3A_232 = vector.broadcast %jit3A_231 : f32 to vector<16xf32>
    %select_n3A_233 = arith.select %eq3A_230, %sub3A_188, %broadcast_in_dim3A_232 : vector<16xi1>, vector<16xf32>
    %add3A_234 = arith.addf %select_n3A_227, %select_n3A_233 : vector<16xf32>
    %swap3A_235 = arith.constant 128 : index
    %swap3A_236 = tpu.vector_load %arg5[%swap3A_235] {strides = array<i32>} : memref<512xf32, #tpu.memory_space<vmem>>, vector<16xf32>,
    %swap3A_237 = vector.shape_cast %swap3A_236 : vector<16xf32> to vector<16xf32>
    %swap3A_238 = vector.shape_cast %add3A_234 : vector<16xf32> to vector<16xf32>
    tpu.vector_store %arg5[%swap3A_235], %swap3A_238 {strides = array<i32>} : memref<512xf32, #tpu.memory_space<vmem>>, vector<16xf32>,
    %eq3A_239 = arith.constant 3 : i32
    %eq3A_240 = vector.broadcast %eq3A_239 : i32 to vector<16xi32>
    %eq3A_241 = arith.cmpi eq, %select_n3A_61, %eq3A_240 : vector<16xi32>
    %jit3A_242 = arith.constant 0.000000e+00 : f32
    %broadcast_in_dim3A_243 = vector.broadcast %jit3A_242 : f32 to vector<16xf32>
    %select_n3A_244 = arith.select %eq3A_241, %div3A_185, %broadcast_in_dim3A_243 : vector<16xi1>, vector<16xf32>
    %eq3A_245 = arith.constant 3 : i32
    %eq3A_246 = vector.broadcast %eq3A_245 : i32 to vector<16xi32>
    %eq3A_247 = arith.cmpi eq, %select_n3A_180, %eq3A_246 : vector<16xi32>
    %jit3A_248 = arith.constant 0.000000e+00 : f32
    %broadcast_in_dim3A_249 = vector.broadcast %jit3A_248 : f32 to vector<16xf32>
    %select_n3A_250 = arith.select %eq3A_247, %sub3A_188, %broadcast_in_dim3A_249 : vector<16xi1>, vector<16xf32>
    %add3A_251 = arith.addf %select_n3A_244, %select_n3A_250 : vector<16xf32>
    %swap3A_252 = arith.constant 192 : index
    %swap3A_253 = tpu.vector_load %arg5[%swap3A_252] {strides = array<i32>} : memref<512xf32, #tpu.memory_space<vmem>>, vector<16xf32>,
    %swap3A_254 = vector.shape_cast %swap3A_253 : vector<16xf32> to vector<16xf32>
    %swap3A_255 = vector.shape_cast %add3A_251 : vector<16xf32> to vector<16xf32>
    tpu.vector_store %arg5[%swap3A_252], %swap3A_255 {strides = array<i32>} : memref<512xf32, #tpu.memory_space<vmem>>, vector<16xf32>,
    %eq3A_256 = arith.constant 4 : i32
    %eq3A_257 = vector.broadcast %eq3A_256 : i32 to vector<16xi32>
    %eq3A_258 = arith.cmpi eq, %select_n3A_61, %eq3A_257 : vector<16xi32>
    %jit3A_259 = arith.constant 0.000000e+00 : f32
    %broadcast_in_dim3A_260 = vector.broadcast %jit3A_259 : f32 to vector<16xf32>
    %select_n3A_261 = arith.select %eq3A_258, %div3A_185, %broadcast_in_dim3A_260 : vector<16xi1>, vector<16xf32>
    %eq3A_262 = arith.constant 4 : i32
    %eq3A_263 = vector.broadcast %eq3A_262 : i32 to vector<16xi32>
    %eq3A_264 = arith.cmpi eq, %select_n3A_180, %eq3A_263 : vector<16xi32>
    %jit3A_265 = arith.constant 0.000000e+00 : f32
    %broadcast_in_dim3A_266 = vector.broadcast %jit3A_265 : f32 to vector<16xf32>
    %select_n3A_267 = arith.select %eq3A_264, %sub3A_188, %broadcast_in_dim3A_266 : vector<16xi1>, vector<16xf32>
    %add3A_268 = arith.addf %select_n3A_261, %select_n3A_267 : vector<16xf32>
    %swap3A_269 = arith.constant 256 : index
    %swap3A_270 = tpu.vector_load %arg5[%swap3A_269] {strides = array<i32>} : memref<512xf32, #tpu.memory_space<vmem>>, vector<16xf32>,
    %swap3A_271 = vector.shape_cast %swap3A_270 : vector<16xf32> to vector<16xf32>
    %swap3A_272 = vector.shape_cast %add3A_268 : vector<16xf32> to vector<16xf32>
    tpu.vector_store %arg5[%swap3A_269], %swap3A_272 {strides = array<i32>} : memref<512xf32, #tpu.memory_space<vmem>>, vector<16xf32>,
    %eq3A_273 = arith.constant 5 : i32
    %eq3A_274 = vector.broadcast %eq3A_273 : i32 to vector<16xi32>
    %eq3A_275 = arith.cmpi eq, %select_n3A_61, %eq3A_274 : vector<16xi32>
    %jit3A_276 = arith.constant 0.000000e+00 : f32
    %broadcast_in_dim3A_277 = vector.broadcast %jit3A_276 : f32 to vector<16xf32>
    %select_n3A_278 = arith.select %eq3A_275, %div3A_185, %broadcast_in_dim3A_277 : vector<16xi1>, vector<16xf32>
    %eq3A_279 = arith.constant 5 : i32
    %eq3A_280 = vector.broadcast %eq3A_279 : i32 to vector<16xi32>
    %eq3A_281 = arith.cmpi eq, %select_n3A_180, %eq3A_280 : vector<16xi32>
    %jit3A_282 = arith.constant 0.000000e+00 : f32
    %broadcast_in_dim3A_283 = vector.broadcast %jit3A_282 : f32 to vector<16xf32>
    %select_n3A_284 = arith.select %eq3A_281, %sub3A_188, %broadcast_in_dim3A_283 : vector<16xi1>, vector<16xf32>
    %add3A_285 = arith.addf %select_n3A_278, %select_n3A_284 : vector<16xf32>
    %swap3A_286 = arith.constant 320 : index
    %swap3A_287 = tpu.vector_load %arg5[%swap3A_286] {strides = array<i32>} : memref<512xf32, #tpu.memory_space<vmem>>, vector<16xf32>,
    %swap3A_288 = vector.shape_cast %swap3A_287 : vector<16xf32> to vector<16xf32>
    %swap3A_289 = vector.shape_cast %add3A_285 : vector<16xf32> to vector<16xf32>
    tpu.vector_store %arg5[%swap3A_286], %swap3A_289 {strides = array<i32>} : memref<512xf32, #tpu.memory_space<vmem>>, vector<16xf32>,
    %eq3A_290 = arith.constant 6 : i32
    %eq3A_291 = vector.broadcast %eq3A_290 : i32 to vector<16xi32>
    %eq3A_292 = arith.cmpi eq, %select_n3A_61, %eq3A_291 : vector<16xi32>
    %jit3A_293 = arith.constant 0.000000e+00 : f32
    %broadcast_in_dim3A_294 = vector.broadcast %jit3A_293 : f32 to vector<16xf32>
    %select_n3A_295 = arith.select %eq3A_292, %div3A_185, %broadcast_in_dim3A_294 : vector<16xi1>, vector<16xf32>
    %eq3A_296 = arith.constant 6 : i32
    %eq3A_297 = vector.broadcast %eq3A_296 : i32 to vector<16xi32>
    %eq3A_298 = arith.cmpi eq, %select_n3A_180, %eq3A_297 : vector<16xi32>
    %jit3A_299 = arith.constant 0.000000e+00 : f32
    %broadcast_in_dim3A_300 = vector.broadcast %jit3A_299 : f32 to vector<16xf32>
    %select_n3A_301 = arith.select %eq3A_298, %sub3A_188, %broadcast_in_dim3A_300 : vector<16xi1>, vector<16xf32>
    %add3A_302 = arith.addf %select_n3A_295, %select_n3A_301 : vector<16xf32>
    %swap3A_303 = arith.constant 384 : index
    %swap3A_304 = tpu.vector_load %arg5[%swap3A_303] {strides = array<i32>} : memref<512xf32, #tpu.memory_space<vmem>>, vector<16xf32>,
    %swap3A_305 = vector.shape_cast %swap3A_304 : vector<16xf32> to vector<16xf32>
    %swap3A_306 = vector.shape_cast %add3A_302 : vector<16xf32> to vector<16xf32>
    tpu.vector_store %arg5[%swap3A_303], %swap3A_306 {strides = array<i32>} : memref<512xf32, #tpu.memory_space<vmem>>, vector<16xf32>,
    %eq3A_307 = arith.constant 7 : i32
    %eq3A_308 = vector.broadcast %eq3A_307 : i32 to vector<16xi32>
    %eq3A_309 = arith.cmpi eq, %select_n3A_61, %eq3A_308 : vector<16xi32>
    %jit3A_310 = arith.constant 0.000000e+00 : f32
    %broadcast_in_dim3A_311 = vector.broadcast %jit3A_310 : f32 to vector<16xf32>
    %select_n3A_312 = arith.select %eq3A_309, %div3A_185, %broadcast_in_dim3A_311 : vector<16xi1>, vector<16xf32>
    %eq3A_313 = arith.constant 7 : i32
    %eq3A_314 = vector.broadcast %eq3A_313 : i32 to vector<16xi32>
    %eq3A_315 = arith.cmpi eq, %select_n3A_180, %eq3A_314 : vector<16xi32>
    %jit3A_316 = arith.constant 0.000000e+00 : f32
    %broadcast_in_dim3A_317 = vector.broadcast %jit3A_316 : f32 to vector<16xf32>
    %select_n3A_318 = arith.select %eq3A_315, %sub3A_188, %broadcast_in_dim3A_317 : vector<16xi1>, vector<16xf32>
    %add3A_319 = arith.addf %select_n3A_312, %select_n3A_318 : vector<16xf32>
    %swap3A_320 = arith.constant 448 : index
    %swap3A_321 = tpu.vector_load %arg5[%swap3A_320] {strides = array<i32>} : memref<512xf32, #tpu.memory_space<vmem>>, vector<16xf32>,
    %swap3A_322 = vector.shape_cast %swap3A_321 : vector<16xf32> to vector<16xf32>
    %swap3A_323 = vector.shape_cast %add3A_319 : vector<16xf32> to vector<16xf32>
    tpu.vector_store %arg5[%swap3A_320], %swap3A_323 {strides = array<i32>} : memref<512xf32, #tpu.memory_space<vmem>>, vector<16xf32>,
    %get3A_324 = arith.constant 16 : index
    %get3A_325 = tpu.vector_load %arg4[%get3A_324] {strides = array<i32>} : memref<512xf32, #tpu.memory_space<vmem>>, vector<16xf32>,
    %get3A_326 = vector.shape_cast %get3A_325 : vector<16xf32> to vector<16xf32>
    %get3A_327 = arith.constant 80 : index
    %get3A_328 = tpu.vector_load %arg4[%get3A_327] {strides = array<i32>} : memref<512xf32, #tpu.memory_space<vmem>>, vector<16xf32>,
    %get3A_329 = vector.shape_cast %get3A_328 : vector<16xf32> to vector<16xf32>
    %get3A_330 = arith.constant 144 : index
    %get3A_331 = tpu.vector_load %arg4[%get3A_330] {strides = array<i32>} : memref<512xf32, #tpu.memory_space<vmem>>, vector<16xf32>,
    %get3A_332 = vector.shape_cast %get3A_331 : vector<16xf32> to vector<16xf32>
    %get3A_333 = arith.constant 208 : index
    %get3A_334 = tpu.vector_load %arg4[%get3A_333] {strides = array<i32>} : memref<512xf32, #tpu.memory_space<vmem>>, vector<16xf32>,
    %get3A_335 = vector.shape_cast %get3A_334 : vector<16xf32> to vector<16xf32>
    %get3A_336 = arith.constant 272 : index
    %get3A_337 = tpu.vector_load %arg4[%get3A_336] {strides = array<i32>} : memref<512xf32, #tpu.memory_space<vmem>>, vector<16xf32>,
    %get3A_338 = vector.shape_cast %get3A_337 : vector<16xf32> to vector<16xf32>
    %get3A_339 = arith.constant 336 : index
    %get3A_340 = tpu.vector_load %arg4[%get3A_339] {strides = array<i32>} : memref<512xf32, #tpu.memory_space<vmem>>, vector<16xf32>,
    %get3A_341 = vector.shape_cast %get3A_340 : vector<16xf32> to vector<16xf32>
    %get3A_342 = arith.constant 400 : index
    %get3A_343 = tpu.vector_load %arg4[%get3A_342] {strides = array<i32>} : memref<512xf32, #tpu.memory_space<vmem>>, vector<16xf32>,
    %get3A_344 = vector.shape_cast %get3A_343 : vector<16xf32> to vector<16xf32>
    %get3A_345 = arith.constant 464 : index
    %get3A_346 = tpu.vector_load %arg4[%get3A_345] {strides = array<i32>} : memref<512xf32, #tpu.memory_space<vmem>>, vector<16xf32>,
    %get3A_347 = vector.shape_cast %get3A_346 : vector<16xf32> to vector<16xf32>
    %max3A_348 = arith.maximumf %get3A_326, %get3A_329 : vector<16xf32>
    %max3A_349 = arith.maximumf %max3A_348, %get3A_332 : vector<16xf32>
    %max3A_350 = arith.maximumf %max3A_349, %get3A_335 : vector<16xf32>
    %max3A_351 = arith.maximumf %max3A_350, %get3A_338 : vector<16xf32>
    %max3A_352 = arith.maximumf %max3A_351, %get3A_341 : vector<16xf32>
    %max3A_353 = arith.maximumf %max3A_352, %get3A_344 : vector<16xf32>
    %max3A_354 = arith.maximumf %max3A_353, %get3A_347 : vector<16xf32>
    %eq3A_355 = arith.cmpf oeq, %get3A_347, %max3A_354 : vector<16xf32>
    %jit3A_356 = arith.constant 7 : i32
    %jit3A_357 = arith.constant 8 : i32
    %broadcast_in_dim3A_358 = vector.broadcast %jit3A_356 : i32 to vector<16xi32>
    %broadcast_in_dim3A_359 = vector.broadcast %jit3A_357 : i32 to vector<16xi32>
    %select_n3A_360 = arith.select %eq3A_355, %broadcast_in_dim3A_358, %broadcast_in_dim3A_359 : vector<16xi1>, vector<16xi32>
    %eq3A_361 = arith.cmpf oeq, %get3A_344, %max3A_354 : vector<16xf32>
    %jit3A_362 = arith.constant 6 : i32
    %broadcast_in_dim3A_363 = vector.broadcast %jit3A_362 : i32 to vector<16xi32>
    %select_n3A_364 = arith.select %eq3A_361, %broadcast_in_dim3A_363, %select_n3A_360 : vector<16xi1>, vector<16xi32>
    %eq3A_365 = arith.cmpf oeq, %get3A_341, %max3A_354 : vector<16xf32>
    %jit3A_366 = arith.constant 5 : i32
    %broadcast_in_dim3A_367 = vector.broadcast %jit3A_366 : i32 to vector<16xi32>
    %select_n3A_368 = arith.select %eq3A_365, %broadcast_in_dim3A_367, %select_n3A_364 : vector<16xi1>, vector<16xi32>
    %eq3A_369 = arith.cmpf oeq, %get3A_338, %max3A_354 : vector<16xf32>
    %jit3A_370 = arith.constant 4 : i32
    %broadcast_in_dim3A_371 = vector.broadcast %jit3A_370 : i32 to vector<16xi32>
    %select_n3A_372 = arith.select %eq3A_369, %broadcast_in_dim3A_371, %select_n3A_368 : vector<16xi1>, vector<16xi32>
    %eq3A_373 = arith.cmpf oeq, %get3A_335, %max3A_354 : vector<16xf32>
    %jit3A_374 = arith.constant 3 : i32
    %broadcast_in_dim3A_375 = vector.broadcast %jit3A_374 : i32 to vector<16xi32>
    %select_n3A_376 = arith.select %eq3A_373, %broadcast_in_dim3A_375, %select_n3A_372 : vector<16xi1>, vector<16xi32>
    %eq3A_377 = arith.cmpf oeq, %get3A_332, %max3A_354 : vector<16xf32>
    %jit3A_378 = arith.constant 2 : i32
    %broadcast_in_dim3A_379 = vector.broadcast %jit3A_378 : i32 to vector<16xi32>
    %select_n3A_380 = arith.select %eq3A_377, %broadcast_in_dim3A_379, %select_n3A_376 : vector<16xi1>, vector<16xi32>
    %eq3A_381 = arith.cmpf oeq, %get3A_329, %max3A_354 : vector<16xf32>
    %jit3A_382 = arith.constant 1 : i32
    %broadcast_in_dim3A_383 = vector.broadcast %jit3A_382 : i32 to vector<16xi32>
    %select_n3A_384 = arith.select %eq3A_381, %broadcast_in_dim3A_383, %select_n3A_380 : vector<16xi1>, vector<16xi32>
    %eq3A_385 = arith.cmpf oeq, %get3A_326, %max3A_354 : vector<16xf32>
    %jit3A_386 = arith.constant 0 : i32
    %broadcast_in_dim3A_387 = vector.broadcast %jit3A_386 : i32 to vector<16xi32>
    %select_n3A_388 = arith.select %eq3A_385, %broadcast_in_dim3A_387, %select_n3A_384 : vector<16xi1>, vector<16xi32>
    %eq3A_389 = arith.constant 0 : i32
    %eq3A_390 = vector.broadcast %eq3A_389 : i32 to vector<16xi32>
    %eq3A_391 = arith.cmpi eq, %select_n3A_388, %eq3A_390 : vector<16xi32>
    %jit3A_392 = arith.constant 0xFF800000 : f32
    %broadcast_in_dim3A_393 = vector.broadcast %jit3A_392 : f32 to vector<16xf32>
    %select_n3A_394 = arith.select %eq3A_391, %broadcast_in_dim3A_393, %get3A_326 : vector<16xi1>, vector<16xf32>
    %eq3A_395 = arith.constant 1 : i32
    %eq3A_396 = vector.broadcast %eq3A_395 : i32 to vector<16xi32>
    %eq3A_397 = arith.cmpi eq, %select_n3A_388, %eq3A_396 : vector<16xi32>
    %jit3A_398 = arith.constant 0xFF800000 : f32
    %broadcast_in_dim3A_399 = vector.broadcast %jit3A_398 : f32 to vector<16xf32>
    %select_n3A_400 = arith.select %eq3A_397, %broadcast_in_dim3A_399, %get3A_329 : vector<16xi1>, vector<16xf32>
    %max3A_401 = arith.maximumf %select_n3A_394, %select_n3A_400 : vector<16xf32>
    %eq3A_402 = arith.constant 2 : i32
    %eq3A_403 = vector.broadcast %eq3A_402 : i32 to vector<16xi32>
    %eq3A_404 = arith.cmpi eq, %select_n3A_388, %eq3A_403 : vector<16xi32>
    %jit3A_405 = arith.constant 0xFF800000 : f32
    %broadcast_in_dim3A_406 = vector.broadcast %jit3A_405 : f32 to vector<16xf32>
    %select_n3A_407 = arith.select %eq3A_404, %broadcast_in_dim3A_406, %get3A_332 : vector<16xi1>, vector<16xf32>
    %max3A_408 = arith.maximumf %max3A_401, %select_n3A_407 : vector<16xf32>
    %eq3A_409 = arith.constant 3 : i32
    %eq3A_410 = vector.broadcast %eq3A_409 : i32 to vector<16xi32>
    %eq3A_411 = arith.cmpi eq, %select_n3A_388, %eq3A_410 : vector<16xi32>
    %jit3A_412 = arith.constant 0xFF800000 : f32
    %broadcast_in_dim3A_413 = vector.broadcast %jit3A_412 : f32 to vector<16xf32>
    %select_n3A_414 = arith.select %eq3A_411, %broadcast_in_dim3A_413, %get3A_335 : vector<16xi1>, vector<16xf32>
    %max3A_415 = arith.maximumf %max3A_408, %select_n3A_414 : vector<16xf32>
    %eq3A_416 = arith.constant 4 : i32
    %eq3A_417 = vector.broadcast %eq3A_416 : i32 to vector<16xi32>
    %eq3A_418 = arith.cmpi eq, %select_n3A_388, %eq3A_417 : vector<16xi32>
    %jit3A_419 = arith.constant 0xFF800000 : f32
    %broadcast_in_dim3A_420 = vector.broadcast %jit3A_419 : f32 to vector<16xf32>
    %select_n3A_421 = arith.select %eq3A_418, %broadcast_in_dim3A_420, %get3A_338 : vector<16xi1>, vector<16xf32>
    %max3A_422 = arith.maximumf %max3A_415, %select_n3A_421 : vector<16xf32>
    %eq3A_423 = arith.constant 5 : i32
    %eq3A_424 = vector.broadcast %eq3A_423 : i32 to vector<16xi32>
    %eq3A_425 = arith.cmpi eq, %select_n3A_388, %eq3A_424 : vector<16xi32>
    %jit3A_426 = arith.constant 0xFF800000 : f32
    %broadcast_in_dim3A_427 = vector.broadcast %jit3A_426 : f32 to vector<16xf32>
    %select_n3A_428 = arith.select %eq3A_425, %broadcast_in_dim3A_427, %get3A_341 : vector<16xi1>, vector<16xf32>
    %max3A_429 = arith.maximumf %max3A_422, %select_n3A_428 : vector<16xf32>
    %eq3A_430 = arith.constant 6 : i32
    %eq3A_431 = vector.broadcast %eq3A_430 : i32 to vector<16xi32>
    %eq3A_432 = arith.cmpi eq, %select_n3A_388, %eq3A_431 : vector<16xi32>
    %jit3A_433 = arith.constant 0xFF800000 : f32
    %broadcast_in_dim3A_434 = vector.broadcast %jit3A_433 : f32 to vector<16xf32>
    %select_n3A_435 = arith.select %eq3A_432, %broadcast_in_dim3A_434, %get3A_344 : vector<16xi1>, vector<16xf32>
    %max3A_436 = arith.maximumf %max3A_429, %select_n3A_435 : vector<16xf32>
    %eq3A_437 = arith.constant 7 : i32
    %eq3A_438 = vector.broadcast %eq3A_437 : i32 to vector<16xi32>
    %eq3A_439 = arith.cmpi eq, %select_n3A_388, %eq3A_438 : vector<16xi32>
    %jit3A_440 = arith.constant 0xFF800000 : f32
    %broadcast_in_dim3A_441 = vector.broadcast %jit3A_440 : f32 to vector<16xf32>
    %select_n3A_442 = arith.select %eq3A_439, %broadcast_in_dim3A_441, %get3A_347 : vector<16xi1>, vector<16xf32>
    %max3A_443 = arith.maximumf %max3A_436, %select_n3A_442 : vector<16xf32>
    %eq3A_444 = arith.cmpf oeq, %get3A_347, %max3A_443 : vector<16xf32>
    %ne3A_445 = arith.constant 7 : i32
    %ne3A_446 = vector.broadcast %ne3A_445 : i32 to vector<16xi32>
    %ne3A_447 = arith.cmpi ne, %select_n3A_388, %ne3A_446 : vector<16xi32>
    %and3A_448 = arith.andi %eq3A_444, %ne3A_447 : vector<16xi1>
    %jit3A_449 = arith.constant 7 : i32
    %jit3A_450 = arith.constant 8 : i32
    %broadcast_in_dim3A_451 = vector.broadcast %jit3A_449 : i32 to vector<16xi32>
    %broadcast_in_dim3A_452 = vector.broadcast %jit3A_450 : i32 to vector<16xi32>
    %select_n3A_453 = arith.select %and3A_448, %broadcast_in_dim3A_451, %broadcast_in_dim3A_452 : vector<16xi1>, vector<16xi32>
    %eq3A_454 = arith.cmpf oeq, %get3A_344, %max3A_443 : vector<16xf32>
    %ne3A_455 = arith.constant 6 : i32
    %ne3A_456 = vector.broadcast %ne3A_455 : i32 to vector<16xi32>
    %ne3A_457 = arith.cmpi ne, %select_n3A_388, %ne3A_456 : vector<16xi32>
    %and3A_458 = arith.andi %eq3A_454, %ne3A_457 : vector<16xi1>
    %jit3A_459 = arith.constant 6 : i32
    %broadcast_in_dim3A_460 = vector.broadcast %jit3A_459 : i32 to vector<16xi32>
    %select_n3A_461 = arith.select %and3A_458, %broadcast_in_dim3A_460, %select_n3A_453 : vector<16xi1>, vector<16xi32>
    %eq3A_462 = arith.cmpf oeq, %get3A_341, %max3A_443 : vector<16xf32>
    %ne3A_463 = arith.constant 5 : i32
    %ne3A_464 = vector.broadcast %ne3A_463 : i32 to vector<16xi32>
    %ne3A_465 = arith.cmpi ne, %select_n3A_388, %ne3A_464 : vector<16xi32>
    %and3A_466 = arith.andi %eq3A_462, %ne3A_465 : vector<16xi1>
    %jit3A_467 = arith.constant 5 : i32
    %broadcast_in_dim3A_468 = vector.broadcast %jit3A_467 : i32 to vector<16xi32>
    %select_n3A_469 = arith.select %and3A_466, %broadcast_in_dim3A_468, %select_n3A_461 : vector<16xi1>, vector<16xi32>
    %eq3A_470 = arith.cmpf oeq, %get3A_338, %max3A_443 : vector<16xf32>
    %ne3A_471 = arith.constant 4 : i32
    %ne3A_472 = vector.broadcast %ne3A_471 : i32 to vector<16xi32>
    %ne3A_473 = arith.cmpi ne, %select_n3A_388, %ne3A_472 : vector<16xi32>
    %and3A_474 = arith.andi %eq3A_470, %ne3A_473 : vector<16xi1>
    %jit3A_475 = arith.constant 4 : i32
    %broadcast_in_dim3A_476 = vector.broadcast %jit3A_475 : i32 to vector<16xi32>
    %select_n3A_477 = arith.select %and3A_474, %broadcast_in_dim3A_476, %select_n3A_469 : vector<16xi1>, vector<16xi32>
    %eq3A_478 = arith.cmpf oeq, %get3A_335, %max3A_443 : vector<16xf32>
    %ne3A_479 = arith.constant 3 : i32
    %ne3A_480 = vector.broadcast %ne3A_479 : i32 to vector<16xi32>
    %ne3A_481 = arith.cmpi ne, %select_n3A_388, %ne3A_480 : vector<16xi32>
    %and3A_482 = arith.andi %eq3A_478, %ne3A_481 : vector<16xi1>
    %jit3A_483 = arith.constant 3 : i32
    %broadcast_in_dim3A_484 = vector.broadcast %jit3A_483 : i32 to vector<16xi32>
    %select_n3A_485 = arith.select %and3A_482, %broadcast_in_dim3A_484, %select_n3A_477 : vector<16xi1>, vector<16xi32>
    %eq3A_486 = arith.cmpf oeq, %get3A_332, %max3A_443 : vector<16xf32>
    %ne3A_487 = arith.constant 2 : i32
    %ne3A_488 = vector.broadcast %ne3A_487 : i32 to vector<16xi32>
    %ne3A_489 = arith.cmpi ne, %select_n3A_388, %ne3A_488 : vector<16xi32>
    %and3A_490 = arith.andi %eq3A_486, %ne3A_489 : vector<16xi1>
    %jit3A_491 = arith.constant 2 : i32
    %broadcast_in_dim3A_492 = vector.broadcast %jit3A_491 : i32 to vector<16xi32>
    %select_n3A_493 = arith.select %and3A_490, %broadcast_in_dim3A_492, %select_n3A_485 : vector<16xi1>, vector<16xi32>
    %eq3A_494 = arith.cmpf oeq, %get3A_329, %max3A_443 : vector<16xf32>
    %ne3A_495 = arith.constant 1 : i32
    %ne3A_496 = vector.broadcast %ne3A_495 : i32 to vector<16xi32>
    %ne3A_497 = arith.cmpi ne, %select_n3A_388, %ne3A_496 : vector<16xi32>
    %and3A_498 = arith.andi %eq3A_494, %ne3A_497 : vector<16xi1>
    %jit3A_499 = arith.constant 1 : i32
    %broadcast_in_dim3A_500 = vector.broadcast %jit3A_499 : i32 to vector<16xi32>
    %select_n3A_501 = arith.select %and3A_498, %broadcast_in_dim3A_500, %select_n3A_493 : vector<16xi1>, vector<16xi32>
    %eq3A_502 = arith.cmpf oeq, %get3A_326, %max3A_443 : vector<16xf32>
    %ne3A_503 = arith.constant 0 : i32
    %ne3A_504 = vector.broadcast %ne3A_503 : i32 to vector<16xi32>
    %ne3A_505 = arith.cmpi ne, %select_n3A_388, %ne3A_504 : vector<16xi32>
    %and3A_506 = arith.andi %eq3A_502, %ne3A_505 : vector<16xi1>
    %jit3A_507 = arith.constant 0 : i32
    %broadcast_in_dim3A_508 = vector.broadcast %jit3A_507 : i32 to vector<16xi32>
    %select_n3A_509 = arith.select %and3A_506, %broadcast_in_dim3A_508, %select_n3A_501 : vector<16xi1>, vector<16xi32>
    %sub3A_510 = arith.subf %max3A_443, %max3A_354 : vector<16xf32>
    %exp3A_511 = math.exp %sub3A_510 : vector<16xf32>
    %add3A_512 = arith.constant 1.000000e+00 : f32
    %add3A_513 = vector.broadcast %add3A_512 : f32 to vector<16xf32>
    %add3A_514 = arith.addf %add3A_513, %exp3A_511 : vector<16xf32>
    %div3A_515 = arith.constant 1.000000e+00 : f32
    %div3A_516 = vector.broadcast %div3A_515 : f32 to vector<16xf32>
    %div3A_517 = arith.divf %div3A_516, %add3A_514 : vector<16xf32>
    %sub3A_518 = arith.constant 1.000000e+00 : f32
    %sub3A_519 = vector.broadcast %sub3A_518 : f32 to vector<16xf32>
    %sub3A_520 = arith.subf %sub3A_519, %div3A_517 : vector<16xf32>
    %eq3A_521 = arith.constant 0 : i32
    %eq3A_522 = vector.broadcast %eq3A_521 : i32 to vector<16xi32>
    %eq3A_523 = arith.cmpi eq, %select_n3A_388, %eq3A_522 : vector<16xi32>
    %jit3A_524 = arith.constant 0.000000e+00 : f32
    %broadcast_in_dim3A_525 = vector.broadcast %jit3A_524 : f32 to vector<16xf32>
    %select_n3A_526 = arith.select %eq3A_523, %div3A_517, %broadcast_in_dim3A_525 : vector<16xi1>, vector<16xf32>
    %eq3A_527 = arith.constant 0 : i32
    %eq3A_528 = vector.broadcast %eq3A_527 : i32 to vector<16xi32>
    %eq3A_529 = arith.cmpi eq, %select_n3A_509, %eq3A_528 : vector<16xi32>
    %jit3A_530 = arith.constant 0.000000e+00 : f32
    %broadcast_in_dim3A_531 = vector.broadcast %jit3A_530 : f32 to vector<16xf32>
    %select_n3A_532 = arith.select %eq3A_529, %sub3A_520, %broadcast_in_dim3A_531 : vector<16xi1>, vector<16xf32>
    %add3A_533 = arith.addf %select_n3A_526, %select_n3A_532 : vector<16xf32>
    %swap3A_534 = arith.constant 16 : index
    %swap3A_535 = tpu.vector_load %arg5[%swap3A_534] {strides = array<i32>} : memref<512xf32, #tpu.memory_space<vmem>>, vector<16xf32>,
    %swap3A_536 = vector.shape_cast %swap3A_535 : vector<16xf32> to vector<16xf32>
    %swap3A_537 = vector.shape_cast %add3A_533 : vector<16xf32> to vector<16xf32>
    tpu.vector_store %arg5[%swap3A_534], %swap3A_537 {strides = array<i32>} : memref<512xf32, #tpu.memory_space<vmem>>, vector<16xf32>,
    %eq3A_538 = arith.constant 1 : i32
    %eq3A_539 = vector.broadcast %eq3A_538 : i32 to vector<16xi32>
    %eq3A_540 = arith.cmpi eq, %select_n3A_388, %eq3A_539 : vector<16xi32>
    %jit3A_541 = arith.constant 0.000000e+00 : f32
    %broadcast_in_dim3A_542 = vector.broadcast %jit3A_541 : f32 to vector<16xf32>
    %select_n3A_543 = arith.select %eq3A_540, %div3A_517, %broadcast_in_dim3A_542 : vector<16xi1>, vector<16xf32>
    %eq3A_544 = arith.constant 1 : i32
    %eq3A_545 = vector.broadcast %eq3A_544 : i32 to vector<16xi32>
    %eq3A_546 = arith.cmpi eq, %select_n3A_509, %eq3A_545 : vector<16xi32>
    %jit3A_547 = arith.constant 0.000000e+00 : f32
    %broadcast_in_dim3A_548 = vector.broadcast %jit3A_547 : f32 to vector<16xf32>
    %select_n3A_549 = arith.select %eq3A_546, %sub3A_520, %broadcast_in_dim3A_548 : vector<16xi1>, vector<16xf32>
    %add3A_550 = arith.addf %select_n3A_543, %select_n3A_549 : vector<16xf32>
    %swap3A_551 = arith.constant 80 : index
    %swap3A_552 = tpu.vector_load %arg5[%swap3A_551] {strides = array<i32>} : memref<512xf32, #tpu.memory_space<vmem>>, vector<16xf32>,
    %swap3A_553 = vector.shape_cast %swap3A_552 : vector<16xf32> to vector<16xf32>
    %swap3A_554 = vector.shape_cast %add3A_550 : vector<16xf32> to vector<16xf32>
    tpu.vector_store %arg5[%swap3A_551], %swap3A_554 {strides = array<i32>} : memref<512xf32, #tpu.memory_space<vmem>>, vector<16xf32>,
    %eq3A_555 = arith.constant 2 : i32
    %eq3A_556 = vector.broadcast %eq3A_555 : i32 to vector<16xi32>
    %eq3A_557 = arith.cmpi eq, %select_n3A_388, %eq3A_556 : vector<16xi32>
    %jit3A_558 = arith.constant 0.000000e+00 : f32
    %broadcast_in_dim3A_559 = vector.broadcast %jit3A_558 : f32 to vector<16xf32>
    %select_n3A_560 = arith.select %eq3A_557, %div3A_517, %broadcast_in_dim3A_559 : vector<16xi1>, vector<16xf32>
    %eq3A_561 = arith.constant 2 : i32
    %eq3A_562 = vector.broadcast %eq3A_561 : i32 to vector<16xi32>
    %eq3A_563 = arith.cmpi eq, %select_n3A_509, %eq3A_562 : vector<16xi32>
    %jit3A_564 = arith.constant 0.000000e+00 : f32
    %broadcast_in_dim3A_565 = vector.broadcast %jit3A_564 : f32 to vector<16xf32>
    %select_n3A_566 = arith.select %eq3A_563, %sub3A_520, %broadcast_in_dim3A_565 : vector<16xi1>, vector<16xf32>
    %add3A_567 = arith.addf %select_n3A_560, %select_n3A_566 : vector<16xf32>
    %swap3A_568 = arith.constant 144 : index
    %swap3A_569 = tpu.vector_load %arg5[%swap3A_568] {strides = array<i32>} : memref<512xf32, #tpu.memory_space<vmem>>, vector<16xf32>,
    %swap3A_570 = vector.shape_cast %swap3A_569 : vector<16xf32> to vector<16xf32>
    %swap3A_571 = vector.shape_cast %add3A_567 : vector<16xf32> to vector<16xf32>
    tpu.vector_store %arg5[%swap3A_568], %swap3A_571 {strides = array<i32>} : memref<512xf32, #tpu.memory_space<vmem>>, vector<16xf32>,
    %eq3A_572 = arith.constant 3 : i32
    %eq3A_573 = vector.broadcast %eq3A_572 : i32 to vector<16xi32>
    %eq3A_574 = arith.cmpi eq, %select_n3A_388, %eq3A_573 : vector<16xi32>
    %jit3A_575 = arith.constant 0.000000e+00 : f32
    %broadcast_in_dim3A_576 = vector.broadcast %jit3A_575 : f32 to vector<16xf32>
    %select_n3A_577 = arith.select %eq3A_574, %div3A_517, %broadcast_in_dim3A_576 : vector<16xi1>, vector<16xf32>
    %eq3A_578 = arith.constant 3 : i32
    %eq3A_579 = vector.broadcast %eq3A_578 : i32 to vector<16xi32>
    %eq3A_580 = arith.cmpi eq, %select_n3A_509, %eq3A_579 : vector<16xi32>
    %jit3A_581 = arith.constant 0.000000e+00 : f32
    %broadcast_in_dim3A_582 = vector.broadcast %jit3A_581 : f32 to vector<16xf32>
    %select_n3A_583 = arith.select %eq3A_580, %sub3A_520, %broadcast_in_dim3A_582 : vector<16xi1>, vector<16xf32>
    %add3A_584 = arith.addf %select_n3A_577, %select_n3A_583 : vector<16xf32>
    %swap3A_585 = arith.constant 208 : index
    %swap3A_586 = tpu.vector_load %arg5[%swap3A_585] {strides = array<i32>} : memref<512xf32, #tpu.memory_space<vmem>>, vector<16xf32>,
    %swap3A_587 = vector.shape_cast %swap3A_586 : vector<16xf32> to vector<16xf32>
    %swap3A_588 = vector.shape_cast %add3A_584 : vector<16xf32> to vector<16xf32>
    tpu.vector_store %arg5[%swap3A_585], %swap3A_588 {strides = array<i32>} : memref<512xf32, #tpu.memory_space<vmem>>, vector<16xf32>,
    %eq3A_589 = arith.constant 4 : i32
    %eq3A_590 = vector.broadcast %eq3A_589 : i32 to vector<16xi32>
    %eq3A_591 = arith.cmpi eq, %select_n3A_388, %eq3A_590 : vector<16xi32>
    %jit3A_592 = arith.constant 0.000000e+00 : f32
    %broadcast_in_dim3A_593 = vector.broadcast %jit3A_592 : f32 to vector<16xf32>
    %select_n3A_594 = arith.select %eq3A_591, %div3A_517, %broadcast_in_dim3A_593 : vector<16xi1>, vector<16xf32>
    %eq3A_595 = arith.constant 4 : i32
    %eq3A_596 = vector.broadcast %eq3A_595 : i32 to vector<16xi32>
    %eq3A_597 = arith.cmpi eq, %select_n3A_509, %eq3A_596 : vector<16xi32>
    %jit3A_598 = arith.constant 0.000000e+00 : f32
    %broadcast_in_dim3A_599 = vector.broadcast %jit3A_598 : f32 to vector<16xf32>
    %select_n3A_600 = arith.select %eq3A_597, %sub3A_520, %broadcast_in_dim3A_599 : vector<16xi1>, vector<16xf32>
    %add3A_601 = arith.addf %select_n3A_594, %select_n3A_600 : vector<16xf32>
    %swap3A_602 = arith.constant 272 : index
    %swap3A_603 = tpu.vector_load %arg5[%swap3A_602] {strides = array<i32>} : memref<512xf32, #tpu.memory_space<vmem>>, vector<16xf32>,
    %swap3A_604 = vector.shape_cast %swap3A_603 : vector<16xf32> to vector<16xf32>
    %swap3A_605 = vector.shape_cast %add3A_601 : vector<16xf32> to vector<16xf32>
    tpu.vector_store %arg5[%swap3A_602], %swap3A_605 {strides = array<i32>} : memref<512xf32, #tpu.memory_space<vmem>>, vector<16xf32>,
    %eq3A_606 = arith.constant 5 : i32
    %eq3A_607 = vector.broadcast %eq3A_606 : i32 to vector<16xi32>
    %eq3A_608 = arith.cmpi eq, %select_n3A_388, %eq3A_607 : vector<16xi32>
    %jit3A_609 = arith.constant 0.000000e+00 : f32
    %broadcast_in_dim3A_610 = vector.broadcast %jit3A_609 : f32 to vector<16xf32>
    %select_n3A_611 = arith.select %eq3A_608, %div3A_517, %broadcast_in_dim3A_610 : vector<16xi1>, vector<16xf32>
    %eq3A_612 = arith.constant 5 : i32
    %eq3A_613 = vector.broadcast %eq3A_612 : i32 to vector<16xi32>
    %eq3A_614 = arith.cmpi eq, %select_n3A_509, %eq3A_613 : vector<16xi32>
    %jit3A_615 = arith.constant 0.000000e+00 : f32
    %broadcast_in_dim3A_616 = vector.broadcast %jit3A_615 : f32 to vector<16xf32>
    %select_n3A_617 = arith.select %eq3A_614, %sub3A_520, %broadcast_in_dim3A_616 : vector<16xi1>, vector<16xf32>
    %add3A_618 = arith.addf %select_n3A_611, %select_n3A_617 : vector<16xf32>
    %swap3A_619 = arith.constant 336 : index
    %swap3A_620 = tpu.vector_load %arg5[%swap3A_619] {strides = array<i32>} : memref<512xf32, #tpu.memory_space<vmem>>, vector<16xf32>,
    %swap3A_621 = vector.shape_cast %swap3A_620 : vector<16xf32> to vector<16xf32>
    %swap3A_622 = vector.shape_cast %add3A_618 : vector<16xf32> to vector<16xf32>
    tpu.vector_store %arg5[%swap3A_619], %swap3A_622 {strides = array<i32>} : memref<512xf32, #tpu.memory_space<vmem>>, vector<16xf32>,
    %eq3A_623 = arith.constant 6 : i32
    %eq3A_624 = vector.broadcast %eq3A_623 : i32 to vector<16xi32>
    %eq3A_625 = arith.cmpi eq, %select_n3A_388, %eq3A_624 : vector<16xi32>
    %jit3A_626 = arith.constant 0.000000e+00 : f32
    %broadcast_in_dim3A_627 = vector.broadcast %jit3A_626 : f32 to vector<16xf32>
    %select_n3A_628 = arith.select %eq3A_625, %div3A_517, %broadcast_in_dim3A_627 : vector<16xi1>, vector<16xf32>
    %eq3A_629 = arith.constant 6 : i32
    %eq3A_630 = vector.broadcast %eq3A_629 : i32 to vector<16xi32>
    %eq3A_631 = arith.cmpi eq, %select_n3A_509, %eq3A_630 : vector<16xi32>
    %jit3A_632 = arith.constant 0.000000e+00 : f32
    %broadcast_in_dim3A_633 = vector.broadcast %jit3A_632 : f32 to vector<16xf32>
    %select_n3A_634 = arith.select %eq3A_631, %sub3A_520, %broadcast_in_dim3A_633 : vector<16xi1>, vector<16xf32>
    %add3A_635 = arith.addf %select_n3A_628, %select_n3A_634 : vector<16xf32>
    %swap3A_636 = arith.constant 400 : index
    %swap3A_637 = tpu.vector_load %arg5[%swap3A_636] {strides = array<i32>} : memref<512xf32, #tpu.memory_space<vmem>>, vector<16xf32>,
    %swap3A_638 = vector.shape_cast %swap3A_637 : vector<16xf32> to vector<16xf32>
    %swap3A_639 = vector.shape_cast %add3A_635 : vector<16xf32> to vector<16xf32>
    tpu.vector_store %arg5[%swap3A_636], %swap3A_639 {strides = array<i32>} : memref<512xf32, #tpu.memory_space<vmem>>, vector<16xf32>,
    %eq3A_640 = arith.constant 7 : i32
    %eq3A_641 = vector.broadcast %eq3A_640 : i32 to vector<16xi32>
    %eq3A_642 = arith.cmpi eq, %select_n3A_388, %eq3A_641 : vector<16xi32>
    %jit3A_643 = arith.constant 0.000000e+00 : f32
    %broadcast_in_dim3A_644 = vector.broadcast %jit3A_643 : f32 to vector<16xf32>
    %select_n3A_645 = arith.select %eq3A_642, %div3A_517, %broadcast_in_dim3A_644 : vector<16xi1>, vector<16xf32>
    %eq3A_646 = arith.constant 7 : i32
    %eq3A_647 = vector.broadcast %eq3A_646 : i32 to vector<16xi32>
    %eq3A_648 = arith.cmpi eq, %select_n3A_509, %eq3A_647 : vector<16xi32>
    %jit3A_649 = arith.constant 0.000000e+00 : f32
    %broadcast_in_dim3A_650 = vector.broadcast %jit3A_649 : f32 to vector<16xf32>
    %select_n3A_651 = arith.select %eq3A_648, %sub3A_520, %broadcast_in_dim3A_650 : vector<16xi1>, vector<16xf32>
    %add3A_652 = arith.addf %select_n3A_645, %select_n3A_651 : vector<16xf32>
    %swap3A_653 = arith.constant 464 : index
    %swap3A_654 = tpu.vector_load %arg5[%swap3A_653] {strides = array<i32>} : memref<512xf32, #tpu.memory_space<vmem>>, vector<16xf32>,
    %swap3A_655 = vector.shape_cast %swap3A_654 : vector<16xf32> to vector<16xf32>
    %swap3A_656 = vector.shape_cast %add3A_652 : vector<16xf32> to vector<16xf32>
    tpu.vector_store %arg5[%swap3A_653], %swap3A_656 {strides = array<i32>} : memref<512xf32, #tpu.memory_space<vmem>>, vector<16xf32>,
    %get3A_657 = arith.constant 32 : index
    %get3A_658 = tpu.vector_load %arg4[%get3A_657] {strides = array<i32>} : memref<512xf32, #tpu.memory_space<vmem>>, vector<16xf32>,
    %get3A_659 = vector.shape_cast %get3A_658 : vector<16xf32> to vector<16xf32>
    %get3A_660 = arith.constant 96 : index
    %get3A_661 = tpu.vector_load %arg4[%get3A_660] {strides = array<i32>} : memref<512xf32, #tpu.memory_space<vmem>>, vector<16xf32>,
    %get3A_662 = vector.shape_cast %get3A_661 : vector<16xf32> to vector<16xf32>
    %get3A_663 = arith.constant 160 : index
    %get3A_664 = tpu.vector_load %arg4[%get3A_663] {strides = array<i32>} : memref<512xf32, #tpu.memory_space<vmem>>, vector<16xf32>,
    %get3A_665 = vector.shape_cast %get3A_664 : vector<16xf32> to vector<16xf32>
    %get3A_666 = arith.constant 224 : index
    %get3A_667 = tpu.vector_load %arg4[%get3A_666] {strides = array<i32>} : memref<512xf32, #tpu.memory_space<vmem>>, vector<16xf32>,
    %get3A_668 = vector.shape_cast %get3A_667 : vector<16xf32> to vector<16xf32>
    %get3A_669 = arith.constant 288 : index
    %get3A_670 = tpu.vector_load %arg4[%get3A_669] {strides = array<i32>} : memref<512xf32, #tpu.memory_space<vmem>>, vector<16xf32>,
    %get3A_671 = vector.shape_cast %get3A_670 : vector<16xf32> to vector<16xf32>
    %get3A_672 = arith.constant 352 : index
    %get3A_673 = tpu.vector_load %arg4[%get3A_672] {strides = array<i32>} : memref<512xf32, #tpu.memory_space<vmem>>, vector<16xf32>,
    %get3A_674 = vector.shape_cast %get3A_673 : vector<16xf32> to vector<16xf32>
    %get3A_675 = arith.constant 416 : index
    %get3A_676 = tpu.vector_load %arg4[%get3A_675] {strides = array<i32>} : memref<512xf32, #tpu.memory_space<vmem>>, vector<16xf32>,
    %get3A_677 = vector.shape_cast %get3A_676 : vector<16xf32> to vector<16xf32>
    %get3A_678 = arith.constant 480 : index
    %get3A_679 = tpu.vector_load %arg4[%get3A_678] {strides = array<i32>} : memref<512xf32, #tpu.memory_space<vmem>>, vector<16xf32>,
    %get3A_680 = vector.shape_cast %get3A_679 : vector<16xf32> to vector<16xf32>
    %max3A_681 = arith.maximumf %get3A_659, %get3A_662 : vector<16xf32>
    %max3A_682 = arith.maximumf %max3A_681, %get3A_665 : vector<16xf32>
    %max3A_683 = arith.maximumf %max3A_682, %get3A_668 : vector<16xf32>
    %max3A_684 = arith.maximumf %max3A_683, %get3A_671 : vector<16xf32>
    %max3A_685 = arith.maximumf %max3A_684, %get3A_674 : vector<16xf32>
    %max3A_686 = arith.maximumf %max3A_685, %get3A_677 : vector<16xf32>
    %max3A_687 = arith.maximumf %max3A_686, %get3A_680 : vector<16xf32>
    %eq3A_688 = arith.cmpf oeq, %get3A_680, %max3A_687 : vector<16xf32>
    %jit3A_689 = arith.constant 7 : i32
    %jit3A_690 = arith.constant 8 : i32
    %broadcast_in_dim3A_691 = vector.broadcast %jit3A_689 : i32 to vector<16xi32>
    %broadcast_in_dim3A_692 = vector.broadcast %jit3A_690 : i32 to vector<16xi32>
    %select_n3A_693 = arith.select %eq3A_688, %broadcast_in_dim3A_691, %broadcast_in_dim3A_692 : vector<16xi1>, vector<16xi32>
    %eq3A_694 = arith.cmpf oeq, %get3A_677, %max3A_687 : vector<16xf32>
    %jit3A_695 = arith.constant 6 : i32
    %broadcast_in_dim3A_696 = vector.broadcast %jit3A_695 : i32 to vector<16xi32>
    %select_n3A_697 = arith.select %eq3A_694, %broadcast_in_dim3A_696, %select_n3A_693 : vector<16xi1>, vector<16xi32>
    %eq3A_698 = arith.cmpf oeq, %get3A_674, %max3A_687 : vector<16xf32>
    %jit3A_699 = arith.constant 5 : i32
    %broadcast_in_dim3A_700 = vector.broadcast %jit3A_699 : i32 to vector<16xi32>
    %select_n3A_701 = arith.select %eq3A_698, %broadcast_in_dim3A_700, %select_n3A_697 : vector<16xi1>, vector<16xi32>
    %eq3A_702 = arith.cmpf oeq, %get3A_671, %max3A_687 : vector<16xf32>
    %jit3A_703 = arith.constant 4 : i32
    %broadcast_in_dim3A_704 = vector.broadcast %jit3A_703 : i32 to vector<16xi32>
    %select_n3A_705 = arith.select %eq3A_702, %broadcast_in_dim3A_704, %select_n3A_701 : vector<16xi1>, vector<16xi32>
    %eq3A_706 = arith.cmpf oeq, %get3A_668, %max3A_687 : vector<16xf32>
    %jit3A_707 = arith.constant 3 : i32
    %broadcast_in_dim3A_708 = vector.broadcast %jit3A_707 : i32 to vector<16xi32>
    %select_n3A_709 = arith.select %eq3A_706, %broadcast_in_dim3A_708, %select_n3A_705 : vector<16xi1>, vector<16xi32>
    %eq3A_710 = arith.cmpf oeq, %get3A_665, %max3A_687 : vector<16xf32>
    %jit3A_711 = arith.constant 2 : i32
    %broadcast_in_dim3A_712 = vector.broadcast %jit3A_711 : i32 to vector<16xi32>
    %select_n3A_713 = arith.select %eq3A_710, %broadcast_in_dim3A_712, %select_n3A_709 : vector<16xi1>, vector<16xi32>
    %eq3A_714 = arith.cmpf oeq, %get3A_662, %max3A_687 : vector<16xf32>
    %jit3A_715 = arith.constant 1 : i32
    %broadcast_in_dim3A_716 = vector.broadcast %jit3A_715 : i32 to vector<16xi32>
    %select_n3A_717 = arith.select %eq3A_714, %broadcast_in_dim3A_716, %select_n3A_713 : vector<16xi1>, vector<16xi32>
    %eq3A_718 = arith.cmpf oeq, %get3A_659, %max3A_687 : vector<16xf32>
    %jit3A_719 = arith.constant 0 : i32
    %broadcast_in_dim3A_720 = vector.broadcast %jit3A_719 : i32 to vector<16xi32>
    %select_n3A_721 = arith.select %eq3A_718, %broadcast_in_dim3A_720, %select_n3A_717 : vector<16xi1>, vector<16xi32>
    %eq3A_722 = arith.constant 0 : i32
    %eq3A_723 = vector.broadcast %eq3A_722 : i32 to vector<16xi32>
    %eq3A_724 = arith.cmpi eq, %select_n3A_721, %eq3A_723 : vector<16xi32>
    %jit3A_725 = arith.constant 0xFF800000 : f32
    %broadcast_in_dim3A_726 = vector.broadcast %jit3A_725 : f32 to vector<16xf32>
    %select_n3A_727 = arith.select %eq3A_724, %broadcast_in_dim3A_726, %get3A_659 : vector<16xi1>, vector<16xf32>
    %eq3A_728 = arith.constant 1 : i32
    %eq3A_729 = vector.broadcast %eq3A_728 : i32 to vector<16xi32>
    %eq3A_730 = arith.cmpi eq, %select_n3A_721, %eq3A_729 : vector<16xi32>
    %jit3A_731 = arith.constant 0xFF800000 : f32
    %broadcast_in_dim3A_732 = vector.broadcast %jit3A_731 : f32 to vector<16xf32>
    %select_n3A_733 = arith.select %eq3A_730, %broadcast_in_dim3A_732, %get3A_662 : vector<16xi1>, vector<16xf32>
    %max3A_734 = arith.maximumf %select_n3A_727, %select_n3A_733 : vector<16xf32>
    %eq3A_735 = arith.constant 2 : i32
    %eq3A_736 = vector.broadcast %eq3A_735 : i32 to vector<16xi32>
    %eq3A_737 = arith.cmpi eq, %select_n3A_721, %eq3A_736 : vector<16xi32>
    %jit3A_738 = arith.constant 0xFF800000 : f32
    %broadcast_in_dim3A_739 = vector.broadcast %jit3A_738 : f32 to vector<16xf32>
    %select_n3A_740 = arith.select %eq3A_737, %broadcast_in_dim3A_739, %get3A_665 : vector<16xi1>, vector<16xf32>
    %max3A_741 = arith.maximumf %max3A_734, %select_n3A_740 : vector<16xf32>
    %eq3A_742 = arith.constant 3 : i32
    %eq3A_743 = vector.broadcast %eq3A_742 : i32 to vector<16xi32>
    %eq3A_744 = arith.cmpi eq, %select_n3A_721, %eq3A_743 : vector<16xi32>
    %jit3A_745 = arith.constant 0xFF800000 : f32
    %broadcast_in_dim3A_746 = vector.broadcast %jit3A_745 : f32 to vector<16xf32>
    %select_n3A_747 = arith.select %eq3A_744, %broadcast_in_dim3A_746, %get3A_668 : vector<16xi1>, vector<16xf32>
    %max3A_748 = arith.maximumf %max3A_741, %select_n3A_747 : vector<16xf32>
    %eq3A_749 = arith.constant 4 : i32
    %eq3A_750 = vector.broadcast %eq3A_749 : i32 to vector<16xi32>
    %eq3A_751 = arith.cmpi eq, %select_n3A_721, %eq3A_750 : vector<16xi32>
    %jit3A_752 = arith.constant 0xFF800000 : f32
    %broadcast_in_dim3A_753 = vector.broadcast %jit3A_752 : f32 to vector<16xf32>
    %select_n3A_754 = arith.select %eq3A_751, %broadcast_in_dim3A_753, %get3A_671 : vector<16xi1>, vector<16xf32>
    %max3A_755 = arith.maximumf %max3A_748, %select_n3A_754 : vector<16xf32>
    %eq3A_756 = arith.constant 5 : i32
    %eq3A_757 = vector.broadcast %eq3A_756 : i32 to vector<16xi32>
    %eq3A_758 = arith.cmpi eq, %select_n3A_721, %eq3A_757 : vector<16xi32>
    %jit3A_759 = arith.constant 0xFF800000 : f32
    %broadcast_in_dim3A_760 = vector.broadcast %jit3A_759 : f32 to vector<16xf32>
    %select_n3A_761 = arith.select %eq3A_758, %broadcast_in_dim3A_760, %get3A_674 : vector<16xi1>, vector<16xf32>
    %max3A_762 = arith.maximumf %max3A_755, %select_n3A_761 : vector<16xf32>
    %eq3A_763 = arith.constant 6 : i32
    %eq3A_764 = vector.broadcast %eq3A_763 : i32 to vector<16xi32>
    %eq3A_765 = arith.cmpi eq, %select_n3A_721, %eq3A_764 : vector<16xi32>
    %jit3A_766 = arith.constant 0xFF800000 : f32
    %broadcast_in_dim3A_767 = vector.broadcast %jit3A_766 : f32 to vector<16xf32>
    %select_n3A_768 = arith.select %eq3A_765, %broadcast_in_dim3A_767, %get3A_677 : vector<16xi1>, vector<16xf32>
    %max3A_769 = arith.maximumf %max3A_762, %select_n3A_768 : vector<16xf32>
    %eq3A_770 = arith.constant 7 : i32
    %eq3A_771 = vector.broadcast %eq3A_770 : i32 to vector<16xi32>
    %eq3A_772 = arith.cmpi eq, %select_n3A_721, %eq3A_771 : vector<16xi32>
    %jit3A_773 = arith.constant 0xFF800000 : f32
    %broadcast_in_dim3A_774 = vector.broadcast %jit3A_773 : f32 to vector<16xf32>
    %select_n3A_775 = arith.select %eq3A_772, %broadcast_in_dim3A_774, %get3A_680 : vector<16xi1>, vector<16xf32>
    %max3A_776 = arith.maximumf %max3A_769, %select_n3A_775 : vector<16xf32>
    %eq3A_777 = arith.cmpf oeq, %get3A_680, %max3A_776 : vector<16xf32>
    %ne3A_778 = arith.constant 7 : i32
    %ne3A_779 = vector.broadcast %ne3A_778 : i32 to vector<16xi32>
    %ne3A_780 = arith.cmpi ne, %select_n3A_721, %ne3A_779 : vector<16xi32>
    %and3A_781 = arith.andi %eq3A_777, %ne3A_780 : vector<16xi1>
    %jit3A_782 = arith.constant 7 : i32
    %jit3A_783 = arith.constant 8 : i32
    %broadcast_in_dim3A_784 = vector.broadcast %jit3A_782 : i32 to vector<16xi32>
    %broadcast_in_dim3A_785 = vector.broadcast %jit3A_783 : i32 to vector<16xi32>
    %select_n3A_786 = arith.select %and3A_781, %broadcast_in_dim3A_784, %broadcast_in_dim3A_785 : vector<16xi1>, vector<16xi32>
    %eq3A_787 = arith.cmpf oeq, %get3A_677, %max3A_776 : vector<16xf32>
    %ne3A_788 = arith.constant 6 : i32
    %ne3A_789 = vector.broadcast %ne3A_788 : i32 to vector<16xi32>
    %ne3A_790 = arith.cmpi ne, %select_n3A_721, %ne3A_789 : vector<16xi32>
    %and3A_791 = arith.andi %eq3A_787, %ne3A_790 : vector<16xi1>
    %jit3A_792 = arith.constant 6 : i32
    %broadcast_in_dim3A_793 = vector.broadcast %jit3A_792 : i32 to vector<16xi32>
    %select_n3A_794 = arith.select %and3A_791, %broadcast_in_dim3A_793, %select_n3A_786 : vector<16xi1>, vector<16xi32>
    %eq3A_795 = arith.cmpf oeq, %get3A_674, %max3A_776 : vector<16xf32>
    %ne3A_796 = arith.constant 5 : i32
    %ne3A_797 = vector.broadcast %ne3A_796 : i32 to vector<16xi32>
    %ne3A_798 = arith.cmpi ne, %select_n3A_721, %ne3A_797 : vector<16xi32>
    %and3A_799 = arith.andi %eq3A_795, %ne3A_798 : vector<16xi1>
    %jit3A_800 = arith.constant 5 : i32
    %broadcast_in_dim3A_801 = vector.broadcast %jit3A_800 : i32 to vector<16xi32>
    %select_n3A_802 = arith.select %and3A_799, %broadcast_in_dim3A_801, %select_n3A_794 : vector<16xi1>, vector<16xi32>
    %eq3A_803 = arith.cmpf oeq, %get3A_671, %max3A_776 : vector<16xf32>
    %ne3A_804 = arith.constant 4 : i32
    %ne3A_805 = vector.broadcast %ne3A_804 : i32 to vector<16xi32>
    %ne3A_806 = arith.cmpi ne, %select_n3A_721, %ne3A_805 : vector<16xi32>
    %and3A_807 = arith.andi %eq3A_803, %ne3A_806 : vector<16xi1>
    %jit3A_808 = arith.constant 4 : i32
    %broadcast_in_dim3A_809 = vector.broadcast %jit3A_808 : i32 to vector<16xi32>
    %select_n3A_810 = arith.select %and3A_807, %broadcast_in_dim3A_809, %select_n3A_802 : vector<16xi1>, vector<16xi32>
    %eq3A_811 = arith.cmpf oeq, %get3A_668, %max3A_776 : vector<16xf32>
    %ne3A_812 = arith.constant 3 : i32
    %ne3A_813 = vector.broadcast %ne3A_812 : i32 to vector<16xi32>
    %ne3A_814 = arith.cmpi ne, %select_n3A_721, %ne3A_813 : vector<16xi32>
    %and3A_815 = arith.andi %eq3A_811, %ne3A_814 : vector<16xi1>
    %jit3A_816 = arith.constant 3 : i32
    %broadcast_in_dim3A_817 = vector.broadcast %jit3A_816 : i32 to vector<16xi32>
    %select_n3A_818 = arith.select %and3A_815, %broadcast_in_dim3A_817, %select_n3A_810 : vector<16xi1>, vector<16xi32>
    %eq3A_819 = arith.cmpf oeq, %get3A_665, %max3A_776 : vector<16xf32>
    %ne3A_820 = arith.constant 2 : i32
    %ne3A_821 = vector.broadcast %ne3A_820 : i32 to vector<16xi32>
    %ne3A_822 = arith.cmpi ne, %select_n3A_721, %ne3A_821 : vector<16xi32>
    %and3A_823 = arith.andi %eq3A_819, %ne3A_822 : vector<16xi1>
    %jit3A_824 = arith.constant 2 : i32
    %broadcast_in_dim3A_825 = vector.broadcast %jit3A_824 : i32 to vector<16xi32>
    %select_n3A_826 = arith.select %and3A_823, %broadcast_in_dim3A_825, %select_n3A_818 : vector<16xi1>, vector<16xi32>
    %eq3A_827 = arith.cmpf oeq, %get3A_662, %max3A_776 : vector<16xf32>
    %ne3A_828 = arith.constant 1 : i32
    %ne3A_829 = vector.broadcast %ne3A_828 : i32 to vector<16xi32>
    %ne3A_830 = arith.cmpi ne, %select_n3A_721, %ne3A_829 : vector<16xi32>
    %and3A_831 = arith.andi %eq3A_827, %ne3A_830 : vector<16xi1>
    %jit3A_832 = arith.constant 1 : i32
    %broadcast_in_dim3A_833 = vector.broadcast %jit3A_832 : i32 to vector<16xi32>
    %select_n3A_834 = arith.select %and3A_831, %broadcast_in_dim3A_833, %select_n3A_826 : vector<16xi1>, vector<16xi32>
    %eq3A_835 = arith.cmpf oeq, %get3A_659, %max3A_776 : vector<16xf32>
    %ne3A_836 = arith.constant 0 : i32
    %ne3A_837 = vector.broadcast %ne3A_836 : i32 to vector<16xi32>
    %ne3A_838 = arith.cmpi ne, %select_n3A_721, %ne3A_837 : vector<16xi32>
    %and3A_839 = arith.andi %eq3A_835, %ne3A_838 : vector<16xi1>
    %jit3A_840 = arith.constant 0 : i32
    %broadcast_in_dim3A_841 = vector.broadcast %jit3A_840 : i32 to vector<16xi32>
    %select_n3A_842 = arith.select %and3A_839, %broadcast_in_dim3A_841, %select_n3A_834 : vector<16xi1>, vector<16xi32>
    %sub3A_843 = arith.subf %max3A_776, %max3A_687 : vector<16xf32>
    %exp3A_844 = math.exp %sub3A_843 : vector<16xf32>
    %add3A_845 = arith.constant 1.000000e+00 : f32
    %add3A_846 = vector.broadcast %add3A_845 : f32 to vector<16xf32>
    %add3A_847 = arith.addf %add3A_846, %exp3A_844 : vector<16xf32>
    %div3A_848 = arith.constant 1.000000e+00 : f32
    %div3A_849 = vector.broadcast %div3A_848 : f32 to vector<16xf32>
    %div3A_850 = arith.divf %div3A_849, %add3A_847 : vector<16xf32>
    %sub3A_851 = arith.constant 1.000000e+00 : f32
    %sub3A_852 = vector.broadcast %sub3A_851 : f32 to vector<16xf32>
    %sub3A_853 = arith.subf %sub3A_852, %div3A_850 : vector<16xf32>
    %eq3A_854 = arith.constant 0 : i32
    %eq3A_855 = vector.broadcast %eq3A_854 : i32 to vector<16xi32>
    %eq3A_856 = arith.cmpi eq, %select_n3A_721, %eq3A_855 : vector<16xi32>
    %jit3A_857 = arith.constant 0.000000e+00 : f32
    %broadcast_in_dim3A_858 = vector.broadcast %jit3A_857 : f32 to vector<16xf32>
    %select_n3A_859 = arith.select %eq3A_856, %div3A_850, %broadcast_in_dim3A_858 : vector<16xi1>, vector<16xf32>
    %eq3A_860 = arith.constant 0 : i32
    %eq3A_861 = vector.broadcast %eq3A_860 : i32 to vector<16xi32>
    %eq3A_862 = arith.cmpi eq, %select_n3A_842, %eq3A_861 : vector<16xi32>
    %jit3A_863 = arith.constant 0.000000e+00 : f32
    %broadcast_in_dim3A_864 = vector.broadcast %jit3A_863 : f32 to vector<16xf32>
    %select_n3A_865 = arith.select %eq3A_862, %sub3A_853, %broadcast_in_dim3A_864 : vector<16xi1>, vector<16xf32>
    %add3A_866 = arith.addf %select_n3A_859, %select_n3A_865 : vector<16xf32>
    %swap3A_867 = arith.constant 32 : index
    %swap3A_868 = tpu.vector_load %arg5[%swap3A_867] {strides = array<i32>} : memref<512xf32, #tpu.memory_space<vmem>>, vector<16xf32>,
    %swap3A_869 = vector.shape_cast %swap3A_868 : vector<16xf32> to vector<16xf32>
    %swap3A_870 = vector.shape_cast %add3A_866 : vector<16xf32> to vector<16xf32>
    tpu.vector_store %arg5[%swap3A_867], %swap3A_870 {strides = array<i32>} : memref<512xf32, #tpu.memory_space<vmem>>, vector<16xf32>,
    %eq3A_871 = arith.constant 1 : i32
    %eq3A_872 = vector.broadcast %eq3A_871 : i32 to vector<16xi32>
    %eq3A_873 = arith.cmpi eq, %select_n3A_721, %eq3A_872 : vector<16xi32>
    %jit3A_874 = arith.constant 0.000000e+00 : f32
    %broadcast_in_dim3A_875 = vector.broadcast %jit3A_874 : f32 to vector<16xf32>
    %select_n3A_876 = arith.select %eq3A_873, %div3A_850, %broadcast_in_dim3A_875 : vector<16xi1>, vector<16xf32>
    %eq3A_877 = arith.constant 1 : i32
    %eq3A_878 = vector.broadcast %eq3A_877 : i32 to vector<16xi32>
    %eq3A_879 = arith.cmpi eq, %select_n3A_842, %eq3A_878 : vector<16xi32>
    %jit3A_880 = arith.constant 0.000000e+00 : f32
    %broadcast_in_dim3A_881 = vector.broadcast %jit3A_880 : f32 to vector<16xf32>
    %select_n3A_882 = arith.select %eq3A_879, %sub3A_853, %broadcast_in_dim3A_881 : vector<16xi1>, vector<16xf32>
    %add3A_883 = arith.addf %select_n3A_876, %select_n3A_882 : vector<16xf32>
    %swap3A_884 = arith.constant 96 : index
    %swap3A_885 = tpu.vector_load %arg5[%swap3A_884] {strides = array<i32>} : memref<512xf32, #tpu.memory_space<vmem>>, vector<16xf32>,
    %swap3A_886 = vector.shape_cast %swap3A_885 : vector<16xf32> to vector<16xf32>
    %swap3A_887 = vector.shape_cast %add3A_883 : vector<16xf32> to vector<16xf32>
    tpu.vector_store %arg5[%swap3A_884], %swap3A_887 {strides = array<i32>} : memref<512xf32, #tpu.memory_space<vmem>>, vector<16xf32>,
    %eq3A_888 = arith.constant 2 : i32
    %eq3A_889 = vector.broadcast %eq3A_888 : i32 to vector<16xi32>
    %eq3A_890 = arith.cmpi eq, %select_n3A_721, %eq3A_889 : vector<16xi32>
    %jit3A_891 = arith.constant 0.000000e+00 : f32
    %broadcast_in_dim3A_892 = vector.broadcast %jit3A_891 : f32 to vector<16xf32>
    %select_n3A_893 = arith.select %eq3A_890, %div3A_850, %broadcast_in_dim3A_892 : vector<16xi1>, vector<16xf32>
    %eq3A_894 = arith.constant 2 : i32
    %eq3A_895 = vector.broadcast %eq3A_894 : i32 to vector<16xi32>
    %eq3A_896 = arith.cmpi eq, %select_n3A_842, %eq3A_895 : vector<16xi32>
    %jit3A_897 = arith.constant 0.000000e+00 : f32
    %broadcast_in_dim3A_898 = vector.broadcast %jit3A_897 : f32 to vector<16xf32>
    %select_n3A_899 = arith.select %eq3A_896, %sub3A_853, %broadcast_in_dim3A_898 : vector<16xi1>, vector<16xf32>
    %add3A_900 = arith.addf %select_n3A_893, %select_n3A_899 : vector<16xf32>
    %swap3A_901 = arith.constant 160 : index
    %swap3A_902 = tpu.vector_load %arg5[%swap3A_901] {strides = array<i32>} : memref<512xf32, #tpu.memory_space<vmem>>, vector<16xf32>,
    %swap3A_903 = vector.shape_cast %swap3A_902 : vector<16xf32> to vector<16xf32>
    %swap3A_904 = vector.shape_cast %add3A_900 : vector<16xf32> to vector<16xf32>
    tpu.vector_store %arg5[%swap3A_901], %swap3A_904 {strides = array<i32>} : memref<512xf32, #tpu.memory_space<vmem>>, vector<16xf32>,
    %eq3A_905 = arith.constant 3 : i32
    %eq3A_906 = vector.broadcast %eq3A_905 : i32 to vector<16xi32>
    %eq3A_907 = arith.cmpi eq, %select_n3A_721, %eq3A_906 : vector<16xi32>
    %jit3A_908 = arith.constant 0.000000e+00 : f32
    %broadcast_in_dim3A_909 = vector.broadcast %jit3A_908 : f32 to vector<16xf32>
    %select_n3A_910 = arith.select %eq3A_907, %div3A_850, %broadcast_in_dim3A_909 : vector<16xi1>, vector<16xf32>
    %eq3A_911 = arith.constant 3 : i32
    %eq3A_912 = vector.broadcast %eq3A_911 : i32 to vector<16xi32>
    %eq3A_913 = arith.cmpi eq, %select_n3A_842, %eq3A_912 : vector<16xi32>
    %jit3A_914 = arith.constant 0.000000e+00 : f32
    %broadcast_in_dim3A_915 = vector.broadcast %jit3A_914 : f32 to vector<16xf32>
    %select_n3A_916 = arith.select %eq3A_913, %sub3A_853, %broadcast_in_dim3A_915 : vector<16xi1>, vector<16xf32>
    %add3A_917 = arith.addf %select_n3A_910, %select_n3A_916 : vector<16xf32>
    %swap3A_918 = arith.constant 224 : index
    %swap3A_919 = tpu.vector_load %arg5[%swap3A_918] {strides = array<i32>} : memref<512xf32, #tpu.memory_space<vmem>>, vector<16xf32>,
    %swap3A_920 = vector.shape_cast %swap3A_919 : vector<16xf32> to vector<16xf32>
    %swap3A_921 = vector.shape_cast %add3A_917 : vector<16xf32> to vector<16xf32>
    tpu.vector_store %arg5[%swap3A_918], %swap3A_921 {strides = array<i32>} : memref<512xf32, #tpu.memory_space<vmem>>, vector<16xf32>,
    %eq3A_922 = arith.constant 4 : i32
    %eq3A_923 = vector.broadcast %eq3A_922 : i32 to vector<16xi32>
    %eq3A_924 = arith.cmpi eq, %select_n3A_721, %eq3A_923 : vector<16xi32>
    %jit3A_925 = arith.constant 0.000000e+00 : f32
    %broadcast_in_dim3A_926 = vector.broadcast %jit3A_925 : f32 to vector<16xf32>
    %select_n3A_927 = arith.select %eq3A_924, %div3A_850, %broadcast_in_dim3A_926 : vector<16xi1>, vector<16xf32>
    %eq3A_928 = arith.constant 4 : i32
    %eq3A_929 = vector.broadcast %eq3A_928 : i32 to vector<16xi32>
    %eq3A_930 = arith.cmpi eq, %select_n3A_842, %eq3A_929 : vector<16xi32>
    %jit3A_931 = arith.constant 0.000000e+00 : f32
    %broadcast_in_dim3A_932 = vector.broadcast %jit3A_931 : f32 to vector<16xf32>
    %select_n3A_933 = arith.select %eq3A_930, %sub3A_853, %broadcast_in_dim3A_932 : vector<16xi1>, vector<16xf32>
    %add3A_934 = arith.addf %select_n3A_927, %select_n3A_933 : vector<16xf32>
    %swap3A_935 = arith.constant 288 : index
    %swap3A_936 = tpu.vector_load %arg5[%swap3A_935] {strides = array<i32>} : memref<512xf32, #tpu.memory_space<vmem>>, vector<16xf32>,
    %swap3A_937 = vector.shape_cast %swap3A_936 : vector<16xf32> to vector<16xf32>
    %swap3A_938 = vector.shape_cast %add3A_934 : vector<16xf32> to vector<16xf32>
    tpu.vector_store %arg5[%swap3A_935], %swap3A_938 {strides = array<i32>} : memref<512xf32, #tpu.memory_space<vmem>>, vector<16xf32>,
    %eq3A_939 = arith.constant 5 : i32
    %eq3A_940 = vector.broadcast %eq3A_939 : i32 to vector<16xi32>
    %eq3A_941 = arith.cmpi eq, %select_n3A_721, %eq3A_940 : vector<16xi32>
    %jit3A_942 = arith.constant 0.000000e+00 : f32
    %broadcast_in_dim3A_943 = vector.broadcast %jit3A_942 : f32 to vector<16xf32>
    %select_n3A_944 = arith.select %eq3A_941, %div3A_850, %broadcast_in_dim3A_943 : vector<16xi1>, vector<16xf32>
    %eq3A_945 = arith.constant 5 : i32
    %eq3A_946 = vector.broadcast %eq3A_945 : i32 to vector<16xi32>
    %eq3A_947 = arith.cmpi eq, %select_n3A_842, %eq3A_946 : vector<16xi32>
    %jit3A_948 = arith.constant 0.000000e+00 : f32
    %broadcast_in_dim3A_949 = vector.broadcast %jit3A_948 : f32 to vector<16xf32>
    %select_n3A_950 = arith.select %eq3A_947, %sub3A_853, %broadcast_in_dim3A_949 : vector<16xi1>, vector<16xf32>
    %add3A_951 = arith.addf %select_n3A_944, %select_n3A_950 : vector<16xf32>
    %swap3A_952 = arith.constant 352 : index
    %swap3A_953 = tpu.vector_load %arg5[%swap3A_952] {strides = array<i32>} : memref<512xf32, #tpu.memory_space<vmem>>, vector<16xf32>,
    %swap3A_954 = vector.shape_cast %swap3A_953 : vector<16xf32> to vector<16xf32>
    %swap3A_955 = vector.shape_cast %add3A_951 : vector<16xf32> to vector<16xf32>
    tpu.vector_store %arg5[%swap3A_952], %swap3A_955 {strides = array<i32>} : memref<512xf32, #tpu.memory_space<vmem>>, vector<16xf32>,
    %eq3A_956 = arith.constant 6 : i32
    %eq3A_957 = vector.broadcast %eq3A_956 : i32 to vector<16xi32>
    %eq3A_958 = arith.cmpi eq, %select_n3A_721, %eq3A_957 : vector<16xi32>
    %jit3A_959 = arith.constant 0.000000e+00 : f32
    %broadcast_in_dim3A_960 = vector.broadcast %jit3A_959 : f32 to vector<16xf32>
    %select_n3A_961 = arith.select %eq3A_958, %div3A_850, %broadcast_in_dim3A_960 : vector<16xi1>, vector<16xf32>
    %eq3A_962 = arith.constant 6 : i32
    %eq3A_963 = vector.broadcast %eq3A_962 : i32 to vector<16xi32>
    %eq3A_964 = arith.cmpi eq, %select_n3A_842, %eq3A_963 : vector<16xi32>
    %jit3A_965 = arith.constant 0.000000e+00 : f32
    %broadcast_in_dim3A_966 = vector.broadcast %jit3A_965 : f32 to vector<16xf32>
    %select_n3A_967 = arith.select %eq3A_964, %sub3A_853, %broadcast_in_dim3A_966 : vector<16xi1>, vector<16xf32>
    %add3A_968 = arith.addf %select_n3A_961, %select_n3A_967 : vector<16xf32>
    %swap3A_969 = arith.constant 416 : index
    %swap3A_970 = tpu.vector_load %arg5[%swap3A_969] {strides = array<i32>} : memref<512xf32, #tpu.memory_space<vmem>>, vector<16xf32>,
    %swap3A_971 = vector.shape_cast %swap3A_970 : vector<16xf32> to vector<16xf32>
    %swap3A_972 = vector.shape_cast %add3A_968 : vector<16xf32> to vector<16xf32>
    tpu.vector_store %arg5[%swap3A_969], %swap3A_972 {strides = array<i32>} : memref<512xf32, #tpu.memory_space<vmem>>, vector<16xf32>,
    %eq3A_973 = arith.constant 7 : i32
    %eq3A_974 = vector.broadcast %eq3A_973 : i32 to vector<16xi32>
    %eq3A_975 = arith.cmpi eq, %select_n3A_721, %eq3A_974 : vector<16xi32>
    %jit3A_976 = arith.constant 0.000000e+00 : f32
    %broadcast_in_dim3A_977 = vector.broadcast %jit3A_976 : f32 to vector<16xf32>
    %select_n3A_978 = arith.select %eq3A_975, %div3A_850, %broadcast_in_dim3A_977 : vector<16xi1>, vector<16xf32>
    %eq3A_979 = arith.constant 7 : i32
    %eq3A_980 = vector.broadcast %eq3A_979 : i32 to vector<16xi32>
    %eq3A_981 = arith.cmpi eq, %select_n3A_842, %eq3A_980 : vector<16xi32>
    %jit3A_982 = arith.constant 0.000000e+00 : f32
    %broadcast_in_dim3A_983 = vector.broadcast %jit3A_982 : f32 to vector<16xf32>
    %select_n3A_984 = arith.select %eq3A_981, %sub3A_853, %broadcast_in_dim3A_983 : vector<16xi1>, vector<16xf32>
    %add3A_985 = arith.addf %select_n3A_978, %select_n3A_984 : vector<16xf32>
    %swap3A_986 = arith.constant 480 : index
    %swap3A_987 = tpu.vector_load %arg5[%swap3A_986] {strides = array<i32>} : memref<512xf32, #tpu.memory_space<vmem>>, vector<16xf32>,
    %swap3A_988 = vector.shape_cast %swap3A_987 : vector<16xf32> to vector<16xf32>
    %swap3A_989 = vector.shape_cast %add3A_985 : vector<16xf32> to vector<16xf32>
    tpu.vector_store %arg5[%swap3A_986], %swap3A_989 {strides = array<i32>} : memref<512xf32, #tpu.memory_space<vmem>>, vector<16xf32>,
    %get3A_990 = arith.constant 48 : index
    %get3A_991 = tpu.vector_load %arg4[%get3A_990] {strides = array<i32>} : memref<512xf32, #tpu.memory_space<vmem>>, vector<16xf32>,
    %get3A_992 = vector.shape_cast %get3A_991 : vector<16xf32> to vector<16xf32>
    %get3A_993 = arith.constant 112 : index
    %get3A_994 = tpu.vector_load %arg4[%get3A_993] {strides = array<i32>} : memref<512xf32, #tpu.memory_space<vmem>>, vector<16xf32>,
    %get3A_995 = vector.shape_cast %get3A_994 : vector<16xf32> to vector<16xf32>
    %get3A_996 = arith.constant 176 : index
    %get3A_997 = tpu.vector_load %arg4[%get3A_996] {strides = array<i32>} : memref<512xf32, #tpu.memory_space<vmem>>, vector<16xf32>,
    %get3A_998 = vector.shape_cast %get3A_997 : vector<16xf32> to vector<16xf32>
    %get3A_999 = arith.constant 240 : index
    %get3A_1000 = tpu.vector_load %arg4[%get3A_999] {strides = array<i32>} : memref<512xf32, #tpu.memory_space<vmem>>, vector<16xf32>,
    %get3A_1001 = vector.shape_cast %get3A_1000 : vector<16xf32> to vector<16xf32>
    %get3A_1002 = arith.constant 304 : index
    %get3A_1003 = tpu.vector_load %arg4[%get3A_1002] {strides = array<i32>} : memref<512xf32, #tpu.memory_space<vmem>>, vector<16xf32>,
    %get3A_1004 = vector.shape_cast %get3A_1003 : vector<16xf32> to vector<16xf32>
    %get3A_1005 = arith.constant 368 : index
    %get3A_1006 = tpu.vector_load %arg4[%get3A_1005] {strides = array<i32>} : memref<512xf32, #tpu.memory_space<vmem>>, vector<16xf32>,
    %get3A_1007 = vector.shape_cast %get3A_1006 : vector<16xf32> to vector<16xf32>
    %get3A_1008 = arith.constant 432 : index
    %get3A_1009 = tpu.vector_load %arg4[%get3A_1008] {strides = array<i32>} : memref<512xf32, #tpu.memory_space<vmem>>, vector<16xf32>,
    %get3A_1010 = vector.shape_cast %get3A_1009 : vector<16xf32> to vector<16xf32>
    %get3A_1011 = arith.constant 496 : index
    %get3A_1012 = tpu.vector_load %arg4[%get3A_1011] {strides = array<i32>} : memref<512xf32, #tpu.memory_space<vmem>>, vector<16xf32>,
    %get3A_1013 = vector.shape_cast %get3A_1012 : vector<16xf32> to vector<16xf32>
    %max3A_1014 = arith.maximumf %get3A_992, %get3A_995 : vector<16xf32>
    %max3A_1015 = arith.maximumf %max3A_1014, %get3A_998 : vector<16xf32>
    %max3A_1016 = arith.maximumf %max3A_1015, %get3A_1001 : vector<16xf32>
    %max3A_1017 = arith.maximumf %max3A_1016, %get3A_1004 : vector<16xf32>
    %max3A_1018 = arith.maximumf %max3A_1017, %get3A_1007 : vector<16xf32>
    %max3A_1019 = arith.maximumf %max3A_1018, %get3A_1010 : vector<16xf32>
    %max3A_1020 = arith.maximumf %max3A_1019, %get3A_1013 : vector<16xf32>
    %eq3A_1021 = arith.cmpf oeq, %get3A_1013, %max3A_1020 : vector<16xf32>
    %jit3A_1022 = arith.constant 7 : i32
    %jit3A_1023 = arith.constant 8 : i32
    %broadcast_in_dim3A_1024 = vector.broadcast %jit3A_1022 : i32 to vector<16xi32>
    %broadcast_in_dim3A_1025 = vector.broadcast %jit3A_1023 : i32 to vector<16xi32>
    %select_n3A_1026 = arith.select %eq3A_1021, %broadcast_in_dim3A_1024, %broadcast_in_dim3A_1025 : vector<16xi1>, vector<16xi32>
    %eq3A_1027 = arith.cmpf oeq, %get3A_1010, %max3A_1020 : vector<16xf32>
    %jit3A_1028 = arith.constant 6 : i32
    %broadcast_in_dim3A_1029 = vector.broadcast %jit3A_1028 : i32 to vector<16xi32>
    %select_n3A_1030 = arith.select %eq3A_1027, %broadcast_in_dim3A_1029, %select_n3A_1026 : vector<16xi1>, vector<16xi32>
    %eq3A_1031 = arith.cmpf oeq, %get3A_1007, %max3A_1020 : vector<16xf32>
    %jit3A_1032 = arith.constant 5 : i32
    %broadcast_in_dim3A_1033 = vector.broadcast %jit3A_1032 : i32 to vector<16xi32>
    %select_n3A_1034 = arith.select %eq3A_1031, %broadcast_in_dim3A_1033, %select_n3A_1030 : vector<16xi1>, vector<16xi32>
    %eq3A_1035 = arith.cmpf oeq, %get3A_1004, %max3A_1020 : vector<16xf32>
    %jit3A_1036 = arith.constant 4 : i32
    %broadcast_in_dim3A_1037 = vector.broadcast %jit3A_1036 : i32 to vector<16xi32>
    %select_n3A_1038 = arith.select %eq3A_1035, %broadcast_in_dim3A_1037, %select_n3A_1034 : vector<16xi1>, vector<16xi32>
    %eq3A_1039 = arith.cmpf oeq, %get3A_1001, %max3A_1020 : vector<16xf32>
    %jit3A_1040 = arith.constant 3 : i32
    %broadcast_in_dim3A_1041 = vector.broadcast %jit3A_1040 : i32 to vector<16xi32>
    %select_n3A_1042 = arith.select %eq3A_1039, %broadcast_in_dim3A_1041, %select_n3A_1038 : vector<16xi1>, vector<16xi32>
    %eq3A_1043 = arith.cmpf oeq, %get3A_998, %max3A_1020 : vector<16xf32>
    %jit3A_1044 = arith.constant 2 : i32
    %broadcast_in_dim3A_1045 = vector.broadcast %jit3A_1044 : i32 to vector<16xi32>
    %select_n3A_1046 = arith.select %eq3A_1043, %broadcast_in_dim3A_1045, %select_n3A_1042 : vector<16xi1>, vector<16xi32>
    %eq3A_1047 = arith.cmpf oeq, %get3A_995, %max3A_1020 : vector<16xf32>
    %jit3A_1048 = arith.constant 1 : i32
    %broadcast_in_dim3A_1049 = vector.broadcast %jit3A_1048 : i32 to vector<16xi32>
    %select_n3A_1050 = arith.select %eq3A_1047, %broadcast_in_dim3A_1049, %select_n3A_1046 : vector<16xi1>, vector<16xi32>
    %eq3A_1051 = arith.cmpf oeq, %get3A_992, %max3A_1020 : vector<16xf32>
    %jit3A_1052 = arith.constant 0 : i32
    %broadcast_in_dim3A_1053 = vector.broadcast %jit3A_1052 : i32 to vector<16xi32>
    %select_n3A_1054 = arith.select %eq3A_1051, %broadcast_in_dim3A_1053, %select_n3A_1050 : vector<16xi1>, vector<16xi32>
    %eq3A_1055 = arith.constant 0 : i32
    %eq3A_1056 = vector.broadcast %eq3A_1055 : i32 to vector<16xi32>
    %eq3A_1057 = arith.cmpi eq, %select_n3A_1054, %eq3A_1056 : vector<16xi32>
    %jit3A_1058 = arith.constant 0xFF800000 : f32
    %broadcast_in_dim3A_1059 = vector.broadcast %jit3A_1058 : f32 to vector<16xf32>
    %select_n3A_1060 = arith.select %eq3A_1057, %broadcast_in_dim3A_1059, %get3A_992 : vector<16xi1>, vector<16xf32>
    %eq3A_1061 = arith.constant 1 : i32
    %eq3A_1062 = vector.broadcast %eq3A_1061 : i32 to vector<16xi32>
    %eq3A_1063 = arith.cmpi eq, %select_n3A_1054, %eq3A_1062 : vector<16xi32>
    %jit3A_1064 = arith.constant 0xFF800000 : f32
    %broadcast_in_dim3A_1065 = vector.broadcast %jit3A_1064 : f32 to vector<16xf32>
    %select_n3A_1066 = arith.select %eq3A_1063, %broadcast_in_dim3A_1065, %get3A_995 : vector<16xi1>, vector<16xf32>
    %max3A_1067 = arith.maximumf %select_n3A_1060, %select_n3A_1066 : vector<16xf32>
    %eq3A_1068 = arith.constant 2 : i32
    %eq3A_1069 = vector.broadcast %eq3A_1068 : i32 to vector<16xi32>
    %eq3A_1070 = arith.cmpi eq, %select_n3A_1054, %eq3A_1069 : vector<16xi32>
    %jit3A_1071 = arith.constant 0xFF800000 : f32
    %broadcast_in_dim3A_1072 = vector.broadcast %jit3A_1071 : f32 to vector<16xf32>
    %select_n3A_1073 = arith.select %eq3A_1070, %broadcast_in_dim3A_1072, %get3A_998 : vector<16xi1>, vector<16xf32>
    %max3A_1074 = arith.maximumf %max3A_1067, %select_n3A_1073 : vector<16xf32>
    %eq3A_1075 = arith.constant 3 : i32
    %eq3A_1076 = vector.broadcast %eq3A_1075 : i32 to vector<16xi32>
    %eq3A_1077 = arith.cmpi eq, %select_n3A_1054, %eq3A_1076 : vector<16xi32>
    %jit3A_1078 = arith.constant 0xFF800000 : f32
    %broadcast_in_dim3A_1079 = vector.broadcast %jit3A_1078 : f32 to vector<16xf32>
    %select_n3A_1080 = arith.select %eq3A_1077, %broadcast_in_dim3A_1079, %get3A_1001 : vector<16xi1>, vector<16xf32>
    %max3A_1081 = arith.maximumf %max3A_1074, %select_n3A_1080 : vector<16xf32>
    %eq3A_1082 = arith.constant 4 : i32
    %eq3A_1083 = vector.broadcast %eq3A_1082 : i32 to vector<16xi32>
    %eq3A_1084 = arith.cmpi eq, %select_n3A_1054, %eq3A_1083 : vector<16xi32>
    %jit3A_1085 = arith.constant 0xFF800000 : f32
    %broadcast_in_dim3A_1086 = vector.broadcast %jit3A_1085 : f32 to vector<16xf32>
    %select_n3A_1087 = arith.select %eq3A_1084, %broadcast_in_dim3A_1086, %get3A_1004 : vector<16xi1>, vector<16xf32>
    %max3A_1088 = arith.maximumf %max3A_1081, %select_n3A_1087 : vector<16xf32>
    %eq3A_1089 = arith.constant 5 : i32
    %eq3A_1090 = vector.broadcast %eq3A_1089 : i32 to vector<16xi32>
    %eq3A_1091 = arith.cmpi eq, %select_n3A_1054, %eq3A_1090 : vector<16xi32>
    %jit3A_1092 = arith.constant 0xFF800000 : f32
    %broadcast_in_dim3A_1093 = vector.broadcast %jit3A_1092 : f32 to vector<16xf32>
    %select_n3A_1094 = arith.select %eq3A_1091, %broadcast_in_dim3A_1093, %get3A_1007 : vector<16xi1>, vector<16xf32>
    %max3A_1095 = arith.maximumf %max3A_1088, %select_n3A_1094 : vector<16xf32>
    %eq3A_1096 = arith.constant 6 : i32
    %eq3A_1097 = vector.broadcast %eq3A_1096 : i32 to vector<16xi32>
    %eq3A_1098 = arith.cmpi eq, %select_n3A_1054, %eq3A_1097 : vector<16xi32>
    %jit3A_1099 = arith.constant 0xFF800000 : f32
    %broadcast_in_dim3A_1100 = vector.broadcast %jit3A_1099 : f32 to vector<16xf32>
    %select_n3A_1101 = arith.select %eq3A_1098, %broadcast_in_dim3A_1100, %get3A_1010 : vector<16xi1>, vector<16xf32>
    %max3A_1102 = arith.maximumf %max3A_1095, %select_n3A_1101 : vector<16xf32>
    %eq3A_1103 = arith.constant 7 : i32
    %eq3A_1104 = vector.broadcast %eq3A_1103 : i32 to vector<16xi32>
    %eq3A_1105 = arith.cmpi eq, %select_n3A_1054, %eq3A_1104 : vector<16xi32>
    %jit3A_1106 = arith.constant 0xFF800000 : f32
    %broadcast_in_dim3A_1107 = vector.broadcast %jit3A_1106 : f32 to vector<16xf32>
    %select_n3A_1108 = arith.select %eq3A_1105, %broadcast_in_dim3A_1107, %get3A_1013 : vector<16xi1>, vector<16xf32>
    %max3A_1109 = arith.maximumf %max3A_1102, %select_n3A_1108 : vector<16xf32>
    %eq3A_1110 = arith.cmpf oeq, %get3A_1013, %max3A_1109 : vector<16xf32>
    %ne3A_1111 = arith.constant 7 : i32
    %ne3A_1112 = vector.broadcast %ne3A_1111 : i32 to vector<16xi32>
    %ne3A_1113 = arith.cmpi ne, %select_n3A_1054, %ne3A_1112 : vector<16xi32>
    %and3A_1114 = arith.andi %eq3A_1110, %ne3A_1113 : vector<16xi1>
    %jit3A_1115 = arith.constant 7 : i32
    %jit3A_1116 = arith.constant 8 : i32
    %broadcast_in_dim3A_1117 = vector.broadcast %jit3A_1115 : i32 to vector<16xi32>
    %broadcast_in_dim3A_1118 = vector.broadcast %jit3A_1116 : i32 to vector<16xi32>
    %select_n3A_1119 = arith.select %and3A_1114, %broadcast_in_dim3A_1117, %broadcast_in_dim3A_1118 : vector<16xi1>, vector<16xi32>
    %eq3A_1120 = arith.cmpf oeq, %get3A_1010, %max3A_1109 : vector<16xf32>
    %ne3A_1121 = arith.constant 6 : i32
    %ne3A_1122 = vector.broadcast %ne3A_1121 : i32 to vector<16xi32>
    %ne3A_1123 = arith.cmpi ne, %select_n3A_1054, %ne3A_1122 : vector<16xi32>
    %and3A_1124 = arith.andi %eq3A_1120, %ne3A_1123 : vector<16xi1>
    %jit3A_1125 = arith.constant 6 : i32
    %broadcast_in_dim3A_1126 = vector.broadcast %jit3A_1125 : i32 to vector<16xi32>
    %select_n3A_1127 = arith.select %and3A_1124, %broadcast_in_dim3A_1126, %select_n3A_1119 : vector<16xi1>, vector<16xi32>
    %eq3A_1128 = arith.cmpf oeq, %get3A_1007, %max3A_1109 : vector<16xf32>
    %ne3A_1129 = arith.constant 5 : i32
    %ne3A_1130 = vector.broadcast %ne3A_1129 : i32 to vector<16xi32>
    %ne3A_1131 = arith.cmpi ne, %select_n3A_1054, %ne3A_1130 : vector<16xi32>
    %and3A_1132 = arith.andi %eq3A_1128, %ne3A_1131 : vector<16xi1>
    %jit3A_1133 = arith.constant 5 : i32
    %broadcast_in_dim3A_1134 = vector.broadcast %jit3A_1133 : i32 to vector<16xi32>
    %select_n3A_1135 = arith.select %and3A_1132, %broadcast_in_dim3A_1134, %select_n3A_1127 : vector<16xi1>, vector<16xi32>
    %eq3A_1136 = arith.cmpf oeq, %get3A_1004, %max3A_1109 : vector<16xf32>
    %ne3A_1137 = arith.constant 4 : i32
    %ne3A_1138 = vector.broadcast %ne3A_1137 : i32 to vector<16xi32>
    %ne3A_1139 = arith.cmpi ne, %select_n3A_1054, %ne3A_1138 : vector<16xi32>
    %and3A_1140 = arith.andi %eq3A_1136, %ne3A_1139 : vector<16xi1>
    %jit3A_1141 = arith.constant 4 : i32
    %broadcast_in_dim3A_1142 = vector.broadcast %jit3A_1141 : i32 to vector<16xi32>
    %select_n3A_1143 = arith.select %and3A_1140, %broadcast_in_dim3A_1142, %select_n3A_1135 : vector<16xi1>, vector<16xi32>
    %eq3A_1144 = arith.cmpf oeq, %get3A_1001, %max3A_1109 : vector<16xf32>
    %ne3A_1145 = arith.constant 3 : i32
    %ne3A_1146 = vector.broadcast %ne3A_1145 : i32 to vector<16xi32>
    %ne3A_1147 = arith.cmpi ne, %select_n3A_1054, %ne3A_1146 : vector<16xi32>
    %and3A_1148 = arith.andi %eq3A_1144, %ne3A_1147 : vector<16xi1>
    %jit3A_1149 = arith.constant 3 : i32
    %broadcast_in_dim3A_1150 = vector.broadcast %jit3A_1149 : i32 to vector<16xi32>
    %select_n3A_1151 = arith.select %and3A_1148, %broadcast_in_dim3A_1150, %select_n3A_1143 : vector<16xi1>, vector<16xi32>
    %eq3A_1152 = arith.cmpf oeq, %get3A_998, %max3A_1109 : vector<16xf32>
    %ne3A_1153 = arith.constant 2 : i32
    %ne3A_1154 = vector.broadcast %ne3A_1153 : i32 to vector<16xi32>
    %ne3A_1155 = arith.cmpi ne, %select_n3A_1054, %ne3A_1154 : vector<16xi32>
    %and3A_1156 = arith.andi %eq3A_1152, %ne3A_1155 : vector<16xi1>
    %jit3A_1157 = arith.constant 2 : i32
    %broadcast_in_dim3A_1158 = vector.broadcast %jit3A_1157 : i32 to vector<16xi32>
    %select_n3A_1159 = arith.select %and3A_1156, %broadcast_in_dim3A_1158, %select_n3A_1151 : vector<16xi1>, vector<16xi32>
    %eq3A_1160 = arith.cmpf oeq, %get3A_995, %max3A_1109 : vector<16xf32>
    %ne3A_1161 = arith.constant 1 : i32
    %ne3A_1162 = vector.broadcast %ne3A_1161 : i32 to vector<16xi32>
    %ne3A_1163 = arith.cmpi ne, %select_n3A_1054, %ne3A_1162 : vector<16xi32>
    %and3A_1164 = arith.andi %eq3A_1160, %ne3A_1163 : vector<16xi1>
    %jit3A_1165 = arith.constant 1 : i32
    %broadcast_in_dim3A_1166 = vector.broadcast %jit3A_1165 : i32 to vector<16xi32>
    %select_n3A_1167 = arith.select %and3A_1164, %broadcast_in_dim3A_1166, %select_n3A_1159 : vector<16xi1>, vector<16xi32>
    %eq3A_1168 = arith.cmpf oeq, %get3A_992, %max3A_1109 : vector<16xf32>
    %ne3A_1169 = arith.constant 0 : i32
    %ne3A_1170 = vector.broadcast %ne3A_1169 : i32 to vector<16xi32>
    %ne3A_1171 = arith.cmpi ne, %select_n3A_1054, %ne3A_1170 : vector<16xi32>
    %and3A_1172 = arith.andi %eq3A_1168, %ne3A_1171 : vector<16xi1>
    %jit3A_1173 = arith.constant 0 : i32
    %broadcast_in_dim3A_1174 = vector.broadcast %jit3A_1173 : i32 to vector<16xi32>
    %select_n3A_1175 = arith.select %and3A_1172, %broadcast_in_dim3A_1174, %select_n3A_1167 : vector<16xi1>, vector<16xi32>
    %sub3A_1176 = arith.subf %max3A_1109, %max3A_1020 : vector<16xf32>
    %exp3A_1177 = math.exp %sub3A_1176 : vector<16xf32>
    %add3A_1178 = arith.constant 1.000000e+00 : f32
    %add3A_1179 = vector.broadcast %add3A_1178 : f32 to vector<16xf32>
    %add3A_1180 = arith.addf %add3A_1179, %exp3A_1177 : vector<16xf32>
    %div3A_1181 = arith.constant 1.000000e+00 : f32
    %div3A_1182 = vector.broadcast %div3A_1181 : f32 to vector<16xf32>
    %div3A_1183 = arith.divf %div3A_1182, %add3A_1180 : vector<16xf32>
    %sub3A_1184 = arith.constant 1.000000e+00 : f32
    %sub3A_1185 = vector.broadcast %sub3A_1184 : f32 to vector<16xf32>
    %sub3A_1186 = arith.subf %sub3A_1185, %div3A_1183 : vector<16xf32>
    %eq3A_1187 = arith.constant 0 : i32
    %eq3A_1188 = vector.broadcast %eq3A_1187 : i32 to vector<16xi32>
    %eq3A_1189 = arith.cmpi eq, %select_n3A_1054, %eq3A_1188 : vector<16xi32>
    %jit3A_1190 = arith.constant 0.000000e+00 : f32
    %broadcast_in_dim3A_1191 = vector.broadcast %jit3A_1190 : f32 to vector<16xf32>
    %select_n3A_1192 = arith.select %eq3A_1189, %div3A_1183, %broadcast_in_dim3A_1191 : vector<16xi1>, vector<16xf32>
    %eq3A_1193 = arith.constant 0 : i32
    %eq3A_1194 = vector.broadcast %eq3A_1193 : i32 to vector<16xi32>
    %eq3A_1195 = arith.cmpi eq, %select_n3A_1175, %eq3A_1194 : vector<16xi32>
    %jit3A_1196 = arith.constant 0.000000e+00 : f32
    %broadcast_in_dim3A_1197 = vector.broadcast %jit3A_1196 : f32 to vector<16xf32>
    %select_n3A_1198 = arith.select %eq3A_1195, %sub3A_1186, %broadcast_in_dim3A_1197 : vector<16xi1>, vector<16xf32>
    %add3A_1199 = arith.addf %select_n3A_1192, %select_n3A_1198 : vector<16xf32>
    %swap3A_1200 = arith.constant 48 : index
    %swap3A_1201 = tpu.vector_load %arg5[%swap3A_1200] {strides = array<i32>} : memref<512xf32, #tpu.memory_space<vmem>>, vector<16xf32>,
    %swap3A_1202 = vector.shape_cast %swap3A_1201 : vector<16xf32> to vector<16xf32>
    %swap3A_1203 = vector.shape_cast %add3A_1199 : vector<16xf32> to vector<16xf32>
    tpu.vector_store %arg5[%swap3A_1200], %swap3A_1203 {strides = array<i32>} : memref<512xf32, #tpu.memory_space<vmem>>, vector<16xf32>,
    %eq3A_1204 = arith.constant 1 : i32
    %eq3A_1205 = vector.broadcast %eq3A_1204 : i32 to vector<16xi32>
    %eq3A_1206 = arith.cmpi eq, %select_n3A_1054, %eq3A_1205 : vector<16xi32>
    %jit3A_1207 = arith.constant 0.000000e+00 : f32
    %broadcast_in_dim3A_1208 = vector.broadcast %jit3A_1207 : f32 to vector<16xf32>
    %select_n3A_1209 = arith.select %eq3A_1206, %div3A_1183, %broadcast_in_dim3A_1208 : vector<16xi1>, vector<16xf32>
    %eq3A_1210 = arith.constant 1 : i32
    %eq3A_1211 = vector.broadcast %eq3A_1210 : i32 to vector<16xi32>
    %eq3A_1212 = arith.cmpi eq, %select_n3A_1175, %eq3A_1211 : vector<16xi32>
    %jit3A_1213 = arith.constant 0.000000e+00 : f32
    %broadcast_in_dim3A_1214 = vector.broadcast %jit3A_1213 : f32 to vector<16xf32>
    %select_n3A_1215 = arith.select %eq3A_1212, %sub3A_1186, %broadcast_in_dim3A_1214 : vector<16xi1>, vector<16xf32>
    %add3A_1216 = arith.addf %select_n3A_1209, %select_n3A_1215 : vector<16xf32>
    %swap3A_1217 = arith.constant 112 : index
    %swap3A_1218 = tpu.vector_load %arg5[%swap3A_1217] {strides = array<i32>} : memref<512xf32, #tpu.memory_space<vmem>>, vector<16xf32>,
    %swap3A_1219 = vector.shape_cast %swap3A_1218 : vector<16xf32> to vector<16xf32>
    %swap3A_1220 = vector.shape_cast %add3A_1216 : vector<16xf32> to vector<16xf32>
    tpu.vector_store %arg5[%swap3A_1217], %swap3A_1220 {strides = array<i32>} : memref<512xf32, #tpu.memory_space<vmem>>, vector<16xf32>,
    %eq3A_1221 = arith.constant 2 : i32
    %eq3A_1222 = vector.broadcast %eq3A_1221 : i32 to vector<16xi32>
    %eq3A_1223 = arith.cmpi eq, %select_n3A_1054, %eq3A_1222 : vector<16xi32>
    %jit3A_1224 = arith.constant 0.000000e+00 : f32
    %broadcast_in_dim3A_1225 = vector.broadcast %jit3A_1224 : f32 to vector<16xf32>
    %select_n3A_1226 = arith.select %eq3A_1223, %div3A_1183, %broadcast_in_dim3A_1225 : vector<16xi1>, vector<16xf32>
    %eq3A_1227 = arith.constant 2 : i32
    %eq3A_1228 = vector.broadcast %eq3A_1227 : i32 to vector<16xi32>
    %eq3A_1229 = arith.cmpi eq, %select_n3A_1175, %eq3A_1228 : vector<16xi32>
    %jit3A_1230 = arith.constant 0.000000e+00 : f32
    %broadcast_in_dim3A_1231 = vector.broadcast %jit3A_1230 : f32 to vector<16xf32>
    %select_n3A_1232 = arith.select %eq3A_1229, %sub3A_1186, %broadcast_in_dim3A_1231 : vector<16xi1>, vector<16xf32>
    %add3A_1233 = arith.addf %select_n3A_1226, %select_n3A_1232 : vector<16xf32>
    %swap3A_1234 = arith.constant 176 : index
    %swap3A_1235 = tpu.vector_load %arg5[%swap3A_1234] {strides = array<i32>} : memref<512xf32, #tpu.memory_space<vmem>>, vector<16xf32>,
    %swap3A_1236 = vector.shape_cast %swap3A_1235 : vector<16xf32> to vector<16xf32>
    %swap3A_1237 = vector.shape_cast %add3A_1233 : vector<16xf32> to vector<16xf32>
    tpu.vector_store %arg5[%swap3A_1234], %swap3A_1237 {strides = array<i32>} : memref<512xf32, #tpu.memory_space<vmem>>, vector<16xf32>,
    %eq3A_1238 = arith.constant 3 : i32
    %eq3A_1239 = vector.broadcast %eq3A_1238 : i32 to vector<16xi32>
    %eq3A_1240 = arith.cmpi eq, %select_n3A_1054, %eq3A_1239 : vector<16xi32>
    %jit3A_1241 = arith.constant 0.000000e+00 : f32
    %broadcast_in_dim3A_1242 = vector.broadcast %jit3A_1241 : f32 to vector<16xf32>
    %select_n3A_1243 = arith.select %eq3A_1240, %div3A_1183, %broadcast_in_dim3A_1242 : vector<16xi1>, vector<16xf32>
    %eq3A_1244 = arith.constant 3 : i32
    %eq3A_1245 = vector.broadcast %eq3A_1244 : i32 to vector<16xi32>
    %eq3A_1246 = arith.cmpi eq, %select_n3A_1175, %eq3A_1245 : vector<16xi32>
    %jit3A_1247 = arith.constant 0.000000e+00 : f32
    %broadcast_in_dim3A_1248 = vector.broadcast %jit3A_1247 : f32 to vector<16xf32>
    %select_n3A_1249 = arith.select %eq3A_1246, %sub3A_1186, %broadcast_in_dim3A_1248 : vector<16xi1>, vector<16xf32>
    %add3A_1250 = arith.addf %select_n3A_1243, %select_n3A_1249 : vector<16xf32>
    %swap3A_1251 = arith.constant 240 : index
    %swap3A_1252 = tpu.vector_load %arg5[%swap3A_1251] {strides = array<i32>} : memref<512xf32, #tpu.memory_space<vmem>>, vector<16xf32>,
    %swap3A_1253 = vector.shape_cast %swap3A_1252 : vector<16xf32> to vector<16xf32>
    %swap3A_1254 = vector.shape_cast %add3A_1250 : vector<16xf32> to vector<16xf32>
    tpu.vector_store %arg5[%swap3A_1251], %swap3A_1254 {strides = array<i32>} : memref<512xf32, #tpu.memory_space<vmem>>, vector<16xf32>,
    %eq3A_1255 = arith.constant 4 : i32
    %eq3A_1256 = vector.broadcast %eq3A_1255 : i32 to vector<16xi32>
    %eq3A_1257 = arith.cmpi eq, %select_n3A_1054, %eq3A_1256 : vector<16xi32>
    %jit3A_1258 = arith.constant 0.000000e+00 : f32
    %broadcast_in_dim3A_1259 = vector.broadcast %jit3A_1258 : f32 to vector<16xf32>
    %select_n3A_1260 = arith.select %eq3A_1257, %div3A_1183, %broadcast_in_dim3A_1259 : vector<16xi1>, vector<16xf32>
    %eq3A_1261 = arith.constant 4 : i32
    %eq3A_1262 = vector.broadcast %eq3A_1261 : i32 to vector<16xi32>
    %eq3A_1263 = arith.cmpi eq, %select_n3A_1175, %eq3A_1262 : vector<16xi32>
    %jit3A_1264 = arith.constant 0.000000e+00 : f32
    %broadcast_in_dim3A_1265 = vector.broadcast %jit3A_1264 : f32 to vector<16xf32>
    %select_n3A_1266 = arith.select %eq3A_1263, %sub3A_1186, %broadcast_in_dim3A_1265 : vector<16xi1>, vector<16xf32>
    %add3A_1267 = arith.addf %select_n3A_1260, %select_n3A_1266 : vector<16xf32>
    %swap3A_1268 = arith.constant 304 : index
    %swap3A_1269 = tpu.vector_load %arg5[%swap3A_1268] {strides = array<i32>} : memref<512xf32, #tpu.memory_space<vmem>>, vector<16xf32>,
    %swap3A_1270 = vector.shape_cast %swap3A_1269 : vector<16xf32> to vector<16xf32>
    %swap3A_1271 = vector.shape_cast %add3A_1267 : vector<16xf32> to vector<16xf32>
    tpu.vector_store %arg5[%swap3A_1268], %swap3A_1271 {strides = array<i32>} : memref<512xf32, #tpu.memory_space<vmem>>, vector<16xf32>,
    %eq3A_1272 = arith.constant 5 : i32
    %eq3A_1273 = vector.broadcast %eq3A_1272 : i32 to vector<16xi32>
    %eq3A_1274 = arith.cmpi eq, %select_n3A_1054, %eq3A_1273 : vector<16xi32>
    %jit3A_1275 = arith.constant 0.000000e+00 : f32
    %broadcast_in_dim3A_1276 = vector.broadcast %jit3A_1275 : f32 to vector<16xf32>
    %select_n3A_1277 = arith.select %eq3A_1274, %div3A_1183, %broadcast_in_dim3A_1276 : vector<16xi1>, vector<16xf32>
    %eq3A_1278 = arith.constant 5 : i32
    %eq3A_1279 = vector.broadcast %eq3A_1278 : i32 to vector<16xi32>
    %eq3A_1280 = arith.cmpi eq, %select_n3A_1175, %eq3A_1279 : vector<16xi32>
    %jit3A_1281 = arith.constant 0.000000e+00 : f32
    %broadcast_in_dim3A_1282 = vector.broadcast %jit3A_1281 : f32 to vector<16xf32>
    %select_n3A_1283 = arith.select %eq3A_1280, %sub3A_1186, %broadcast_in_dim3A_1282 : vector<16xi1>, vector<16xf32>
    %add3A_1284 = arith.addf %select_n3A_1277, %select_n3A_1283 : vector<16xf32>
    %swap3A_1285 = arith.constant 368 : index
    %swap3A_1286 = tpu.vector_load %arg5[%swap3A_1285] {strides = array<i32>} : memref<512xf32, #tpu.memory_space<vmem>>, vector<16xf32>,
    %swap3A_1287 = vector.shape_cast %swap3A_1286 : vector<16xf32> to vector<16xf32>
    %swap3A_1288 = vector.shape_cast %add3A_1284 : vector<16xf32> to vector<16xf32>
    tpu.vector_store %arg5[%swap3A_1285], %swap3A_1288 {strides = array<i32>} : memref<512xf32, #tpu.memory_space<vmem>>, vector<16xf32>,
    %eq3A_1289 = arith.constant 6 : i32
    %eq3A_1290 = vector.broadcast %eq3A_1289 : i32 to vector<16xi32>
    %eq3A_1291 = arith.cmpi eq, %select_n3A_1054, %eq3A_1290 : vector<16xi32>
    %jit3A_1292 = arith.constant 0.000000e+00 : f32
    %broadcast_in_dim3A_1293 = vector.broadcast %jit3A_1292 : f32 to vector<16xf32>
    %select_n3A_1294 = arith.select %eq3A_1291, %div3A_1183, %broadcast_in_dim3A_1293 : vector<16xi1>, vector<16xf32>
    %eq3A_1295 = arith.constant 6 : i32
    %eq3A_1296 = vector.broadcast %eq3A_1295 : i32 to vector<16xi32>
    %eq3A_1297 = arith.cmpi eq, %select_n3A_1175, %eq3A_1296 : vector<16xi32>
    %jit3A_1298 = arith.constant 0.000000e+00 : f32
    %broadcast_in_dim3A_1299 = vector.broadcast %jit3A_1298 : f32 to vector<16xf32>
    %select_n3A_1300 = arith.select %eq3A_1297, %sub3A_1186, %broadcast_in_dim3A_1299 : vector<16xi1>, vector<16xf32>
    %add3A_1301 = arith.addf %select_n3A_1294, %select_n3A_1300 : vector<16xf32>
    %swap3A_1302 = arith.constant 432 : index
    %swap3A_1303 = tpu.vector_load %arg5[%swap3A_1302] {strides = array<i32>} : memref<512xf32, #tpu.memory_space<vmem>>, vector<16xf32>,
    %swap3A_1304 = vector.shape_cast %swap3A_1303 : vector<16xf32> to vector<16xf32>
    %swap3A_1305 = vector.shape_cast %add3A_1301 : vector<16xf32> to vector<16xf32>
    tpu.vector_store %arg5[%swap3A_1302], %swap3A_1305 {strides = array<i32>} : memref<512xf32, #tpu.memory_space<vmem>>, vector<16xf32>,
    %eq3A_1306 = arith.constant 7 : i32
    %eq3A_1307 = vector.broadcast %eq3A_1306 : i32 to vector<16xi32>
    %eq3A_1308 = arith.cmpi eq, %select_n3A_1054, %eq3A_1307 : vector<16xi32>
    %jit3A_1309 = arith.constant 0.000000e+00 : f32
    %broadcast_in_dim3A_1310 = vector.broadcast %jit3A_1309 : f32 to vector<16xf32>
    %select_n3A_1311 = arith.select %eq3A_1308, %div3A_1183, %broadcast_in_dim3A_1310 : vector<16xi1>, vector<16xf32>
    %eq3A_1312 = arith.constant 7 : i32
    %eq3A_1313 = vector.broadcast %eq3A_1312 : i32 to vector<16xi32>
    %eq3A_1314 = arith.cmpi eq, %select_n3A_1175, %eq3A_1313 : vector<16xi32>
    %jit3A_1315 = arith.constant 0.000000e+00 : f32
    %broadcast_in_dim3A_1316 = vector.broadcast %jit3A_1315 : f32 to vector<16xf32>
    %select_n3A_1317 = arith.select %eq3A_1314, %sub3A_1186, %broadcast_in_dim3A_1316 : vector<16xi1>, vector<16xf32>
    %add3A_1318 = arith.addf %select_n3A_1311, %select_n3A_1317 : vector<16xf32>
    %swap3A_1319 = arith.constant 496 : index
    %swap3A_1320 = tpu.vector_load %arg5[%swap3A_1319] {strides = array<i32>} : memref<512xf32, #tpu.memory_space<vmem>>, vector<16xf32>,
    %swap3A_1321 = vector.shape_cast %swap3A_1320 : vector<16xf32> to vector<16xf32>
    %swap3A_1322 = vector.shape_cast %add3A_1318 : vector<16xf32> to vector<16xf32>
    tpu.vector_store %arg5[%swap3A_1319], %swap3A_1322 {strides = array<i32>} : memref<512xf32, #tpu.memory_space<vmem>>, vector<16xf32>,
    "tpu.region"() ({
      %run_scoped3A = tpu.sem_alloc : memref<!tpu.dma_semaphore, #tpu.memory_space<semaphore_mem>>
      %dma_start3A = tpu.memref_slice %arg3[%mul3A_2] : memref<16384xf32, #tpu.memory_space<hbm>> -> memref<512xf32, #tpu.memory_space<hbm>>
      %dma_start3A_1323 = tpu.memref_slice %arg3[%mul3A_2] : memref<16384xf32, #tpu.memory_space<hbm>> -> memref<512xf32, #tpu.memory_space<hbm>>
      tpu.enqueue_dma source(%arg5 : memref<512xf32, #tpu.memory_space<vmem>>) target(%dma_start3A_1323 : memref<512xf32, #tpu.memory_space<hbm>>) target_semaphore(%run_scoped3A : memref<!tpu.dma_semaphore, #tpu.memory_space<semaphore_mem>>)
      %dma_wait3A = tpu.memref_slice %arg3[%mul3A_2] : memref<16384xf32, #tpu.memory_space<hbm>> -> memref<512xf32, #tpu.memory_space<hbm>>
      %dma_wait3A_1324 = tpu.memref_slice %arg3[%mul3A_2] : memref<16384xf32, #tpu.memory_space<hbm>> -> memref<512xf32, #tpu.memory_space<hbm>>
      tpu.wait_dma2 semaphore(%run_scoped3A : memref<!tpu.dma_semaphore, #tpu.memory_space<semaphore_mem>>) src(%arg5 : memref<512xf32, #tpu.memory_space<vmem>>) dst(%dma_wait3A_1324 : memref<512xf32, #tpu.memory_space<hbm>>)
      tpu.yield
    }) : () -> ()
    return
  }
}

module attributes {stable_mosaic.version = 14 : i64} {
  func.func @_moe_body(%arg0: i32, %arg1: memref<2048x512xbf16, #tpu.memory_space<vmem>>, %arg2: memref<2048x512xbf16, #tpu.memory_space<vmem>>, %arg3: memref<2048x8xf32, #tpu.memory_space<vmem>>, %arg4: memref<1x1024x512xi8, #tpu.memory_space<vmem>>, %arg5: memref<1x1024x32xi8, #tpu.memory_space<vmem>>, %arg6: memref<1x1x1024xf32, #tpu.memory_space<vmem>>, %arg7: memref<1x1024x512xi8, #tpu.memory_space<vmem>>, %arg8: memref<1x1024x32xi8, #tpu.memory_space<vmem>>, %arg9: memref<1x1x1024xf32, #tpu.memory_space<vmem>>, %arg10: memref<1x1024x512xi8, #tpu.memory_space<vmem>>, %arg11: memref<1x1024x32xi8, #tpu.memory_space<vmem>>, %arg12: memref<1x1x1024xf32, #tpu.memory_space<vmem>>, %arg13: memref<2xf32, #tpu.memory_space<smem>>, %arg14: memref<2048x1024xf32, #tpu.memory_space<vmem>>) attributes {dimension_semantics = [#tpu.dimension_semantics<arbitrary>], iteration_bounds = array<i64: 8>, scalar_prefetch = 0 : i64, scratch_operands = 0 : i64, tpu.core_type = #tpu.core_type<tc>, window_params = [{pipeline_mode = #tpu.pipeline_mode<synchronous>, transform_indices = @transform_0, window_bounds = array<i64: 2048, 512>}, {pipeline_mode = #tpu.pipeline_mode<synchronous>, transform_indices = @transform_1, window_bounds = array<i64: 2048, 512>}, {pipeline_mode = #tpu.pipeline_mode<synchronous>, transform_indices = @transform_2, window_bounds = array<i64: 2048, 8>}, {transform_indices = @transform_3, window_bounds = array<i64: 1, 1024, 512>}, {transform_indices = @transform_4, window_bounds = array<i64: 1, 1024, 32>}, {transform_indices = @transform_5, window_bounds = array<i64: 1, 1, 1024>}, {transform_indices = @transform_6, window_bounds = array<i64: 1, 1024, 512>}, {transform_indices = @transform_7, window_bounds = array<i64: 1, 1024, 32>}, {transform_indices = @transform_8, window_bounds = array<i64: 1, 1, 1024>}, {transform_indices = @transform_9, window_bounds = array<i64: 1, 1024, 512>}, {transform_indices = @transform_10, window_bounds = array<i64: 1, 1024, 32>}, {transform_indices = @transform_11, window_bounds = array<i64: 1, 1, 1024>}, {transform_indices = @transform_12, window_bounds = array<i64: 2>}, {pipeline_mode = #tpu.pipeline_mode<synchronous>, transform_indices = @transform_13, window_bounds = array<i64: 2048, 1024>}]} {
    %get3A = arith.constant 0 : index
    %get3A_0 = arith.constant 0 : index
    %get3A_1 = vector.load %arg3[%get3A, %get3A_0] : memref<2048x8xf32, #tpu.memory_space<vmem>>, vector<2048x8xf32>
    %iota3A = tpu.iota {dimensions = array<i32: 1>} : vector<2048x8xi32>
    %eq3A = vector.broadcast %arg0 : i32 to vector<2048x8xi32>
    %eq3A_2 = arith.cmpi eq, %iota3A, %eq3A : vector<2048x8xi32>
    %jit3A = arith.constant 0.000000e+00 : f32
    %broadcast_in_dim3A = vector.broadcast %jit3A : f32 to vector<2048x8xf32>
    %select_n3A = arith.select %eq3A_2, %get3A_1, %broadcast_in_dim3A : vector<2048x8xi1>, vector<2048x8xf32>
    %reduce_sum3A = arith.constant dense<0.000000e+00> : vector<2048xf32>
    %reduce_sum3A_3 = vector.multi_reduction <add>, %select_n3A, %reduce_sum3A [1] : vector<2048x8xf32> to vector<2048xf32>
    %broadcast_in_dim3A_4 = vector.shape_cast %reduce_sum3A_3 : vector<2048xf32> to vector<2048x1xf32>
    %get3A_5 = arith.constant 0 : index
    %get3A_6 = memref.load %arg13[%get3A_5] : memref<2xf32, #tpu.memory_space<smem>>
    %get3A_7 = arith.constant 1 : index
    %get3A_8 = memref.load %arg13[%get3A_7] : memref<2xf32, #tpu.memory_space<smem>>
    %get3A_9 = arith.constant 0 : index
    %get3A_10 = arith.constant 0 : index
    %get3A_11 = vector.load %arg1[%get3A_9, %get3A_10] : memref<2048x512xbf16, #tpu.memory_space<vmem>>, vector<2048x512xbf16>
    %get3A_12 = arith.constant 0 : index
    %get3A_13 = arith.constant 0 : index
    %get3A_14 = vector.load %arg2[%get3A_12, %get3A_13] : memref<2048x512xbf16, #tpu.memory_space<vmem>>, vector<2048x512xbf16>
    %get3A_15 = arith.constant 0 : index
    %get3A_16 = arith.constant 0 : index
    %get3A_17 = arith.constant 0 : index
    %get3A_18 = vector.load %arg4[%get3A_15, %get3A_16, %get3A_17] : memref<1x1024x512xi8, #tpu.memory_space<vmem>>, vector<1x1024x512xi8>
    %get3A_19 = vector.shape_cast %get3A_18 : vector<1x1024x512xi8> to vector<1024x512xi8>
    %convert_element_type3A = arith.extui %get3A_19 : vector<1024x512xi8> to vector<1024x512xi32>
    %get3A_20 = arith.constant 0 : index
    %get3A_21 = arith.constant 0 : index
    %get3A_22 = arith.constant 0 : index
    %get3A_23 = vector.load %arg5[%get3A_20, %get3A_21, %get3A_22] : memref<1x1024x32xi8, #tpu.memory_space<vmem>>, vector<1x1024x32xi8>
    %get3A_24 = vector.shape_cast %get3A_23 : vector<1x1024x32xi8> to vector<1024x32xi8>
    %convert_element_type3A_25 = arith.extui %get3A_24 : vector<1024x32xi8> to vector<1024x32xi32>
    %get3A_26 = arith.constant 0 : index
    %get3A_27 = arith.constant 0 : index
    %get3A_28 = arith.constant 0 : index
    %get3A_29 = vector.load %arg7[%get3A_26, %get3A_27, %get3A_28] : memref<1x1024x512xi8, #tpu.memory_space<vmem>>, vector<1x1024x512xi8>
    %get3A_30 = vector.shape_cast %get3A_29 : vector<1x1024x512xi8> to vector<1024x512xi8>
    %convert_element_type3A_31 = arith.extui %get3A_30 : vector<1024x512xi8> to vector<1024x512xi32>
    %get3A_32 = arith.constant 0 : index
    %get3A_33 = arith.constant 0 : index
    %get3A_34 = arith.constant 0 : index
    %get3A_35 = vector.load %arg8[%get3A_32, %get3A_33, %get3A_34] : memref<1x1024x32xi8, #tpu.memory_space<vmem>>, vector<1x1024x32xi8>
    %get3A_36 = vector.shape_cast %get3A_35 : vector<1x1024x32xi8> to vector<1024x32xi8>
    %convert_element_type3A_37 = arith.extui %get3A_36 : vector<1024x32xi8> to vector<1024x32xi32>
    %get3A_38 = arith.constant 0 : index
    %get3A_39 = arith.constant 0 : index
    %get3A_40 = arith.constant 0 : index
    %get3A_41 = vector.load %arg6[%get3A_38, %get3A_39, %get3A_40] : memref<1x1x1024xf32, #tpu.memory_space<vmem>>, vector<1x1x1024xf32>
    %get3A_42 = vector.shape_cast %get3A_41 : vector<1x1x1024xf32> to vector<1x1024xf32>
    %get3A_43 = arith.constant 0 : index
    %get3A_44 = arith.constant 0 : index
    %get3A_45 = arith.constant 0 : index
    %get3A_46 = vector.load %arg9[%get3A_43, %get3A_44, %get3A_45] : memref<1x1x1024xf32, #tpu.memory_space<vmem>>, vector<1x1x1024xf32>
    %get3A_47 = vector.shape_cast %get3A_46 : vector<1x1x1024xf32> to vector<1x1024xf32>
    %slice3A = vector.extract_strided_slice %convert_element_type3A {offsets = [0, 0], sizes = [512, 512], strides = [1, 1]} : vector<1024x512xi32> to vector<512x512xi32>
    %slice3A_48 = vector.extract_strided_slice %convert_element_type3A_25 {offsets = [0, 0], sizes = [512, 32], strides = [1, 1]} : vector<1024x32xi32> to vector<512x32xi32>
    %shift_left3A = arith.constant 23 : i32
    %shift_left3A_49 = vector.broadcast %shift_left3A : i32 to vector<512x32xi32>
    %shift_left3A_50 = arith.shli %slice3A_48, %shift_left3A_49 : vector<512x32xi32>
    %bitcast_convert_type3A = tpu.bitcast %shift_left3A_50 : vector<512x32xi32> -> vector<512x32xf32>
    %convert_element_type3A_51 = arith.truncf %bitcast_convert_type3A : vector<512x32xf32> to vector<512x32xbf16>
    %iota3A_52 = tpu.iota {dimensions = array<i32: 0>} : vector<32x512xi32>
    %iota3A_53 = tpu.iota {dimensions = array<i32: 1>} : vector<32x512xi32>
    %jit3A_54 = arith.constant 16 : i32
    %div3A = vector.broadcast %jit3A_54 : i32 to vector<32x512xi32>
    %div3A_55 = arith.divsi %iota3A_53, %div3A : vector<32x512xi32>
    %sign3A = arith.constant 0 : i32
    %sign3A_56 = vector.broadcast %sign3A : i32 to vector<32x512xi32>
    %sign3A_57 = arith.cmpi sgt, %iota3A_53, %sign3A_56 : vector<32x512xi32>
    %sign3A_58 = arith.extui %sign3A_57 : vector<32x512xi1> to vector<32x512xi32>
    %sign3A_59 = arith.constant 0 : i32
    %sign3A_60 = vector.broadcast %sign3A_59 : i32 to vector<32x512xi32>
    %sign3A_61 = arith.cmpi slt, %iota3A_53, %sign3A_60 : vector<32x512xi32>
    %sign3A_62 = arith.extui %sign3A_61 : vector<32x512xi1> to vector<32x512xi32>
    %sign3A_63 = arith.subi %sign3A_58, %sign3A_62 : vector<32x512xi32>
    %sign3A_64 = arith.constant 0 : i32
    %sign3A_65 = arith.cmpi sgt, %jit3A_54, %sign3A_64 : i32
    %sign3A_66 = arith.extui %sign3A_65 : i1 to i32
    %sign3A_67 = arith.constant 0 : i32
    %sign3A_68 = arith.cmpi slt, %jit3A_54, %sign3A_67 : i32
    %sign3A_69 = arith.extui %sign3A_68 : i1 to i32
    %sign3A_70 = arith.subi %sign3A_66, %sign3A_69 : i32
    %ne3A = vector.broadcast %sign3A_70 : i32 to vector<32x512xi32>
    %ne3A_71 = arith.cmpi ne, %sign3A_63, %ne3A : vector<32x512xi32>
    %rem3A = vector.broadcast %jit3A_54 : i32 to vector<32x512xi32>
    %rem3A_72 = arith.remsi %iota3A_53, %rem3A : vector<32x512xi32>
    %ne3A_73 = arith.constant 0 : i32
    %ne3A_74 = vector.broadcast %ne3A_73 : i32 to vector<32x512xi32>
    %ne3A_75 = arith.cmpi ne, %rem3A_72, %ne3A_74 : vector<32x512xi32>
    %and3A = arith.andi %ne3A_71, %ne3A_75 : vector<32x512xi1>
    %sub3A = arith.constant 1 : i32
    %sub3A_76 = vector.broadcast %sub3A : i32 to vector<32x512xi32>
    %sub3A_77 = arith.subi %div3A_55, %sub3A_76 : vector<32x512xi32>
    %select_n3A_78 = arith.select %and3A, %sub3A_77, %div3A_55 : vector<32x512xi1>, vector<32x512xi32>
    %eq3A_79 = arith.cmpi eq, %iota3A_52, %select_n3A_78 : vector<32x512xi32>
    %convert_element_type3A_80 = arith.extui %eq3A_79 : vector<32x512xi1> to vector<32x512xi32>
    %convert_element_type3A_81 = arith.sitofp %convert_element_type3A_80 : vector<32x512xi32> to vector<32x512xf32>
    %convert_element_type3A_82 = arith.truncf %convert_element_type3A_81 : vector<32x512xf32> to vector<32x512xbf16>
    %dot_general3A = arith.constant dense<0.000000e+00> : vector<512x512xf32>
    %dot_general3A_83 = tpu.matmul %convert_element_type3A_51, %convert_element_type3A_82, %dot_general3A {dimension_numbers = #tpu.dot_dimension_numbers<[1], [0], [0], [1], [0, 0, 1, 1], [], []>, transpose_lhs_hint = false} : vector<512x32xbf16>, vector<32x512xbf16>, vector<512x512xf32> -> vector<512x512xf32>
    %and3A_84 = arith.constant 15 : i32
    %and3A_85 = vector.broadcast %and3A_84 : i32 to vector<512x512xi32>
    %and3A_86 = arith.andi %slice3A, %and3A_85 : vector<512x512xi32>
    %and3A_87 = arith.constant 6 : i32
    %and3A_88 = vector.broadcast %and3A_87 : i32 to vector<512x512xi32>
    %and3A_89 = arith.andi %and3A_86, %and3A_88 : vector<512x512xi32>
    %eq3A_90 = arith.constant 0 : i32
    %eq3A_91 = vector.broadcast %eq3A_90 : i32 to vector<512x512xi32>
    %eq3A_92 = arith.cmpi eq, %and3A_89, %eq3A_91 : vector<512x512xi32>
    %and3A_93 = arith.constant 1 : i32
    %and3A_94 = vector.broadcast %and3A_93 : i32 to vector<512x512xi32>
    %and3A_95 = arith.andi %and3A_86, %and3A_94 : vector<512x512xi32>
    %mul3A = arith.constant 1056964608 : i32
    %mul3A_96 = vector.broadcast %mul3A : i32 to vector<512x512xi32>
    %mul3A_97 = arith.muli %and3A_95, %mul3A_96 : vector<512x512xi32>
    %and3A_98 = arith.constant 7 : i32
    %and3A_99 = vector.broadcast %and3A_98 : i32 to vector<512x512xi32>
    %and3A_100 = arith.andi %and3A_86, %and3A_99 : vector<512x512xi32>
    %shift_left3A_101 = arith.constant 22 : i32
    %shift_left3A_102 = vector.broadcast %shift_left3A_101 : i32 to vector<512x512xi32>
    %shift_left3A_103 = arith.shli %and3A_100, %shift_left3A_102 : vector<512x512xi32>
    %add3A = arith.constant 1056964608 : i32
    %add3A_104 = vector.broadcast %add3A : i32 to vector<512x512xi32>
    %add3A_105 = arith.addi %add3A_104, %shift_left3A_103 : vector<512x512xi32>
    %select_n3A_106 = arith.select %eq3A_92, %mul3A_97, %add3A_105 : vector<512x512xi1>, vector<512x512xi32>
    %and3A_107 = arith.constant 8 : i32
    %and3A_108 = vector.broadcast %and3A_107 : i32 to vector<512x512xi32>
    %and3A_109 = arith.andi %and3A_86, %and3A_108 : vector<512x512xi32>
    %shift_left3A_110 = arith.constant 28 : i32
    %shift_left3A_111 = vector.broadcast %shift_left3A_110 : i32 to vector<512x512xi32>
    %shift_left3A_112 = arith.shli %and3A_109, %shift_left3A_111 : vector<512x512xi32>
    %or3A = arith.ori %select_n3A_106, %shift_left3A_112 : vector<512x512xi32>
    %bitcast_convert_type3A_113 = tpu.bitcast %or3A : vector<512x512xi32> -> vector<512x512xf32>
    %mul3A_114 = arith.mulf %bitcast_convert_type3A_113, %dot_general3A_83 : vector<512x512xf32>
    %convert_element_type3A_115 = arith.truncf %mul3A_114 : vector<512x512xf32> to vector<512x512xbf16>
    %dot_general3A_116 = arith.constant dense<0.000000e+00> : vector<2048x512xf32>
    %dot_general3A_117 = tpu.matmul %get3A_11, %convert_element_type3A_115, %dot_general3A_116 {dimension_numbers = #tpu.dot_dimension_numbers<[1], [1], [0], [0], [0, 0, 1, 0], [], []>, transpose_lhs_hint = false} : vector<2048x512xbf16>, vector<512x512xbf16>, vector<2048x512xf32> -> vector<2048x512xf32>
    %shift_right_arithmetic3A = arith.constant 4 : i32
    %shift_right_arithmetic3A_118 = vector.broadcast %shift_right_arithmetic3A : i32 to vector<512x512xi32>
    %shift_right_arithmetic3A_119 = arith.shrsi %slice3A, %shift_right_arithmetic3A_118 : vector<512x512xi32>
    %and3A_120 = arith.constant 15 : i32
    %and3A_121 = vector.broadcast %and3A_120 : i32 to vector<512x512xi32>
    %and3A_122 = arith.andi %shift_right_arithmetic3A_119, %and3A_121 : vector<512x512xi32>
    %and3A_123 = arith.constant 6 : i32
    %and3A_124 = vector.broadcast %and3A_123 : i32 to vector<512x512xi32>
    %and3A_125 = arith.andi %and3A_122, %and3A_124 : vector<512x512xi32>
    %eq3A_126 = arith.constant 0 : i32
    %eq3A_127 = vector.broadcast %eq3A_126 : i32 to vector<512x512xi32>
    %eq3A_128 = arith.cmpi eq, %and3A_125, %eq3A_127 : vector<512x512xi32>
    %and3A_129 = arith.constant 1 : i32
    %and3A_130 = vector.broadcast %and3A_129 : i32 to vector<512x512xi32>
    %and3A_131 = arith.andi %and3A_122, %and3A_130 : vector<512x512xi32>
    %mul3A_132 = arith.constant 1056964608 : i32
    %mul3A_133 = vector.broadcast %mul3A_132 : i32 to vector<512x512xi32>
    %mul3A_134 = arith.muli %and3A_131, %mul3A_133 : vector<512x512xi32>
    %and3A_135 = arith.constant 7 : i32
    %and3A_136 = vector.broadcast %and3A_135 : i32 to vector<512x512xi32>
    %and3A_137 = arith.andi %and3A_122, %and3A_136 : vector<512x512xi32>
    %shift_left3A_138 = arith.constant 22 : i32
    %shift_left3A_139 = vector.broadcast %shift_left3A_138 : i32 to vector<512x512xi32>
    %shift_left3A_140 = arith.shli %and3A_137, %shift_left3A_139 : vector<512x512xi32>
    %add3A_141 = arith.constant 1056964608 : i32
    %add3A_142 = vector.broadcast %add3A_141 : i32 to vector<512x512xi32>
    %add3A_143 = arith.addi %add3A_142, %shift_left3A_140 : vector<512x512xi32>
    %select_n3A_144 = arith.select %eq3A_128, %mul3A_134, %add3A_143 : vector<512x512xi1>, vector<512x512xi32>
    %and3A_145 = arith.constant 8 : i32
    %and3A_146 = vector.broadcast %and3A_145 : i32 to vector<512x512xi32>
    %and3A_147 = arith.andi %and3A_122, %and3A_146 : vector<512x512xi32>
    %shift_left3A_148 = arith.constant 28 : i32
    %shift_left3A_149 = vector.broadcast %shift_left3A_148 : i32 to vector<512x512xi32>
    %shift_left3A_150 = arith.shli %and3A_147, %shift_left3A_149 : vector<512x512xi32>
    %or3A_151 = arith.ori %select_n3A_144, %shift_left3A_150 : vector<512x512xi32>
    %bitcast_convert_type3A_152 = tpu.bitcast %or3A_151 : vector<512x512xi32> -> vector<512x512xf32>
    %mul3A_153 = arith.mulf %bitcast_convert_type3A_152, %dot_general3A_83 : vector<512x512xf32>
    %convert_element_type3A_154 = arith.truncf %mul3A_153 : vector<512x512xf32> to vector<512x512xbf16>
    %dot_general3A_155 = arith.constant dense<0.000000e+00> : vector<2048x512xf32>
    %dot_general3A_156 = tpu.matmul %get3A_14, %convert_element_type3A_154, %dot_general3A_155 {dimension_numbers = #tpu.dot_dimension_numbers<[1], [1], [0], [0], [0, 0, 1, 0], [], []>, transpose_lhs_hint = false} : vector<2048x512xbf16>, vector<512x512xbf16>, vector<2048x512xf32> -> vector<2048x512xf32>
    %add3A_157 = arith.addf %dot_general3A_117, %dot_general3A_156 : vector<2048x512xf32>
    %slice3A_158 = vector.extract_strided_slice %get3A_42 {offsets = [0, 0], sizes = [1, 512], strides = [1, 1]} : vector<1x1024xf32> to vector<1x512xf32>
    %add3A_159 = vector.broadcast %slice3A_158 : vector<1x512xf32> to vector<2048x512xf32>
    %add3A_160 = arith.addf %add3A_157, %add3A_159 : vector<2048x512xf32>
    %slice3A_161 = vector.extract_strided_slice %convert_element_type3A_31 {offsets = [0, 0], sizes = [512, 512], strides = [1, 1]} : vector<1024x512xi32> to vector<512x512xi32>
    %slice3A_162 = vector.extract_strided_slice %convert_element_type3A_37 {offsets = [0, 0], sizes = [512, 32], strides = [1, 1]} : vector<1024x32xi32> to vector<512x32xi32>
    %shift_left3A_163 = arith.constant 23 : i32
    %shift_left3A_164 = vector.broadcast %shift_left3A_163 : i32 to vector<512x32xi32>
    %shift_left3A_165 = arith.shli %slice3A_162, %shift_left3A_164 : vector<512x32xi32>
    %bitcast_convert_type3A_166 = tpu.bitcast %shift_left3A_165 : vector<512x32xi32> -> vector<512x32xf32>
    %convert_element_type3A_167 = arith.truncf %bitcast_convert_type3A_166 : vector<512x32xf32> to vector<512x32xbf16>
    %iota3A_168 = tpu.iota {dimensions = array<i32: 0>} : vector<32x512xi32>
    %iota3A_169 = tpu.iota {dimensions = array<i32: 1>} : vector<32x512xi32>
    %jit3A_170 = arith.constant 16 : i32
    %div3A_171 = vector.broadcast %jit3A_170 : i32 to vector<32x512xi32>
    %div3A_172 = arith.divsi %iota3A_169, %div3A_171 : vector<32x512xi32>
    %sign3A_173 = arith.constant 0 : i32
    %sign3A_174 = vector.broadcast %sign3A_173 : i32 to vector<32x512xi32>
    %sign3A_175 = arith.cmpi sgt, %iota3A_169, %sign3A_174 : vector<32x512xi32>
    %sign3A_176 = arith.extui %sign3A_175 : vector<32x512xi1> to vector<32x512xi32>
    %sign3A_177 = arith.constant 0 : i32
    %sign3A_178 = vector.broadcast %sign3A_177 : i32 to vector<32x512xi32>
    %sign3A_179 = arith.cmpi slt, %iota3A_169, %sign3A_178 : vector<32x512xi32>
    %sign3A_180 = arith.extui %sign3A_179 : vector<32x512xi1> to vector<32x512xi32>
    %sign3A_181 = arith.subi %sign3A_176, %sign3A_180 : vector<32x512xi32>
    %sign3A_182 = arith.constant 0 : i32
    %sign3A_183 = arith.cmpi sgt, %jit3A_170, %sign3A_182 : i32
    %sign3A_184 = arith.extui %sign3A_183 : i1 to i32
    %sign3A_185 = arith.constant 0 : i32
    %sign3A_186 = arith.cmpi slt, %jit3A_170, %sign3A_185 : i32
    %sign3A_187 = arith.extui %sign3A_186 : i1 to i32
    %sign3A_188 = arith.subi %sign3A_184, %sign3A_187 : i32
    %ne3A_189 = vector.broadcast %sign3A_188 : i32 to vector<32x512xi32>
    %ne3A_190 = arith.cmpi ne, %sign3A_181, %ne3A_189 : vector<32x512xi32>
    %rem3A_191 = vector.broadcast %jit3A_170 : i32 to vector<32x512xi32>
    %rem3A_192 = arith.remsi %iota3A_169, %rem3A_191 : vector<32x512xi32>
    %ne3A_193 = arith.constant 0 : i32
    %ne3A_194 = vector.broadcast %ne3A_193 : i32 to vector<32x512xi32>
    %ne3A_195 = arith.cmpi ne, %rem3A_192, %ne3A_194 : vector<32x512xi32>
    %and3A_196 = arith.andi %ne3A_190, %ne3A_195 : vector<32x512xi1>
    %sub3A_197 = arith.constant 1 : i32
    %sub3A_198 = vector.broadcast %sub3A_197 : i32 to vector<32x512xi32>
    %sub3A_199 = arith.subi %div3A_172, %sub3A_198 : vector<32x512xi32>
    %select_n3A_200 = arith.select %and3A_196, %sub3A_199, %div3A_172 : vector<32x512xi1>, vector<32x512xi32>
    %eq3A_201 = arith.cmpi eq, %iota3A_168, %select_n3A_200 : vector<32x512xi32>
    %convert_element_type3A_202 = arith.extui %eq3A_201 : vector<32x512xi1> to vector<32x512xi32>
    %convert_element_type3A_203 = arith.sitofp %convert_element_type3A_202 : vector<32x512xi32> to vector<32x512xf32>
    %convert_element_type3A_204 = arith.truncf %convert_element_type3A_203 : vector<32x512xf32> to vector<32x512xbf16>
    %dot_general3A_205 = arith.constant dense<0.000000e+00> : vector<512x512xf32>
    %dot_general3A_206 = tpu.matmul %convert_element_type3A_167, %convert_element_type3A_204, %dot_general3A_205 {dimension_numbers = #tpu.dot_dimension_numbers<[1], [0], [0], [1], [0, 0, 1, 1], [], []>, transpose_lhs_hint = false} : vector<512x32xbf16>, vector<32x512xbf16>, vector<512x512xf32> -> vector<512x512xf32>
    %and3A_207 = arith.constant 15 : i32
    %and3A_208 = vector.broadcast %and3A_207 : i32 to vector<512x512xi32>
    %and3A_209 = arith.andi %slice3A_161, %and3A_208 : vector<512x512xi32>
    %and3A_210 = arith.constant 6 : i32
    %and3A_211 = vector.broadcast %and3A_210 : i32 to vector<512x512xi32>
    %and3A_212 = arith.andi %and3A_209, %and3A_211 : vector<512x512xi32>
    %eq3A_213 = arith.constant 0 : i32
    %eq3A_214 = vector.broadcast %eq3A_213 : i32 to vector<512x512xi32>
    %eq3A_215 = arith.cmpi eq, %and3A_212, %eq3A_214 : vector<512x512xi32>
    %and3A_216 = arith.constant 1 : i32
    %and3A_217 = vector.broadcast %and3A_216 : i32 to vector<512x512xi32>
    %and3A_218 = arith.andi %and3A_209, %and3A_217 : vector<512x512xi32>
    %mul3A_219 = arith.constant 1056964608 : i32
    %mul3A_220 = vector.broadcast %mul3A_219 : i32 to vector<512x512xi32>
    %mul3A_221 = arith.muli %and3A_218, %mul3A_220 : vector<512x512xi32>
    %and3A_222 = arith.constant 7 : i32
    %and3A_223 = vector.broadcast %and3A_222 : i32 to vector<512x512xi32>
    %and3A_224 = arith.andi %and3A_209, %and3A_223 : vector<512x512xi32>
    %shift_left3A_225 = arith.constant 22 : i32
    %shift_left3A_226 = vector.broadcast %shift_left3A_225 : i32 to vector<512x512xi32>
    %shift_left3A_227 = arith.shli %and3A_224, %shift_left3A_226 : vector<512x512xi32>
    %add3A_228 = arith.constant 1056964608 : i32
    %add3A_229 = vector.broadcast %add3A_228 : i32 to vector<512x512xi32>
    %add3A_230 = arith.addi %add3A_229, %shift_left3A_227 : vector<512x512xi32>
    %select_n3A_231 = arith.select %eq3A_215, %mul3A_221, %add3A_230 : vector<512x512xi1>, vector<512x512xi32>
    %and3A_232 = arith.constant 8 : i32
    %and3A_233 = vector.broadcast %and3A_232 : i32 to vector<512x512xi32>
    %and3A_234 = arith.andi %and3A_209, %and3A_233 : vector<512x512xi32>
    %shift_left3A_235 = arith.constant 28 : i32
    %shift_left3A_236 = vector.broadcast %shift_left3A_235 : i32 to vector<512x512xi32>
    %shift_left3A_237 = arith.shli %and3A_234, %shift_left3A_236 : vector<512x512xi32>
    %or3A_238 = arith.ori %select_n3A_231, %shift_left3A_237 : vector<512x512xi32>
    %bitcast_convert_type3A_239 = tpu.bitcast %or3A_238 : vector<512x512xi32> -> vector<512x512xf32>
    %mul3A_240 = arith.mulf %bitcast_convert_type3A_239, %dot_general3A_206 : vector<512x512xf32>
    %convert_element_type3A_241 = arith.truncf %mul3A_240 : vector<512x512xf32> to vector<512x512xbf16>
    %dot_general3A_242 = arith.constant dense<0.000000e+00> : vector<2048x512xf32>
    %dot_general3A_243 = tpu.matmul %get3A_11, %convert_element_type3A_241, %dot_general3A_242 {dimension_numbers = #tpu.dot_dimension_numbers<[1], [1], [0], [0], [0, 0, 1, 0], [], []>, transpose_lhs_hint = false} : vector<2048x512xbf16>, vector<512x512xbf16>, vector<2048x512xf32> -> vector<2048x512xf32>
    %shift_right_arithmetic3A_244 = arith.constant 4 : i32
    %shift_right_arithmetic3A_245 = vector.broadcast %shift_right_arithmetic3A_244 : i32 to vector<512x512xi32>
    %shift_right_arithmetic3A_246 = arith.shrsi %slice3A_161, %shift_right_arithmetic3A_245 : vector<512x512xi32>
    %and3A_247 = arith.constant 15 : i32
    %and3A_248 = vector.broadcast %and3A_247 : i32 to vector<512x512xi32>
    %and3A_249 = arith.andi %shift_right_arithmetic3A_246, %and3A_248 : vector<512x512xi32>
    %and3A_250 = arith.constant 6 : i32
    %and3A_251 = vector.broadcast %and3A_250 : i32 to vector<512x512xi32>
    %and3A_252 = arith.andi %and3A_249, %and3A_251 : vector<512x512xi32>
    %eq3A_253 = arith.constant 0 : i32
    %eq3A_254 = vector.broadcast %eq3A_253 : i32 to vector<512x512xi32>
    %eq3A_255 = arith.cmpi eq, %and3A_252, %eq3A_254 : vector<512x512xi32>
    %and3A_256 = arith.constant 1 : i32
    %and3A_257 = vector.broadcast %and3A_256 : i32 to vector<512x512xi32>
    %and3A_258 = arith.andi %and3A_249, %and3A_257 : vector<512x512xi32>
    %mul3A_259 = arith.constant 1056964608 : i32
    %mul3A_260 = vector.broadcast %mul3A_259 : i32 to vector<512x512xi32>
    %mul3A_261 = arith.muli %and3A_258, %mul3A_260 : vector<512x512xi32>
    %and3A_262 = arith.constant 7 : i32
    %and3A_263 = vector.broadcast %and3A_262 : i32 to vector<512x512xi32>
    %and3A_264 = arith.andi %and3A_249, %and3A_263 : vector<512x512xi32>
    %shift_left3A_265 = arith.constant 22 : i32
    %shift_left3A_266 = vector.broadcast %shift_left3A_265 : i32 to vector<512x512xi32>
    %shift_left3A_267 = arith.shli %and3A_264, %shift_left3A_266 : vector<512x512xi32>
    %add3A_268 = arith.constant 1056964608 : i32
    %add3A_269 = vector.broadcast %add3A_268 : i32 to vector<512x512xi32>
    %add3A_270 = arith.addi %add3A_269, %shift_left3A_267 : vector<512x512xi32>
    %select_n3A_271 = arith.select %eq3A_255, %mul3A_261, %add3A_270 : vector<512x512xi1>, vector<512x512xi32>
    %and3A_272 = arith.constant 8 : i32
    %and3A_273 = vector.broadcast %and3A_272 : i32 to vector<512x512xi32>
    %and3A_274 = arith.andi %and3A_249, %and3A_273 : vector<512x512xi32>
    %shift_left3A_275 = arith.constant 28 : i32
    %shift_left3A_276 = vector.broadcast %shift_left3A_275 : i32 to vector<512x512xi32>
    %shift_left3A_277 = arith.shli %and3A_274, %shift_left3A_276 : vector<512x512xi32>
    %or3A_278 = arith.ori %select_n3A_271, %shift_left3A_277 : vector<512x512xi32>
    %bitcast_convert_type3A_279 = tpu.bitcast %or3A_278 : vector<512x512xi32> -> vector<512x512xf32>
    %mul3A_280 = arith.mulf %bitcast_convert_type3A_279, %dot_general3A_206 : vector<512x512xf32>
    %convert_element_type3A_281 = arith.truncf %mul3A_280 : vector<512x512xf32> to vector<512x512xbf16>
    %dot_general3A_282 = arith.constant dense<0.000000e+00> : vector<2048x512xf32>
    %dot_general3A_283 = tpu.matmul %get3A_14, %convert_element_type3A_281, %dot_general3A_282 {dimension_numbers = #tpu.dot_dimension_numbers<[1], [1], [0], [0], [0, 0, 1, 0], [], []>, transpose_lhs_hint = false} : vector<2048x512xbf16>, vector<512x512xbf16>, vector<2048x512xf32> -> vector<2048x512xf32>
    %add3A_284 = arith.addf %dot_general3A_243, %dot_general3A_283 : vector<2048x512xf32>
    %slice3A_285 = vector.extract_strided_slice %get3A_47 {offsets = [0, 0], sizes = [1, 512], strides = [1, 1]} : vector<1x1024xf32> to vector<1x512xf32>
    %add3A_286 = vector.broadcast %slice3A_285 : vector<1x512xf32> to vector<2048x512xf32>
    %add3A_287 = arith.addf %add3A_284, %add3A_286 : vector<2048x512xf32>
    %min3A = vector.broadcast %get3A_8 : f32 to vector<2048x512xf32>
    %min3A_288 = arith.minimumf %add3A_160, %min3A : vector<2048x512xf32>
    %neg3A = arith.constant 0.000000e+00 : f32
    %neg3A_289 = arith.subf %neg3A, %get3A_8 : f32
    %max3A = vector.broadcast %neg3A_289 : f32 to vector<2048x512xf32>
    %max3A_290 = arith.maximumf %max3A, %add3A_287 : vector<2048x512xf32>
    %min3A_291 = vector.broadcast %get3A_8 : f32 to vector<2048x512xf32>
    %min3A_292 = arith.minimumf %min3A_291, %max3A_290 : vector<2048x512xf32>
    %mul3A_293 = vector.broadcast %get3A_6 : f32 to vector<2048x512xf32>
    %mul3A_294 = arith.mulf %min3A_288, %mul3A_293 : vector<2048x512xf32>
    %logistic3A = arith.negf %mul3A_294 : vector<2048x512xf32>
    %logistic3A_295 = math.exp %logistic3A : vector<2048x512xf32>
    %logistic3A_296 = arith.constant 1.000000e+00 : f32
    %logistic3A_297 = vector.broadcast %logistic3A_296 : f32 to vector<2048x512xf32>
    %logistic3A_298 = arith.addf %logistic3A_297, %logistic3A_295 : vector<2048x512xf32>
    %logistic3A_299 = arith.divf %logistic3A_297, %logistic3A_298 : vector<2048x512xf32>
    %mul3A_300 = arith.mulf %min3A_288, %logistic3A_299 : vector<2048x512xf32>
    %add3A_301 = arith.constant 1.000000e+00 : f32
    %add3A_302 = vector.broadcast %add3A_301 : f32 to vector<2048x512xf32>
    %add3A_303 = arith.addf %min3A_292, %add3A_302 : vector<2048x512xf32>
    %mul3A_304 = arith.mulf %add3A_303, %mul3A_300 : vector<2048x512xf32>
    %convert_element_type3A_305 = arith.truncf %mul3A_304 : vector<2048x512xf32> to vector<2048x512xbf16>
    %slice3A_306 = vector.extract_strided_slice %convert_element_type3A {offsets = [512, 0], sizes = [512, 512], strides = [1, 1]} : vector<1024x512xi32> to vector<512x512xi32>
    %slice3A_307 = vector.extract_strided_slice %convert_element_type3A_25 {offsets = [512, 0], sizes = [512, 32], strides = [1, 1]} : vector<1024x32xi32> to vector<512x32xi32>
    %shift_left3A_308 = arith.constant 23 : i32
    %shift_left3A_309 = vector.broadcast %shift_left3A_308 : i32 to vector<512x32xi32>
    %shift_left3A_310 = arith.shli %slice3A_307, %shift_left3A_309 : vector<512x32xi32>
    %bitcast_convert_type3A_311 = tpu.bitcast %shift_left3A_310 : vector<512x32xi32> -> vector<512x32xf32>
    %convert_element_type3A_312 = arith.truncf %bitcast_convert_type3A_311 : vector<512x32xf32> to vector<512x32xbf16>
    %iota3A_313 = tpu.iota {dimensions = array<i32: 0>} : vector<32x512xi32>
    %iota3A_314 = tpu.iota {dimensions = array<i32: 1>} : vector<32x512xi32>
    %jit3A_315 = arith.constant 16 : i32
    %div3A_316 = vector.broadcast %jit3A_315 : i32 to vector<32x512xi32>
    %div3A_317 = arith.divsi %iota3A_314, %div3A_316 : vector<32x512xi32>
    %sign3A_318 = arith.constant 0 : i32
    %sign3A_319 = vector.broadcast %sign3A_318 : i32 to vector<32x512xi32>
    %sign3A_320 = arith.cmpi sgt, %iota3A_314, %sign3A_319 : vector<32x512xi32>
    %sign3A_321 = arith.extui %sign3A_320 : vector<32x512xi1> to vector<32x512xi32>
    %sign3A_322 = arith.constant 0 : i32
    %sign3A_323 = vector.broadcast %sign3A_322 : i32 to vector<32x512xi32>
    %sign3A_324 = arith.cmpi slt, %iota3A_314, %sign3A_323 : vector<32x512xi32>
    %sign3A_325 = arith.extui %sign3A_324 : vector<32x512xi1> to vector<32x512xi32>
    %sign3A_326 = arith.subi %sign3A_321, %sign3A_325 : vector<32x512xi32>
    %sign3A_327 = arith.constant 0 : i32
    %sign3A_328 = arith.cmpi sgt, %jit3A_315, %sign3A_327 : i32
    %sign3A_329 = arith.extui %sign3A_328 : i1 to i32
    %sign3A_330 = arith.constant 0 : i32
    %sign3A_331 = arith.cmpi slt, %jit3A_315, %sign3A_330 : i32
    %sign3A_332 = arith.extui %sign3A_331 : i1 to i32
    %sign3A_333 = arith.subi %sign3A_329, %sign3A_332 : i32
    %ne3A_334 = vector.broadcast %sign3A_333 : i32 to vector<32x512xi32>
    %ne3A_335 = arith.cmpi ne, %sign3A_326, %ne3A_334 : vector<32x512xi32>
    %rem3A_336 = vector.broadcast %jit3A_315 : i32 to vector<32x512xi32>
    %rem3A_337 = arith.remsi %iota3A_314, %rem3A_336 : vector<32x512xi32>
    %ne3A_338 = arith.constant 0 : i32
    %ne3A_339 = vector.broadcast %ne3A_338 : i32 to vector<32x512xi32>
    %ne3A_340 = arith.cmpi ne, %rem3A_337, %ne3A_339 : vector<32x512xi32>
    %and3A_341 = arith.andi %ne3A_335, %ne3A_340 : vector<32x512xi1>
    %sub3A_342 = arith.constant 1 : i32
    %sub3A_343 = vector.broadcast %sub3A_342 : i32 to vector<32x512xi32>
    %sub3A_344 = arith.subi %div3A_317, %sub3A_343 : vector<32x512xi32>
    %select_n3A_345 = arith.select %and3A_341, %sub3A_344, %div3A_317 : vector<32x512xi1>, vector<32x512xi32>
    %eq3A_346 = arith.cmpi eq, %iota3A_313, %select_n3A_345 : vector<32x512xi32>
    %convert_element_type3A_347 = arith.extui %eq3A_346 : vector<32x512xi1> to vector<32x512xi32>
    %convert_element_type3A_348 = arith.sitofp %convert_element_type3A_347 : vector<32x512xi32> to vector<32x512xf32>
    %convert_element_type3A_349 = arith.truncf %convert_element_type3A_348 : vector<32x512xf32> to vector<32x512xbf16>
    %dot_general3A_350 = arith.constant dense<0.000000e+00> : vector<512x512xf32>
    %dot_general3A_351 = tpu.matmul %convert_element_type3A_312, %convert_element_type3A_349, %dot_general3A_350 {dimension_numbers = #tpu.dot_dimension_numbers<[1], [0], [0], [1], [0, 0, 1, 1], [], []>, transpose_lhs_hint = false} : vector<512x32xbf16>, vector<32x512xbf16>, vector<512x512xf32> -> vector<512x512xf32>
    %and3A_352 = arith.constant 15 : i32
    %and3A_353 = vector.broadcast %and3A_352 : i32 to vector<512x512xi32>
    %and3A_354 = arith.andi %slice3A_306, %and3A_353 : vector<512x512xi32>
    %and3A_355 = arith.constant 6 : i32
    %and3A_356 = vector.broadcast %and3A_355 : i32 to vector<512x512xi32>
    %and3A_357 = arith.andi %and3A_354, %and3A_356 : vector<512x512xi32>
    %eq3A_358 = arith.constant 0 : i32
    %eq3A_359 = vector.broadcast %eq3A_358 : i32 to vector<512x512xi32>
    %eq3A_360 = arith.cmpi eq, %and3A_357, %eq3A_359 : vector<512x512xi32>
    %and3A_361 = arith.constant 1 : i32
    %and3A_362 = vector.broadcast %and3A_361 : i32 to vector<512x512xi32>
    %and3A_363 = arith.andi %and3A_354, %and3A_362 : vector<512x512xi32>
    %mul3A_364 = arith.constant 1056964608 : i32
    %mul3A_365 = vector.broadcast %mul3A_364 : i32 to vector<512x512xi32>
    %mul3A_366 = arith.muli %and3A_363, %mul3A_365 : vector<512x512xi32>
    %and3A_367 = arith.constant 7 : i32
    %and3A_368 = vector.broadcast %and3A_367 : i32 to vector<512x512xi32>
    %and3A_369 = arith.andi %and3A_354, %and3A_368 : vector<512x512xi32>
    %shift_left3A_370 = arith.constant 22 : i32
    %shift_left3A_371 = vector.broadcast %shift_left3A_370 : i32 to vector<512x512xi32>
    %shift_left3A_372 = arith.shli %and3A_369, %shift_left3A_371 : vector<512x512xi32>
    %add3A_373 = arith.constant 1056964608 : i32
    %add3A_374 = vector.broadcast %add3A_373 : i32 to vector<512x512xi32>
    %add3A_375 = arith.addi %add3A_374, %shift_left3A_372 : vector<512x512xi32>
    %select_n3A_376 = arith.select %eq3A_360, %mul3A_366, %add3A_375 : vector<512x512xi1>, vector<512x512xi32>
    %and3A_377 = arith.constant 8 : i32
    %and3A_378 = vector.broadcast %and3A_377 : i32 to vector<512x512xi32>
    %and3A_379 = arith.andi %and3A_354, %and3A_378 : vector<512x512xi32>
    %shift_left3A_380 = arith.constant 28 : i32
    %shift_left3A_381 = vector.broadcast %shift_left3A_380 : i32 to vector<512x512xi32>
    %shift_left3A_382 = arith.shli %and3A_379, %shift_left3A_381 : vector<512x512xi32>
    %or3A_383 = arith.ori %select_n3A_376, %shift_left3A_382 : vector<512x512xi32>
    %bitcast_convert_type3A_384 = tpu.bitcast %or3A_383 : vector<512x512xi32> -> vector<512x512xf32>
    %mul3A_385 = arith.mulf %bitcast_convert_type3A_384, %dot_general3A_351 : vector<512x512xf32>
    %convert_element_type3A_386 = arith.truncf %mul3A_385 : vector<512x512xf32> to vector<512x512xbf16>
    %dot_general3A_387 = arith.constant dense<0.000000e+00> : vector<2048x512xf32>
    %dot_general3A_388 = tpu.matmul %get3A_11, %convert_element_type3A_386, %dot_general3A_387 {dimension_numbers = #tpu.dot_dimension_numbers<[1], [1], [0], [0], [0, 0, 1, 0], [], []>, transpose_lhs_hint = false} : vector<2048x512xbf16>, vector<512x512xbf16>, vector<2048x512xf32> -> vector<2048x512xf32>
    %shift_right_arithmetic3A_389 = arith.constant 4 : i32
    %shift_right_arithmetic3A_390 = vector.broadcast %shift_right_arithmetic3A_389 : i32 to vector<512x512xi32>
    %shift_right_arithmetic3A_391 = arith.shrsi %slice3A_306, %shift_right_arithmetic3A_390 : vector<512x512xi32>
    %and3A_392 = arith.constant 15 : i32
    %and3A_393 = vector.broadcast %and3A_392 : i32 to vector<512x512xi32>
    %and3A_394 = arith.andi %shift_right_arithmetic3A_391, %and3A_393 : vector<512x512xi32>
    %and3A_395 = arith.constant 6 : i32
    %and3A_396 = vector.broadcast %and3A_395 : i32 to vector<512x512xi32>
    %and3A_397 = arith.andi %and3A_394, %and3A_396 : vector<512x512xi32>
    %eq3A_398 = arith.constant 0 : i32
    %eq3A_399 = vector.broadcast %eq3A_398 : i32 to vector<512x512xi32>
    %eq3A_400 = arith.cmpi eq, %and3A_397, %eq3A_399 : vector<512x512xi32>
    %and3A_401 = arith.constant 1 : i32
    %and3A_402 = vector.broadcast %and3A_401 : i32 to vector<512x512xi32>
    %and3A_403 = arith.andi %and3A_394, %and3A_402 : vector<512x512xi32>
    %mul3A_404 = arith.constant 1056964608 : i32
    %mul3A_405 = vector.broadcast %mul3A_404 : i32 to vector<512x512xi32>
    %mul3A_406 = arith.muli %and3A_403, %mul3A_405 : vector<512x512xi32>
    %and3A_407 = arith.constant 7 : i32
    %and3A_408 = vector.broadcast %and3A_407 : i32 to vector<512x512xi32>
    %and3A_409 = arith.andi %and3A_394, %and3A_408 : vector<512x512xi32>
    %shift_left3A_410 = arith.constant 22 : i32
    %shift_left3A_411 = vector.broadcast %shift_left3A_410 : i32 to vector<512x512xi32>
    %shift_left3A_412 = arith.shli %and3A_409, %shift_left3A_411 : vector<512x512xi32>
    %add3A_413 = arith.constant 1056964608 : i32
    %add3A_414 = vector.broadcast %add3A_413 : i32 to vector<512x512xi32>
    %add3A_415 = arith.addi %add3A_414, %shift_left3A_412 : vector<512x512xi32>
    %select_n3A_416 = arith.select %eq3A_400, %mul3A_406, %add3A_415 : vector<512x512xi1>, vector<512x512xi32>
    %and3A_417 = arith.constant 8 : i32
    %and3A_418 = vector.broadcast %and3A_417 : i32 to vector<512x512xi32>
    %and3A_419 = arith.andi %and3A_394, %and3A_418 : vector<512x512xi32>
    %shift_left3A_420 = arith.constant 28 : i32
    %shift_left3A_421 = vector.broadcast %shift_left3A_420 : i32 to vector<512x512xi32>
    %shift_left3A_422 = arith.shli %and3A_419, %shift_left3A_421 : vector<512x512xi32>
    %or3A_423 = arith.ori %select_n3A_416, %shift_left3A_422 : vector<512x512xi32>
    %bitcast_convert_type3A_424 = tpu.bitcast %or3A_423 : vector<512x512xi32> -> vector<512x512xf32>
    %mul3A_425 = arith.mulf %bitcast_convert_type3A_424, %dot_general3A_351 : vector<512x512xf32>
    %convert_element_type3A_426 = arith.truncf %mul3A_425 : vector<512x512xf32> to vector<512x512xbf16>
    %dot_general3A_427 = arith.constant dense<0.000000e+00> : vector<2048x512xf32>
    %dot_general3A_428 = tpu.matmul %get3A_14, %convert_element_type3A_426, %dot_general3A_427 {dimension_numbers = #tpu.dot_dimension_numbers<[1], [1], [0], [0], [0, 0, 1, 0], [], []>, transpose_lhs_hint = false} : vector<2048x512xbf16>, vector<512x512xbf16>, vector<2048x512xf32> -> vector<2048x512xf32>
    %add3A_429 = arith.addf %dot_general3A_388, %dot_general3A_428 : vector<2048x512xf32>
    %slice3A_430 = vector.extract_strided_slice %get3A_42 {offsets = [0, 512], sizes = [1, 512], strides = [1, 1]} : vector<1x1024xf32> to vector<1x512xf32>
    %add3A_431 = vector.broadcast %slice3A_430 : vector<1x512xf32> to vector<2048x512xf32>
    %add3A_432 = arith.addf %add3A_429, %add3A_431 : vector<2048x512xf32>
    %slice3A_433 = vector.extract_strided_slice %convert_element_type3A_31 {offsets = [512, 0], sizes = [512, 512], strides = [1, 1]} : vector<1024x512xi32> to vector<512x512xi32>
    %slice3A_434 = vector.extract_strided_slice %convert_element_type3A_37 {offsets = [512, 0], sizes = [512, 32], strides = [1, 1]} : vector<1024x32xi32> to vector<512x32xi32>
    %shift_left3A_435 = arith.constant 23 : i32
    %shift_left3A_436 = vector.broadcast %shift_left3A_435 : i32 to vector<512x32xi32>
    %shift_left3A_437 = arith.shli %slice3A_434, %shift_left3A_436 : vector<512x32xi32>
    %bitcast_convert_type3A_438 = tpu.bitcast %shift_left3A_437 : vector<512x32xi32> -> vector<512x32xf32>
    %convert_element_type3A_439 = arith.truncf %bitcast_convert_type3A_438 : vector<512x32xf32> to vector<512x32xbf16>
    %iota3A_440 = tpu.iota {dimensions = array<i32: 0>} : vector<32x512xi32>
    %iota3A_441 = tpu.iota {dimensions = array<i32: 1>} : vector<32x512xi32>
    %jit3A_442 = arith.constant 16 : i32
    %div3A_443 = vector.broadcast %jit3A_442 : i32 to vector<32x512xi32>
    %div3A_444 = arith.divsi %iota3A_441, %div3A_443 : vector<32x512xi32>
    %sign3A_445 = arith.constant 0 : i32
    %sign3A_446 = vector.broadcast %sign3A_445 : i32 to vector<32x512xi32>
    %sign3A_447 = arith.cmpi sgt, %iota3A_441, %sign3A_446 : vector<32x512xi32>
    %sign3A_448 = arith.extui %sign3A_447 : vector<32x512xi1> to vector<32x512xi32>
    %sign3A_449 = arith.constant 0 : i32
    %sign3A_450 = vector.broadcast %sign3A_449 : i32 to vector<32x512xi32>
    %sign3A_451 = arith.cmpi slt, %iota3A_441, %sign3A_450 : vector<32x512xi32>
    %sign3A_452 = arith.extui %sign3A_451 : vector<32x512xi1> to vector<32x512xi32>
    %sign3A_453 = arith.subi %sign3A_448, %sign3A_452 : vector<32x512xi32>
    %sign3A_454 = arith.constant 0 : i32
    %sign3A_455 = arith.cmpi sgt, %jit3A_442, %sign3A_454 : i32
    %sign3A_456 = arith.extui %sign3A_455 : i1 to i32
    %sign3A_457 = arith.constant 0 : i32
    %sign3A_458 = arith.cmpi slt, %jit3A_442, %sign3A_457 : i32
    %sign3A_459 = arith.extui %sign3A_458 : i1 to i32
    %sign3A_460 = arith.subi %sign3A_456, %sign3A_459 : i32
    %ne3A_461 = vector.broadcast %sign3A_460 : i32 to vector<32x512xi32>
    %ne3A_462 = arith.cmpi ne, %sign3A_453, %ne3A_461 : vector<32x512xi32>
    %rem3A_463 = vector.broadcast %jit3A_442 : i32 to vector<32x512xi32>
    %rem3A_464 = arith.remsi %iota3A_441, %rem3A_463 : vector<32x512xi32>
    %ne3A_465 = arith.constant 0 : i32
    %ne3A_466 = vector.broadcast %ne3A_465 : i32 to vector<32x512xi32>
    %ne3A_467 = arith.cmpi ne, %rem3A_464, %ne3A_466 : vector<32x512xi32>
    %and3A_468 = arith.andi %ne3A_462, %ne3A_467 : vector<32x512xi1>
    %sub3A_469 = arith.constant 1 : i32
    %sub3A_470 = vector.broadcast %sub3A_469 : i32 to vector<32x512xi32>
    %sub3A_471 = arith.subi %div3A_444, %sub3A_470 : vector<32x512xi32>
    %select_n3A_472 = arith.select %and3A_468, %sub3A_471, %div3A_444 : vector<32x512xi1>, vector<32x512xi32>
    %eq3A_473 = arith.cmpi eq, %iota3A_440, %select_n3A_472 : vector<32x512xi32>
    %convert_element_type3A_474 = arith.extui %eq3A_473 : vector<32x512xi1> to vector<32x512xi32>
    %convert_element_type3A_475 = arith.sitofp %convert_element_type3A_474 : vector<32x512xi32> to vector<32x512xf32>
    %convert_element_type3A_476 = arith.truncf %convert_element_type3A_475 : vector<32x512xf32> to vector<32x512xbf16>
    %dot_general3A_477 = arith.constant dense<0.000000e+00> : vector<512x512xf32>
    %dot_general3A_478 = tpu.matmul %convert_element_type3A_439, %convert_element_type3A_476, %dot_general3A_477 {dimension_numbers = #tpu.dot_dimension_numbers<[1], [0], [0], [1], [0, 0, 1, 1], [], []>, transpose_lhs_hint = false} : vector<512x32xbf16>, vector<32x512xbf16>, vector<512x512xf32> -> vector<512x512xf32>
    %and3A_479 = arith.constant 15 : i32
    %and3A_480 = vector.broadcast %and3A_479 : i32 to vector<512x512xi32>
    %and3A_481 = arith.andi %slice3A_433, %and3A_480 : vector<512x512xi32>
    %and3A_482 = arith.constant 6 : i32
    %and3A_483 = vector.broadcast %and3A_482 : i32 to vector<512x512xi32>
    %and3A_484 = arith.andi %and3A_481, %and3A_483 : vector<512x512xi32>
    %eq3A_485 = arith.constant 0 : i32
    %eq3A_486 = vector.broadcast %eq3A_485 : i32 to vector<512x512xi32>
    %eq3A_487 = arith.cmpi eq, %and3A_484, %eq3A_486 : vector<512x512xi32>
    %and3A_488 = arith.constant 1 : i32
    %and3A_489 = vector.broadcast %and3A_488 : i32 to vector<512x512xi32>
    %and3A_490 = arith.andi %and3A_481, %and3A_489 : vector<512x512xi32>
    %mul3A_491 = arith.constant 1056964608 : i32
    %mul3A_492 = vector.broadcast %mul3A_491 : i32 to vector<512x512xi32>
    %mul3A_493 = arith.muli %and3A_490, %mul3A_492 : vector<512x512xi32>
    %and3A_494 = arith.constant 7 : i32
    %and3A_495 = vector.broadcast %and3A_494 : i32 to vector<512x512xi32>
    %and3A_496 = arith.andi %and3A_481, %and3A_495 : vector<512x512xi32>
    %shift_left3A_497 = arith.constant 22 : i32
    %shift_left3A_498 = vector.broadcast %shift_left3A_497 : i32 to vector<512x512xi32>
    %shift_left3A_499 = arith.shli %and3A_496, %shift_left3A_498 : vector<512x512xi32>
    %add3A_500 = arith.constant 1056964608 : i32
    %add3A_501 = vector.broadcast %add3A_500 : i32 to vector<512x512xi32>
    %add3A_502 = arith.addi %add3A_501, %shift_left3A_499 : vector<512x512xi32>
    %select_n3A_503 = arith.select %eq3A_487, %mul3A_493, %add3A_502 : vector<512x512xi1>, vector<512x512xi32>
    %and3A_504 = arith.constant 8 : i32
    %and3A_505 = vector.broadcast %and3A_504 : i32 to vector<512x512xi32>
    %and3A_506 = arith.andi %and3A_481, %and3A_505 : vector<512x512xi32>
    %shift_left3A_507 = arith.constant 28 : i32
    %shift_left3A_508 = vector.broadcast %shift_left3A_507 : i32 to vector<512x512xi32>
    %shift_left3A_509 = arith.shli %and3A_506, %shift_left3A_508 : vector<512x512xi32>
    %or3A_510 = arith.ori %select_n3A_503, %shift_left3A_509 : vector<512x512xi32>
    %bitcast_convert_type3A_511 = tpu.bitcast %or3A_510 : vector<512x512xi32> -> vector<512x512xf32>
    %mul3A_512 = arith.mulf %bitcast_convert_type3A_511, %dot_general3A_478 : vector<512x512xf32>
    %convert_element_type3A_513 = arith.truncf %mul3A_512 : vector<512x512xf32> to vector<512x512xbf16>
    %dot_general3A_514 = arith.constant dense<0.000000e+00> : vector<2048x512xf32>
    %dot_general3A_515 = tpu.matmul %get3A_11, %convert_element_type3A_513, %dot_general3A_514 {dimension_numbers = #tpu.dot_dimension_numbers<[1], [1], [0], [0], [0, 0, 1, 0], [], []>, transpose_lhs_hint = false} : vector<2048x512xbf16>, vector<512x512xbf16>, vector<2048x512xf32> -> vector<2048x512xf32>
    %shift_right_arithmetic3A_516 = arith.constant 4 : i32
    %shift_right_arithmetic3A_517 = vector.broadcast %shift_right_arithmetic3A_516 : i32 to vector<512x512xi32>
    %shift_right_arithmetic3A_518 = arith.shrsi %slice3A_433, %shift_right_arithmetic3A_517 : vector<512x512xi32>
    %and3A_519 = arith.constant 15 : i32
    %and3A_520 = vector.broadcast %and3A_519 : i32 to vector<512x512xi32>
    %and3A_521 = arith.andi %shift_right_arithmetic3A_518, %and3A_520 : vector<512x512xi32>
    %and3A_522 = arith.constant 6 : i32
    %and3A_523 = vector.broadcast %and3A_522 : i32 to vector<512x512xi32>
    %and3A_524 = arith.andi %and3A_521, %and3A_523 : vector<512x512xi32>
    %eq3A_525 = arith.constant 0 : i32
    %eq3A_526 = vector.broadcast %eq3A_525 : i32 to vector<512x512xi32>
    %eq3A_527 = arith.cmpi eq, %and3A_524, %eq3A_526 : vector<512x512xi32>
    %and3A_528 = arith.constant 1 : i32
    %and3A_529 = vector.broadcast %and3A_528 : i32 to vector<512x512xi32>
    %and3A_530 = arith.andi %and3A_521, %and3A_529 : vector<512x512xi32>
    %mul3A_531 = arith.constant 1056964608 : i32
    %mul3A_532 = vector.broadcast %mul3A_531 : i32 to vector<512x512xi32>
    %mul3A_533 = arith.muli %and3A_530, %mul3A_532 : vector<512x512xi32>
    %and3A_534 = arith.constant 7 : i32
    %and3A_535 = vector.broadcast %and3A_534 : i32 to vector<512x512xi32>
    %and3A_536 = arith.andi %and3A_521, %and3A_535 : vector<512x512xi32>
    %shift_left3A_537 = arith.constant 22 : i32
    %shift_left3A_538 = vector.broadcast %shift_left3A_537 : i32 to vector<512x512xi32>
    %shift_left3A_539 = arith.shli %and3A_536, %shift_left3A_538 : vector<512x512xi32>
    %add3A_540 = arith.constant 1056964608 : i32
    %add3A_541 = vector.broadcast %add3A_540 : i32 to vector<512x512xi32>
    %add3A_542 = arith.addi %add3A_541, %shift_left3A_539 : vector<512x512xi32>
    %select_n3A_543 = arith.select %eq3A_527, %mul3A_533, %add3A_542 : vector<512x512xi1>, vector<512x512xi32>
    %and3A_544 = arith.constant 8 : i32
    %and3A_545 = vector.broadcast %and3A_544 : i32 to vector<512x512xi32>
    %and3A_546 = arith.andi %and3A_521, %and3A_545 : vector<512x512xi32>
    %shift_left3A_547 = arith.constant 28 : i32
    %shift_left3A_548 = vector.broadcast %shift_left3A_547 : i32 to vector<512x512xi32>
    %shift_left3A_549 = arith.shli %and3A_546, %shift_left3A_548 : vector<512x512xi32>
    %or3A_550 = arith.ori %select_n3A_543, %shift_left3A_549 : vector<512x512xi32>
    %bitcast_convert_type3A_551 = tpu.bitcast %or3A_550 : vector<512x512xi32> -> vector<512x512xf32>
    %mul3A_552 = arith.mulf %bitcast_convert_type3A_551, %dot_general3A_478 : vector<512x512xf32>
    %convert_element_type3A_553 = arith.truncf %mul3A_552 : vector<512x512xf32> to vector<512x512xbf16>
    %dot_general3A_554 = arith.constant dense<0.000000e+00> : vector<2048x512xf32>
    %dot_general3A_555 = tpu.matmul %get3A_14, %convert_element_type3A_553, %dot_general3A_554 {dimension_numbers = #tpu.dot_dimension_numbers<[1], [1], [0], [0], [0, 0, 1, 0], [], []>, transpose_lhs_hint = false} : vector<2048x512xbf16>, vector<512x512xbf16>, vector<2048x512xf32> -> vector<2048x512xf32>
    %add3A_556 = arith.addf %dot_general3A_515, %dot_general3A_555 : vector<2048x512xf32>
    %slice3A_557 = vector.extract_strided_slice %get3A_47 {offsets = [0, 512], sizes = [1, 512], strides = [1, 1]} : vector<1x1024xf32> to vector<1x512xf32>
    %add3A_558 = vector.broadcast %slice3A_557 : vector<1x512xf32> to vector<2048x512xf32>
    %add3A_559 = arith.addf %add3A_556, %add3A_558 : vector<2048x512xf32>
    %min3A_560 = vector.broadcast %get3A_8 : f32 to vector<2048x512xf32>
    %min3A_561 = arith.minimumf %add3A_432, %min3A_560 : vector<2048x512xf32>
    %neg3A_562 = arith.constant 0.000000e+00 : f32
    %neg3A_563 = arith.subf %neg3A_562, %get3A_8 : f32
    %max3A_564 = vector.broadcast %neg3A_563 : f32 to vector<2048x512xf32>
    %max3A_565 = arith.maximumf %max3A_564, %add3A_559 : vector<2048x512xf32>
    %min3A_566 = vector.broadcast %get3A_8 : f32 to vector<2048x512xf32>
    %min3A_567 = arith.minimumf %min3A_566, %max3A_565 : vector<2048x512xf32>
    %mul3A_568 = vector.broadcast %get3A_6 : f32 to vector<2048x512xf32>
    %mul3A_569 = arith.mulf %min3A_561, %mul3A_568 : vector<2048x512xf32>
    %logistic3A_570 = arith.negf %mul3A_569 : vector<2048x512xf32>
    %logistic3A_571 = math.exp %logistic3A_570 : vector<2048x512xf32>
    %logistic3A_572 = arith.constant 1.000000e+00 : f32
    %logistic3A_573 = vector.broadcast %logistic3A_572 : f32 to vector<2048x512xf32>
    %logistic3A_574 = arith.addf %logistic3A_573, %logistic3A_571 : vector<2048x512xf32>
    %logistic3A_575 = arith.divf %logistic3A_573, %logistic3A_574 : vector<2048x512xf32>
    %mul3A_576 = arith.mulf %min3A_561, %logistic3A_575 : vector<2048x512xf32>
    %add3A_577 = arith.constant 1.000000e+00 : f32
    %add3A_578 = vector.broadcast %add3A_577 : f32 to vector<2048x512xf32>
    %add3A_579 = arith.addf %min3A_567, %add3A_578 : vector<2048x512xf32>
    %mul3A_580 = arith.mulf %add3A_579, %mul3A_576 : vector<2048x512xf32>
    %convert_element_type3A_581 = arith.truncf %mul3A_580 : vector<2048x512xf32> to vector<2048x512xbf16>
    %get3A_582 = arith.constant 0 : index
    %get3A_583 = arith.constant 0 : index
    %get3A_584 = arith.constant 0 : index
    %get3A_585 = vector.load %arg10[%get3A_582, %get3A_583, %get3A_584] : memref<1x1024x512xi8, #tpu.memory_space<vmem>>, vector<1x1024x512xi8>
    %get3A_586 = vector.shape_cast %get3A_585 : vector<1x1024x512xi8> to vector<1024x512xi8>
    %convert_element_type3A_587 = arith.extui %get3A_586 : vector<1024x512xi8> to vector<1024x512xi32>
    %get3A_588 = arith.constant 0 : index
    %get3A_589 = arith.constant 0 : index
    %get3A_590 = arith.constant 0 : index
    %get3A_591 = vector.load %arg11[%get3A_588, %get3A_589, %get3A_590] : memref<1x1024x32xi8, #tpu.memory_space<vmem>>, vector<1x1024x32xi8>
    %get3A_592 = vector.shape_cast %get3A_591 : vector<1x1024x32xi8> to vector<1024x32xi8>
    %convert_element_type3A_593 = arith.extui %get3A_592 : vector<1024x32xi8> to vector<1024x32xi32>
    %shift_left3A_594 = arith.constant 23 : i32
    %shift_left3A_595 = vector.broadcast %shift_left3A_594 : i32 to vector<1024x32xi32>
    %shift_left3A_596 = arith.shli %convert_element_type3A_593, %shift_left3A_595 : vector<1024x32xi32>
    %bitcast_convert_type3A_597 = tpu.bitcast %shift_left3A_596 : vector<1024x32xi32> -> vector<1024x32xf32>
    %convert_element_type3A_598 = arith.truncf %bitcast_convert_type3A_597 : vector<1024x32xf32> to vector<1024x32xbf16>
    %iota3A_599 = tpu.iota {dimensions = array<i32: 0>} : vector<32x512xi32>
    %iota3A_600 = tpu.iota {dimensions = array<i32: 1>} : vector<32x512xi32>
    %jit3A_601 = arith.constant 16 : i32
    %div3A_602 = vector.broadcast %jit3A_601 : i32 to vector<32x512xi32>
    %div3A_603 = arith.divsi %iota3A_600, %div3A_602 : vector<32x512xi32>
    %sign3A_604 = arith.constant 0 : i32
    %sign3A_605 = vector.broadcast %sign3A_604 : i32 to vector<32x512xi32>
    %sign3A_606 = arith.cmpi sgt, %iota3A_600, %sign3A_605 : vector<32x512xi32>
    %sign3A_607 = arith.extui %sign3A_606 : vector<32x512xi1> to vector<32x512xi32>
    %sign3A_608 = arith.constant 0 : i32
    %sign3A_609 = vector.broadcast %sign3A_608 : i32 to vector<32x512xi32>
    %sign3A_610 = arith.cmpi slt, %iota3A_600, %sign3A_609 : vector<32x512xi32>
    %sign3A_611 = arith.extui %sign3A_610 : vector<32x512xi1> to vector<32x512xi32>
    %sign3A_612 = arith.subi %sign3A_607, %sign3A_611 : vector<32x512xi32>
    %sign3A_613 = arith.constant 0 : i32
    %sign3A_614 = arith.cmpi sgt, %jit3A_601, %sign3A_613 : i32
    %sign3A_615 = arith.extui %sign3A_614 : i1 to i32
    %sign3A_616 = arith.constant 0 : i32
    %sign3A_617 = arith.cmpi slt, %jit3A_601, %sign3A_616 : i32
    %sign3A_618 = arith.extui %sign3A_617 : i1 to i32
    %sign3A_619 = arith.subi %sign3A_615, %sign3A_618 : i32
    %ne3A_620 = vector.broadcast %sign3A_619 : i32 to vector<32x512xi32>
    %ne3A_621 = arith.cmpi ne, %sign3A_612, %ne3A_620 : vector<32x512xi32>
    %rem3A_622 = vector.broadcast %jit3A_601 : i32 to vector<32x512xi32>
    %rem3A_623 = arith.remsi %iota3A_600, %rem3A_622 : vector<32x512xi32>
    %ne3A_624 = arith.constant 0 : i32
    %ne3A_625 = vector.broadcast %ne3A_624 : i32 to vector<32x512xi32>
    %ne3A_626 = arith.cmpi ne, %rem3A_623, %ne3A_625 : vector<32x512xi32>
    %and3A_627 = arith.andi %ne3A_621, %ne3A_626 : vector<32x512xi1>
    %sub3A_628 = arith.constant 1 : i32
    %sub3A_629 = vector.broadcast %sub3A_628 : i32 to vector<32x512xi32>
    %sub3A_630 = arith.subi %div3A_603, %sub3A_629 : vector<32x512xi32>
    %select_n3A_631 = arith.select %and3A_627, %sub3A_630, %div3A_603 : vector<32x512xi1>, vector<32x512xi32>
    %eq3A_632 = arith.cmpi eq, %iota3A_599, %select_n3A_631 : vector<32x512xi32>
    %convert_element_type3A_633 = arith.extui %eq3A_632 : vector<32x512xi1> to vector<32x512xi32>
    %convert_element_type3A_634 = arith.sitofp %convert_element_type3A_633 : vector<32x512xi32> to vector<32x512xf32>
    %convert_element_type3A_635 = arith.truncf %convert_element_type3A_634 : vector<32x512xf32> to vector<32x512xbf16>
    %dot_general3A_636 = arith.constant dense<0.000000e+00> : vector<1024x512xf32>
    %dot_general3A_637 = tpu.matmul %convert_element_type3A_598, %convert_element_type3A_635, %dot_general3A_636 {dimension_numbers = #tpu.dot_dimension_numbers<[1], [0], [0], [1], [0, 0, 1, 1], [], []>, transpose_lhs_hint = false} : vector<1024x32xbf16>, vector<32x512xbf16>, vector<1024x512xf32> -> vector<1024x512xf32>
    %and3A_638 = arith.constant 15 : i32
    %and3A_639 = vector.broadcast %and3A_638 : i32 to vector<1024x512xi32>
    %and3A_640 = arith.andi %convert_element_type3A_587, %and3A_639 : vector<1024x512xi32>
    %and3A_641 = arith.constant 6 : i32
    %and3A_642 = vector.broadcast %and3A_641 : i32 to vector<1024x512xi32>
    %and3A_643 = arith.andi %and3A_640, %and3A_642 : vector<1024x512xi32>
    %eq3A_644 = arith.constant 0 : i32
    %eq3A_645 = vector.broadcast %eq3A_644 : i32 to vector<1024x512xi32>
    %eq3A_646 = arith.cmpi eq, %and3A_643, %eq3A_645 : vector<1024x512xi32>
    %and3A_647 = arith.constant 1 : i32
    %and3A_648 = vector.broadcast %and3A_647 : i32 to vector<1024x512xi32>
    %and3A_649 = arith.andi %and3A_640, %and3A_648 : vector<1024x512xi32>
    %mul3A_650 = arith.constant 1056964608 : i32
    %mul3A_651 = vector.broadcast %mul3A_650 : i32 to vector<1024x512xi32>
    %mul3A_652 = arith.muli %and3A_649, %mul3A_651 : vector<1024x512xi32>
    %and3A_653 = arith.constant 7 : i32
    %and3A_654 = vector.broadcast %and3A_653 : i32 to vector<1024x512xi32>
    %and3A_655 = arith.andi %and3A_640, %and3A_654 : vector<1024x512xi32>
    %shift_left3A_656 = arith.constant 22 : i32
    %shift_left3A_657 = vector.broadcast %shift_left3A_656 : i32 to vector<1024x512xi32>
    %shift_left3A_658 = arith.shli %and3A_655, %shift_left3A_657 : vector<1024x512xi32>
    %add3A_659 = arith.constant 1056964608 : i32
    %add3A_660 = vector.broadcast %add3A_659 : i32 to vector<1024x512xi32>
    %add3A_661 = arith.addi %add3A_660, %shift_left3A_658 : vector<1024x512xi32>
    %select_n3A_662 = arith.select %eq3A_646, %mul3A_652, %add3A_661 : vector<1024x512xi1>, vector<1024x512xi32>
    %and3A_663 = arith.constant 8 : i32
    %and3A_664 = vector.broadcast %and3A_663 : i32 to vector<1024x512xi32>
    %and3A_665 = arith.andi %and3A_640, %and3A_664 : vector<1024x512xi32>
    %shift_left3A_666 = arith.constant 28 : i32
    %shift_left3A_667 = vector.broadcast %shift_left3A_666 : i32 to vector<1024x512xi32>
    %shift_left3A_668 = arith.shli %and3A_665, %shift_left3A_667 : vector<1024x512xi32>
    %or3A_669 = arith.ori %select_n3A_662, %shift_left3A_668 : vector<1024x512xi32>
    %bitcast_convert_type3A_670 = tpu.bitcast %or3A_669 : vector<1024x512xi32> -> vector<1024x512xf32>
    %mul3A_671 = arith.mulf %bitcast_convert_type3A_670, %dot_general3A_637 : vector<1024x512xf32>
    %convert_element_type3A_672 = arith.truncf %mul3A_671 : vector<1024x512xf32> to vector<1024x512xbf16>
    %dot_general3A_673 = arith.constant dense<0.000000e+00> : vector<2048x1024xf32>
    %dot_general3A_674 = tpu.matmul %convert_element_type3A_305, %convert_element_type3A_672, %dot_general3A_673 {dimension_numbers = #tpu.dot_dimension_numbers<[1], [1], [0], [0], [0, 0, 1, 0], [], []>, transpose_lhs_hint = false} : vector<2048x512xbf16>, vector<1024x512xbf16>, vector<2048x1024xf32> -> vector<2048x1024xf32>
    %shift_right_arithmetic3A_675 = arith.constant 4 : i32
    %shift_right_arithmetic3A_676 = vector.broadcast %shift_right_arithmetic3A_675 : i32 to vector<1024x512xi32>
    %shift_right_arithmetic3A_677 = arith.shrsi %convert_element_type3A_587, %shift_right_arithmetic3A_676 : vector<1024x512xi32>
    %and3A_678 = arith.constant 15 : i32
    %and3A_679 = vector.broadcast %and3A_678 : i32 to vector<1024x512xi32>
    %and3A_680 = arith.andi %shift_right_arithmetic3A_677, %and3A_679 : vector<1024x512xi32>
    %and3A_681 = arith.constant 6 : i32
    %and3A_682 = vector.broadcast %and3A_681 : i32 to vector<1024x512xi32>
    %and3A_683 = arith.andi %and3A_680, %and3A_682 : vector<1024x512xi32>
    %eq3A_684 = arith.constant 0 : i32
    %eq3A_685 = vector.broadcast %eq3A_684 : i32 to vector<1024x512xi32>
    %eq3A_686 = arith.cmpi eq, %and3A_683, %eq3A_685 : vector<1024x512xi32>
    %and3A_687 = arith.constant 1 : i32
    %and3A_688 = vector.broadcast %and3A_687 : i32 to vector<1024x512xi32>
    %and3A_689 = arith.andi %and3A_680, %and3A_688 : vector<1024x512xi32>
    %mul3A_690 = arith.constant 1056964608 : i32
    %mul3A_691 = vector.broadcast %mul3A_690 : i32 to vector<1024x512xi32>
    %mul3A_692 = arith.muli %and3A_689, %mul3A_691 : vector<1024x512xi32>
    %and3A_693 = arith.constant 7 : i32
    %and3A_694 = vector.broadcast %and3A_693 : i32 to vector<1024x512xi32>
    %and3A_695 = arith.andi %and3A_680, %and3A_694 : vector<1024x512xi32>
    %shift_left3A_696 = arith.constant 22 : i32
    %shift_left3A_697 = vector.broadcast %shift_left3A_696 : i32 to vector<1024x512xi32>
    %shift_left3A_698 = arith.shli %and3A_695, %shift_left3A_697 : vector<1024x512xi32>
    %add3A_699 = arith.constant 1056964608 : i32
    %add3A_700 = vector.broadcast %add3A_699 : i32 to vector<1024x512xi32>
    %add3A_701 = arith.addi %add3A_700, %shift_left3A_698 : vector<1024x512xi32>
    %select_n3A_702 = arith.select %eq3A_686, %mul3A_692, %add3A_701 : vector<1024x512xi1>, vector<1024x512xi32>
    %and3A_703 = arith.constant 8 : i32
    %and3A_704 = vector.broadcast %and3A_703 : i32 to vector<1024x512xi32>
    %and3A_705 = arith.andi %and3A_680, %and3A_704 : vector<1024x512xi32>
    %shift_left3A_706 = arith.constant 28 : i32
    %shift_left3A_707 = vector.broadcast %shift_left3A_706 : i32 to vector<1024x512xi32>
    %shift_left3A_708 = arith.shli %and3A_705, %shift_left3A_707 : vector<1024x512xi32>
    %or3A_709 = arith.ori %select_n3A_702, %shift_left3A_708 : vector<1024x512xi32>
    %bitcast_convert_type3A_710 = tpu.bitcast %or3A_709 : vector<1024x512xi32> -> vector<1024x512xf32>
    %mul3A_711 = arith.mulf %bitcast_convert_type3A_710, %dot_general3A_637 : vector<1024x512xf32>
    %convert_element_type3A_712 = arith.truncf %mul3A_711 : vector<1024x512xf32> to vector<1024x512xbf16>
    %dot_general3A_713 = arith.constant dense<0.000000e+00> : vector<2048x1024xf32>
    %dot_general3A_714 = tpu.matmul %convert_element_type3A_581, %convert_element_type3A_712, %dot_general3A_713 {dimension_numbers = #tpu.dot_dimension_numbers<[1], [1], [0], [0], [0, 0, 1, 0], [], []>, transpose_lhs_hint = false} : vector<2048x512xbf16>, vector<1024x512xbf16>, vector<2048x1024xf32> -> vector<2048x1024xf32>
    %add3A_715 = arith.addf %dot_general3A_674, %dot_general3A_714 : vector<2048x1024xf32>
    %get3A_716 = arith.constant 0 : index
    %get3A_717 = arith.constant 0 : index
    %get3A_718 = arith.constant 0 : index
    %get3A_719 = vector.load %arg12[%get3A_716, %get3A_717, %get3A_718] : memref<1x1x1024xf32, #tpu.memory_space<vmem>>, vector<1x1x1024xf32>
    %get3A_720 = vector.shape_cast %get3A_719 : vector<1x1x1024xf32> to vector<1x1024xf32>
    %add3A_721 = vector.broadcast %get3A_720 : vector<1x1024xf32> to vector<2048x1024xf32>
    %add3A_722 = arith.addf %add3A_715, %add3A_721 : vector<2048x1024xf32>
    %mul3A_723 = vector.broadcast %broadcast_in_dim3A_4 : vector<2048x1xf32> to vector<2048x1024xf32>
    %mul3A_724 = arith.mulf %mul3A_723, %add3A_722 : vector<2048x1024xf32>
    %eq3A_725 = arith.constant 0 : i32
    %eq3A_726 = arith.cmpi eq, %arg0, %eq3A_725 : i32
    %convert_element_type3A_727 = arith.extui %eq3A_726 : i1 to i32
    %cond3A = arith.constant 0 : i32
    %cond3A_728 = arith.cmpi ne, %convert_element_type3A_727, %cond3A : i32
    scf.if %cond3A_728 {
      %swap3A = arith.constant 0 : index
      %swap3A_734 = arith.constant 0 : index
      %swap3A_735 = vector.load %arg14[%swap3A, %swap3A_734] : memref<2048x1024xf32, #tpu.memory_space<vmem>>, vector<2048x1024xf32>
      tpu.vector_store %arg14[%swap3A, %swap3A_734], %mul3A_724 {strides = array<i32>} : memref<2048x1024xf32, #tpu.memory_space<vmem>>, vector<2048x1024xf32>,
    } else {
    }
    %ne3A_729 = arith.constant 0 : i32
    %ne3A_730 = arith.cmpi ne, %arg0, %ne3A_729 : i32
    %convert_element_type3A_731 = arith.extui %ne3A_730 : i1 to i32
    %cond3A_732 = arith.constant 0 : i32
    %cond3A_733 = arith.cmpi ne, %convert_element_type3A_731, %cond3A_732 : i32
    scf.if %cond3A_733 {
      %get3A_734 = arith.constant 0 : index
      %get3A_735 = arith.constant 0 : index
      %get3A_736 = vector.load %arg14[%get3A_734, %get3A_735] : memref<2048x1024xf32, #tpu.memory_space<vmem>>, vector<2048x1024xf32>
      %add3A_737 = arith.addf %get3A_736, %mul3A_724 : vector<2048x1024xf32>
      %swap3A = arith.constant 0 : index
      %swap3A_738 = arith.constant 0 : index
      %swap3A_739 = vector.load %arg14[%swap3A, %swap3A_738] : memref<2048x1024xf32, #tpu.memory_space<vmem>>, vector<2048x1024xf32>
      tpu.vector_store %arg14[%swap3A, %swap3A_738], %add3A_737 {strides = array<i32>} : memref<2048x1024xf32, #tpu.memory_space<vmem>>, vector<2048x1024xf32>,
    } else {
    }
    return
  }
  func.func @transform_0(%arg0: i32) -> (i32, i32) {
    %c0_i32 = arith.constant 0 : i32
    %c0_i32_0 = arith.constant 0 : i32
    %c0_i32_1 = arith.constant 0 : i32
    return %c0_i32, %c0_i32_0 : i32, i32
  }
  func.func @transform_1(%arg0: i32) -> (i32, i32) {
    %c0_i32 = arith.constant 0 : i32
    %c0_i32_0 = arith.constant 0 : i32
    %c0_i32_1 = arith.constant 0 : i32
    return %c0_i32, %c0_i32_0 : i32, i32
  }
  func.func @transform_2(%arg0: i32) -> (i32, i32) {
    %c0_i32 = arith.constant 0 : i32
    %c0_i32_0 = arith.constant 0 : i32
    %c0_i32_1 = arith.constant 0 : i32
    return %c0_i32, %c0_i32_0 : i32, i32
  }
  func.func @transform_3(%arg0: i32) -> (i32, i32, i32) {
    %c0_i32 = arith.constant 0 : i32
    %c0_i32_0 = arith.constant 0 : i32
    %c0_i32_1 = arith.constant 0 : i32
    return %arg0, %c0_i32, %c0_i32_0 : i32, i32, i32
  }
  func.func @transform_4(%arg0: i32) -> (i32, i32, i32) {
    %c0_i32 = arith.constant 0 : i32
    %c0_i32_0 = arith.constant 0 : i32
    %c0_i32_1 = arith.constant 0 : i32
    return %arg0, %c0_i32, %c0_i32_0 : i32, i32, i32
  }
  func.func @transform_5(%arg0: i32) -> (i32, i32, i32) {
    %c0_i32 = arith.constant 0 : i32
    %c0_i32_0 = arith.constant 0 : i32
    %c0_i32_1 = arith.constant 0 : i32
    return %arg0, %c0_i32, %c0_i32_0 : i32, i32, i32
  }
  func.func @transform_6(%arg0: i32) -> (i32, i32, i32) {
    %c0_i32 = arith.constant 0 : i32
    %c0_i32_0 = arith.constant 0 : i32
    %c0_i32_1 = arith.constant 0 : i32
    return %arg0, %c0_i32, %c0_i32_0 : i32, i32, i32
  }
  func.func @transform_7(%arg0: i32) -> (i32, i32, i32) {
    %c0_i32 = arith.constant 0 : i32
    %c0_i32_0 = arith.constant 0 : i32
    %c0_i32_1 = arith.constant 0 : i32
    return %arg0, %c0_i32, %c0_i32_0 : i32, i32, i32
  }
  func.func @transform_8(%arg0: i32) -> (i32, i32, i32) {
    %c0_i32 = arith.constant 0 : i32
    %c0_i32_0 = arith.constant 0 : i32
    %c0_i32_1 = arith.constant 0 : i32
    return %arg0, %c0_i32, %c0_i32_0 : i32, i32, i32
  }
  func.func @transform_9(%arg0: i32) -> (i32, i32, i32) {
    %c0_i32 = arith.constant 0 : i32
    %c0_i32_0 = arith.constant 0 : i32
    %c0_i32_1 = arith.constant 0 : i32
    return %arg0, %c0_i32, %c0_i32_0 : i32, i32, i32
  }
  func.func @transform_10(%arg0: i32) -> (i32, i32, i32) {
    %c0_i32 = arith.constant 0 : i32
    %c0_i32_0 = arith.constant 0 : i32
    %c0_i32_1 = arith.constant 0 : i32
    return %arg0, %c0_i32, %c0_i32_0 : i32, i32, i32
  }
  func.func @transform_11(%arg0: i32) -> (i32, i32, i32) {
    %c0_i32 = arith.constant 0 : i32
    %c0_i32_0 = arith.constant 0 : i32
    %c0_i32_1 = arith.constant 0 : i32
    return %arg0, %c0_i32, %c0_i32_0 : i32, i32, i32
  }
  func.func @transform_12(%arg0: i32) -> i32 {
    %c0_i32 = arith.constant 0 : i32
    %c0_i32_0 = arith.constant 0 : i32
    return %c0_i32 : i32
  }
  func.func @transform_13(%arg0: i32) -> (i32, i32) {
    %c0_i32 = arith.constant 0 : i32
    %c0_i32_0 = arith.constant 0 : i32
    %c0_i32_1 = arith.constant 0 : i32
    return %c0_i32, %c0_i32_0 : i32, i32
  }
}

</mosaic_0001>

<sc_bundles>
// kernel: kernel.4.cloned.1.call-start
scs
__scs_entry_jumppad:
0x0: {  	(pc) =	sbr.rel $0x88, $3  }
0x1: {  	(tag) =	ssettag $0x0;
	lr =	simm.s32 $0x1  }
0x2: {  	[smem:$0x3F94] =	sst lr;
	_ =	strace $0xD0000000  }
0x3: {  	_ = 	snop  }
0x4: {  	_ = 	snop  }
0x5: {  	_ = 	snop  }
0x6: {  	_ = 	snop  }
0x7: {  	_ = 	snop  }
__scs_overlays_trampoline_lowered:
0x8: {  	[smem:$0x3FA3] =	sst s0  }
0x9: {  	[smem:$0x3FA4] =	sst s1  }
0xa: {  	[smem:$0x3FA5] =	sst s2  }
0xb: {  	[smem:$0x3FA6] =	sst s3  }
0xc: {  	[smem:$0x3FA7] =	sst s4  }
0xd: {  	[smem:$0x3FA8] =	sst s5  }
0xe: {  	[smem:$0x3FA9] =	sst s6  }
0xf: {  	[smem:$0x3FAA] =	sst s7  }
0x10: {  	[smem:$0x3FAB] =	sst s8  }
0x11: {  	[smem:$0x3FAC] =	sst s9;
	s0 =	simm.s32 @!p0 $0x0  }
0x12: {  	s1 =	sld [smem:$0x3F92];
	s0 =	simm.s32 @p0 $0x1  }
0x13: {  	[smem:$0x3FAD] =	sst s0;
	s0 =	simm.s32 @!p1 $0x0  }
0x14: {  	s2 =	sld [smem:$0x3F91];
	s0 =	simm.s32 @p1 $0x1  }
0x15: {  	[smem:$0x3FAE] =	sst s0;
	s0 =	simm.s32 @!p2 $0x0  }
0x16: {  	s3 =	sld [smem:$0x3FDB];
	s0 =	simm.s32 @p2 $0x1  }
0x17: {  	s4 =	simm.s32 $0x1BF5;
	[smem:$0x3FB0] =	sst s0  }
0x18: {  	s0 =	sld [smem:$0x3F93];
	_ =	swait.ge [sflag:s4], $0x0  }
0x19: {  	s7 =	sld [smem:$0x3F94]  }
0x1a: {  	s8 =	sadd.s32 $0xFFFFE003, lr  }
0x1b: {  	s9 =	sadd.s32 $0xFFFFFEF7, lr;
	s5 =	simm.s32 $0xFFFFFFFF;
	p2 =	slt.u32 s8, $0xFFFFF086  }
0x1c: {  	p1 =	slt.u32 s9, $0xF7A;
	s5 =	simm.s32 @!p2 $0x0  }
0x1d: {  	s5 =	simm.s32 @p1 $0x1;
	p0 =	seq.s32 s7, s2  }
0x1e: {  	s7 =	smul.u32 @!p0 $0xF7A, s2;
	p2 =	seq.s32 @!p0 s5, $0x0  }
0x1f: {  	s9 =	smul.u32 $0xF7A, s1;
	s8 =	simm.s32 @!p0 $0x1BF5;
	p2 =	por !p2, p0  }
0x20: {  	[sflag:s8] =	ssyncset.s32 @!p0 $0xFFFFF086;
	s6 =	sadd.s32 @!p0 s3, s7;
	s7 =	simm.s32 @!p0 $0x108  }
0x21: {  	s3 =	sadd.s32 s3, s9;
	s6 =	sadd.s32 @!p0 $0x88, s6;
	s7 =	simm.s32 @p2 $0x1082  }
0x22: {  	[simem:s7], [sflag:s8] =	dma.local @!p0 [hbm:s6], $0xF7A  }
0x23: {  	s9 =	sor.u32 $0xD0000000, s2;
	s6 =	simm.s32 $0x108;
	_ =	swait.ge @!p0 [sflag:s8], $0x0  }
0x24: {  	s3 =	sadd.s32 $0x88, s3;
	s6 =	simm.s32 @!p1 $0x1082;
	[sflag:s4] =	ssyncset.s32 $0xFFFFF086  }
0x25: {  	[simem:s6], [sflag:s4] =	dma.local [hbm:s3], $0xF7A  }
0x26: {  	[smem:$0x3F94] =	sst s1;
	(tag) =	ssettag s2;
	_ =	strace s9  }
0x27: {  	s1 =	sld [smem:$0x3FA4]  }
0x28: {  	s2 =	sld [smem:$0x3FA5]  }
0x29: {  	s4 =	sld [smem:$0x3FA7]  }
0x2a: {  	p0 =	seq.s32 s5, $0x0;
	s5 =	sld [smem:$0x3FA8]  }
0x2b: {  	s6 =	sld [smem:$0x3FA9]  }
0x2c: {  	s7 =	sld [smem:$0x3FAA]  }
0x2d: {  	s3 =	simm.s32 $0x108;
	s8 =	sld [smem:$0x3FAB]  }
0x2e: {  	s3 =	simm.s32 @!p0 $0x1082;
	s9 =	sld [smem:$0x3FAC]  }
0x2f: {  	lr =	sadd.s32 s0, s3;
	s0 =	sld [smem:$0x3FA3]  }
0x30: {  	s3 =	sld [smem:$0x3FA6]  }
0x31: {  	[smem:$0x3FAF] =	sst s10  }
0x32: {  	s10 =	sld [smem:$0x3FAD];
	_ =	sdelay $0x3  }
0x33: {  	p0 =	seq.s32 s10, $0x1;
	s10 =	sld [smem:$0x3FAF];
	_ =	sdelay $0x3  }
0x34: {  	[smem:$0x3FAF] =	sst s10  }
0x35: {  	s10 =	sld [smem:$0x3FAE];
	_ =	sdelay $0x3  }
0x36: {  	p1 =	seq.s32 s10, $0x1;
	s10 =	sld [smem:$0x3FAF];
	_ =	sdelay $0x3  }
0x37: {  	[smem:$0x3FAF] =	sst s10  }
0x38: {  	s10 =	sld [smem:$0x3FB0]  }
0x39: {  	_ = 	snop;
	(pc) =	sbr.ind lr, $3  }
0x3a: {  	_ = 	snop  }
0x3b: {  	_ = 	snop  }
0x3c: {  	p2 =	seq.s32 s10, $0x1;
	s10 =	sld [smem:$0x3FAF]  }
0x3d: {  	_ =	shalt  }
0x3e: {  	_ =	shalt  }
0x3f: {  	_ =	shalt  }
0x40: {  	_ =	shalt  }
0x41: {  	_ =	shalt  }
0x42: {  	_ =	shalt  }
0x43: {  	_ =	shalt  }
0x44: {  	_ =	shalt  }
0x45: {  	_ =	shalt  }
0x46: {  	_ =	shalt  }
0x47: {  	_ =	shalt  }
0x48: {  	_ =	shalt  }
0x49: {  	_ =	shalt  }
0x4a: {  	_ =	shalt  }
0x4b: {  	_ =	shalt  }
0x4c: {  	_ =	shalt  }
0x4d: {  	_ =	shalt  }
0x4e: {  	_ =	shalt  }
0x4f: {  	_ =	shalt  }
0x50: {  	_ =	shalt  }
0x51: {  	_ =	shalt  }
0x52: {  	_ =	shalt  }
0x53: {  	_ =	shalt  }
0x54: {  	_ =	shalt  }
0x55: {  	_ =	shalt  }
0x56: {  	_ =	shalt  }
0x57: {  	_ =	shalt  }
0x58: {  	_ =	shalt  }
0x59: {  	_ =	shalt  }
0x5a: {  	_ =	shalt  }
0x5b: {  	_ =	shalt  }
0x5c: {  	_ =	shalt  }
0x5d: {  	_ =	shalt  }
0x5e: {  	_ =	shalt  }
0x5f: {  	_ =	shalt  }
0x60: {  	_ =	shalt  }
0x61: {  	_ =	shalt  }
0x62: {  	_ =	shalt  }
0x63: {  	_ =	shalt  }
0x64: {  	_ =	shalt  }
0x65: {  	_ =	shalt  }
0x66: {  	_ =	shalt  }
0x67: {  	_ =	shalt  }
0x68: {  	_ =	shalt  }
0x69: {  	_ =	shalt  }
0x6a: {  	_ =	shalt  }
0x6b: {  	_ =	shalt  }
0x6c: {  	_ =	shalt  }
0x6d: {  	_ =	shalt  }
0x6e: {  	_ =	shalt  }
0x6f: {  	_ =	shalt  }
0x70: {  	_ =	shalt  }
0x71: {  	_ =	shalt  }
0x72: {  	_ =	shalt  }
0x73: {  	_ =	shalt  }
0x74: {  	_ =	shalt  }
0x75: {  	_ =	shalt  }
0x76: {  	_ =	shalt  }
0x77: {  	_ =	shalt  }
0x78: {  	_ =	shalt  }
0x79: {  	_ =	shalt  }
0x7a: {  	_ =	shalt  }
0x7b: {  	_ =	shalt  }
0x7c: {  	_ =	shalt  }
0x7d: {  	_ =	shalt  }
0x7e: {  	_ =	shalt  }
0x7f: {  	_ =	shalt  }
0x80: {  	_ =	shalt  }
0x81: {  	_ =	shalt  }
0x82: {  	_ =	shalt  }
0x83: {  	_ =	shalt  }
0x84: {  	_ =	shalt  }
0x85: {  	_ =	shalt  }
0x86: {  	_ =	shalt  }
0x87: {  	_ =	shalt  }
.Lfunc_end0:
.L_simem_size_0:
called_computation_lowered:
.L_overlay_start_0:
0x88: {  	s2 =	sld [smem:$0x3FD9]  }
0x89: {  	s3 =	sld [smem:$0x3FFE];
	_ =	sdelay $0x1  }
0x8a: {  	s1 =	srdreg.scid  }
0x8b: {  	s0 =	sand.u32 $0x1, s1  }
0x8c: {  	s17 =	sshll.u32 s0, $0xA;
	s2 =	sadd.s32 s3, s2  }
0x8d: {  	s2 =	sadd.s32 s2, s17  }
0x8e: {  	[smem:$0x3FBB] =	sst s2  }
0x8f: {  	_ = 	snop  }
0x90: {  	s2 =	sld [smem:$0x3FD0];
	(tm) =	ssettm $0x1  }
0x91: {  	s18 =	sld [smem:$0x3FFB];
	_ =	sdelay $0x3  }
0x92: {  	_ =	strace s18  }
0x93: {  	s3 =	sld [smem:$0x3FFC];
	_ =	sdelay $0x3  }
0x94: {  	_ =	strace s3  }
0x95: {  	s3 =	sld [smem:$0x3FFD];
	_ =	sdelay $0x3  }
0x96: {  	_ =	strace s3  }
0x97: {  	_ =	strace $0x8FFFFFFF  }
0x98: {  	s19 =	sld [smem:$0x3FDB];
	_ =	sdelay $0x1  }
0x99: {  	s4 =	simm.s32 $_scs_section_size  }
0x9a: {  	s5 =	simm.s32 $_size__tile_overlayer_lowered;
	s6 =	simm.s32 $_tile_overlayer_lowered  }
0x9b: {  	s22 =	simm.s32 $0x1BFF;
	s21 =	sshll.u32 s6, $0x1;
	s3 =	sadd.s32 s4, s19  }
0x9c: {  	s7 =	simm.s32 $0x0;
	s20 =	sshll.u32 s5, $0x1;
	s5 =	sadd.s32 s21, s3  }
0x9d: {  	[timem:s7], [sflag:s22] =	dma.local [hbm:s5], s20  }
0x9e: {  	_ =	swait.ge [sflag:s22], s20  }
0x9f: {  	s4 =	ssub.s32 $0x0, s20;
	[sflag:s22] =	ssyncset.done $0x0  }
0xa0: {  	[sflag:s22] =	ssyncadd.s32 s4;
	_ =	sdelay $0x1  }
0xa1: {  	s23 =	simm.s32 $0x1B8B  }
0xa2: {  	_ =	swait.ge [sflag:s23], $0x1  }
0xa3: {  	[sflag:s23] =	ssyncset.done $0x0  }
0xa4: {  	s25 =	simm.s32 $0x1B8E;
	s24 =	sld [smem:$0x3FFE];
	[sflag:s23] =	ssyncadd.s32 $0xFFFFFFFF  }
0xa5: {  	s26 =	simm.s32 $execute0_lowered;
	[smem:$0x3FD2] =	sst s25  }
0xa6: {  	s5 =	sshll.u32 s26, $0x1;
	_ =	strace $0x80000046;
	[dreg:$0x1] =	wrdreg $0xFFFFFFFF  }
0xa7: {  	s28 =	simm.s32 $_size_execute0_lowered;
	s3 =	sadd.s32 s3, s5;
	[dreg:$0x0] =	wrdreg $0x0  }
0xa8: {  	s5 =	sshll.u32 s28, $0x1;
	[dreg:$0x2] =	wrdreg s3  }
0xa9: {  	[dreg:$0x3] =	wrdreg s5  }
0xaa: {  	[dreg:$0x4] =	wrdreg $0xC0  }
0xab: {  	_ =	task [dreg:s7], $0x5FFFF  }
0xac: {  	[dreg:$0x1] =	wrdreg $0xFFFFFFFF  }
0xad: {  	[dreg:$0x0] =	wrdreg $0x60  }
0xae: {  	[dreg:$0x2] =	wrdreg s2  }
0xaf: {  	[dreg:$0x3] =	wrdreg s24  }
0xb0: {  	[dreg:$0x4] =	wrdreg $0x9  }
0xb1: {  	_ =	task.clear_ibuf [dreg:s7], $0x5FFFF;
	_ =	strace $0x90000046  }
0xb2: {  	s29 =	simm.s32 $0x9;
	_ =	strace $0x80000048  }
0xb3: {  	_ =	swait.ge [sflag:s29], $0x1  }
0xb4: {  	[sflag:s29] =	ssyncadd.s32 $0xFFFFFFFF  }
0xb5: {  	_ =	strace $0x90000048  }
0xb6: {  	_ =	sfence  }
0xb7: {  	s30 =	sld [smem:$0x0];
	_ =	sdelay $0x2  }
0xb8: {  	s31 =	sshll.u32 s1, $0xD;
	s1 =	sshrl.u32 s1, $0x2  }
0xb9: {  	s3 =	sand.u32 $0x4000, s31;
	s1 =	sadd.s32 s1, s30  }
0xba: {  	s0 =	sor.u32 s3, s0;
	s1 =	sshll.u32 s1, $0x11  }
0xbb: {  	s0 =	sor.u32 s1, s0  }
0xbc: {  	s0 =	sadd.s32 $0x8F2B, s0  }
0xbd: {  	[sflag:s0] =	ssyncadd.remote.s32 $0x1  }
0xbe: {  	_ =	sfence.sel $0xFFFF  }
0xbf: {  	[dreg:$0x0] =	wrdreg $0xFFFFFFFF;
	(pc) =	sbr.abs _section_cstart, $3  }
0xc0: {  	[dreg:$0x1] =	wrdreg $0xFFFFFFFF  }
0xc1: {  	_ =	task.clear_ibuf [dreg:s7], $0x2FFFF;
	_ =	strace $0x9FFFFFFF  }
0xc2: {  	(tm) =	ssettm $0x7FFFFFFF  }
0xc3: {  	_ =	shalt  }
tec
execute0_lowered:
.L_overlay_start_1:
0x0: {  	(tag) =	ssettag $0x1  }
0x1: {  	s3 =	rddreg [dreg:$0x0]  }
0x2: {  	s4 =	rddreg [dreg:$0x1];
	s2 =	srdreg.scid  }
0x3: {  	s0 =	rddreg [dreg:$0x2];
	s1 =	stileid.u32;
	s5 =	sand.u32 $0x1, s2  }
0x4: {  	s2 =	simm.s32 $0x0;
	s6 =	sshll.u32 s1, $0x7;
	s7 =	sshll.u32 s5, $0x6  }
0x5: {  	[smem:$0x7FF] =	sst s2;
	s5 =	ssub.s32 $0x2, s5;
	s6 =	sor.u32 s7, s6  }
0x6: {  	_ =	strace $0x80000047;
	s31 =	sshrl.u32 s5, $0x1;
	s7 =	simm.s32 $0x200  }
0x7: {  	s4 =	sadd.s32 s6, s4;
	s5 =	ssub.s32 s5, s31;
	s3 =	sadd.s32 s3, s6  }
0x8: {  	v0 =	vimm.s32 $0x8;
	s6 =	simm.s32 $0x1;
	s4 =	sadd.s32 $0x2000, s4;
	s5 =	smax.u32 s5, $0x1  }
.LBB2_1:
0x9: {  	[tilespmem:s2], [sflag:$0x1] =	stream.linear.gather [hbm4b:s3+s2], $0x200, $0x38;
	[tilespmem:$0x400] =	vst v63  }
0xa: {  	_ =	swait.ge [sflag:s6], $0x200  }
0xb: {  	[sflag:s6] =	ssyncset.done $0x0  }
0xc: {  	[sflag:s6] =	ssyncadd.s32 $0xFFFFFE00  }
0xd: {  	v1 =	vld [tilespmem:$0x0]  }
0xe: {  	v2 =	vld [tilespmem:$0x40]  }
0xf: {  	v3 =	vld [tilespmem:$0x80]  }
0x10: {  	v4 =	vld [tilespmem:$0xC0]  }
0x11: {  	v5 =	vld [tilespmem:$0x100]  }
0x12: {  	v6 =	vld [tilespmem:$0x140]  }
0x13: {  	v7 =	vld [tilespmem:$0x180];
	v8 =	vmax.f32 v1, v2  }
0x14: {  	v9 =	vld [tilespmem:$0x1C0];
	v10 =	vmax.f32 v8, v3  }
0x15: {  	v10 =	vmax.f32 v10, v4  }
0x16: {  	v10 =	vmax.f32 v10, v5  }
0x17: {  	v10 =	vmax.f32 v10, v6  }
0x18: {  	v10 =	vmax.f32 v10, v7  }
0x19: {  	v10 =	vmax.f32 v10, v9  }
0x1a: {  	vm0 =	veq.f32 v9, v10  }
0x1b: {  	vm8 =	veq.f32 v7, v10;
	v11 =	vsel vm0, $0x7, v0  }
0x1c: {  	vm9 =	veq.f32 v6, v10;
	v11 =	vsel vm8, $0x6, v11  }
0x1d: {  	vm10 =	veq.f32 v5, v10;
	v11 =	vsel vm9, $0x5, v11  }
0x1e: {  	vm11 =	veq.f32 v4, v10;
	vm12 =	veq.f32 v3, v10;
	v11 =	vsel vm10, $0x4, v11  }
0x1f: {  	vm1 =	veq.f32 v2, v10;
	vm7 =	vne.f32 v1, v10;
	v11 =	vsel vm11, $0x3, v11  }
0x20: {  	vm6 =	vmand vm7, vm1;
	v11 =	vsel vm12, $0x2, v11  }
0x21: {  	v8 =	vsel vm6, v1, v8;
	v11 =	vsel vm1, $0x1, v11  }
0x22: {  	v8 =	vsel vm7, v8, v2;
	v11 =	vnsel vm7, $0x0, v11  }
0x23: {  	v12 =	vmax.f32 v8, v3;
	vm5 =	veq.s32 v11, $0x2  }
0x24: {  	v8 =	vsel vm5, v8, v12  }
0x25: {  	vm4 =	veq.s32 v11, $0x3;
	v8 =	vmax.f32 v8, v4  }
0x26: {  	v12 =	vsel vm4, v12, v8  }
0x27: {  	vm3 =	veq.s32 v11, $0x4;
	v12 =	vmax.f32 v12, v5  }
0x28: {  	v19 =	vld [tilespmem:$0x10];
	v8 =	vsel vm3, v8, v12  }
0x29: {  	v20 =	vld [tilespmem:$0x50];
	vm2 =	veq.s32 v11, $0x5;
	v8 =	vmax.f32 v8, v6  }
0x2a: {  	v21 =	vld [tilespmem:$0x90];
	v12 =	vsel vm2, v12, v8  }
0x2b: {  	v18 =	vld [tilespmem:$0x20];
	vm1 =	veq.s32 v11, $0x6;
	v12 =	vmax.f32 v12, v7  }
0x2c: {  	v16 =	vld [tilespmem:$0x60];
	v8 =	vsel vm1, v8, v12  }
0x2d: {  	v22 =	vld [tilespmem:$0xA0];
	vm0 =	veq.s32 v11, $0x7;
	v8 =	vmax.f32 v8, v9  }
0x2e: {  	v26 =	vld [tilespmem:$0xE0];
	v8 =	vsel vm0, v12, v8  }
0x2f: {  	v10 =	vsub.f32 v8, v10;
	_ =	sdelay $0x1  }
0x30: {  	v23 =	vld [tilespmem:$0xD0];
	v54 =	vmax.f32 v19, v20;
	v34 =	vmax.f32 v18, v16;
	v10 =	vmul.f32 $1.442695020e+00, v10  }
0x31: {  	v50 =	vimm.s32 $0x0;
	v56 =	vmax.f32 v54, v21;
	v37 =	vmax.f32 v34, v22  }
0x32: {  	v24 =	vld [tilespmem:$0x110];
	v63 =	vmax.f32 v37, v26;
	vm9 =	vne.s32 v11, $0x7;
	(erf) = vpow2.f32 v10  }
0x33: {  	vm14 =	vne.s32 v11, $0x6;
	vm10 =	vne.s32 v11, $0x5;
	vm8 =	veq.f32 v9, v8  }
0x34: {  	v25 =	vld [tilespmem:$0x150];
	vm13 =	veq.f32 v7, v8;
	vm15 =	veq.f32 v6, v8;
	vm8 =	vmand vm9, vm8  }
0x35: {  	v9 =	vmax.f32 v56, v23;
	vm12 =	vmand vm10, vm15;
	v52 =	vsel vm8, $0x7, v0  }
0x36: {  	v28 =	vld [tilespmem:$0x190];
	vm8 =	vmand vm14, vm13;
	vm13 =	veq.f32 v5, v8;
	vm14 =	vne.s32 v11, $0x4  }
0x37: {  	v29 =	vld [tilespmem:$0x1D0];
	v57 =	vmax.f32 v9, v24;
	v53 =	vsel vm8, $0x6, v52;
	vm15 =	vmand vm14, vm13  }
0x38: {  	vm13 =	vne.s32 v11, $0x3;
	vm14 =	veq.f32 v3, v8;
	v6 =	vsel vm12, $0x5, v53  }
0x39: {  	vm12 =	veq.f32 v4, v8;
	v4 =	vmax.f32 v57, v25;
	v53 =	vimm.s32 $0x0  }
0x3a: {  	v6 =	vsel vm15, $0x4, v6;
	vm8 =	vmand vm13, vm12;
	vm15 =	vne.s32 v11, $0x2  }
0x3b: {  	v3 =	vmax.f32 v4, v28;
	vm13 =	vne.f32 v2, v8;
	v58 =	vsel vm8, $0x3, v6;
	v55 =	vpop (erf)  }
0x3c: {  	vm12 =	vmand vm15, vm14;
	v15 =	vmax.f32 v3, v29;
	v7 =	vadd.f32 $1.000000000e+00, v55  }
0x3d: {  	vm11 =	vmor vm6, vm13;
	vm13 =	veq.f32 v1, v8;
	vm14 =	veq.f32 v29, v15  }
0x3e: {  	vm15 =	veq.f32 v28, v15;
	v2 =	vsel vm14, $0x7, v0;
	(erf) = vrcp.f32 v7  }
0x3f: {  	v3 =	vsel vm12, $0x2, v58;
	vm12 =	veq.f32 v25, v15;
	v2 =	vsel vm15, $0x6, v2  }
0x40: {  	vm9 =	vmand vm7, vm13;
	vm14 =	veq.f32 v24, v15;
	v1 =	vsel vm12, $0x5, v2  }
0x41: {  	vm8 =	veq.f32 v21, v15;
	vm15 =	veq.f32 v23, v15;
	v1 =	vsel vm14, $0x4, v1  }
0x42: {  	vm10 =	vne.f32 v19, v15;
	vm12 =	veq.f32 v20, v15;
	v1 =	vsel vm15, $0x3, v1  }
0x43: {  	v3 =	vnsel vm11, $0x1, v3;
	v2 =	vsel vm8, $0x2, v1;
	vm8 =	vmand vm10, vm12  }
0x44: {  	v17 =	vsel vm9, $0x0, v3;
	v3 =	vsel vm12, $0x1, v2;
	v59 =	vsel vm8, v19, v54  }
0x45: {  	vm11 =	vmor vm9, vm11;
	v32 =	vnsel vm10, $0x0, v3;
	v5 =	vsel vm10, v59, v20  }
0x46: {  	vm15 =	veq.s32 v17, $0x2;
	vm13 =	veq.s32 v32, $0x2;
	v60 =	vmax.f32 v5, v21  }
0x47: {  	vm14 =	veq.s32 v32, $0x4;
	vm12 =	veq.s32 v32, $0x6;
	v5 =	vsel vm13, v5, v60;
	v30 =	vpop (erf)  }
0x48: {  	v61 =	vmax.f32 v5, v23;
	v31 =	vsub.f32 $1.000000000e+00, v30;
	v1 =	vsel vm7, $0x0, v30  }
0x49: {  	v3 =	vnsel vm6, $0x0, v30;
	v5 =	vnsel vm5, $0x0, v30;
	vm7 =	veq.s32 v17, $0x5  }
0x4a: {  	vm5 =	veq.s32 v17, $0x7;
	v4 =	vsel vm11, $0x0, v31;
	vm11 =	veq.s32 v32, $0x3  }
0x4b: {  	v2 =	vnsel vm9, $0x0, v31;
	v6 =	vnsel vm15, $0x0, v31;
	v7 =	vsel vm11, v60, v61  }
0x4c: {  	vm9 =	veq.s32 v17, $0x3;
	vm15 =	veq.s32 v17, $0x4;
	v62 =	vmax.f32 v7, v24  }
0x4d: {  	v12 =	vnsel vm7, $0x0, v31;
	vm7 =	vne.s32 v32, $0x7;
	v9 =	vsel vm14, v61, v62  }
0x4e: {  	v8 =	vnsel vm9, $0x0, v31;
	vm9 =	veq.s32 v32, $0x5;
	v13 =	vmax.f32 v9, v25  }
0x4f: {  	v10 =	vnsel vm15, $0x0, v31;
	vm15 =	veq.s32 v32, $0x7;
	v11 =	vsel vm9, v62, v13  }
0x50: {  	v27 =	vld [tilespmem:$0x120];
	v1 =	vadd.f32 v2, v1;
	v2 =	vadd.f32 v4, v3;
	v14 =	vmax.f32 v11, v28  }
0x51: {  	v35 =	vld [tilespmem:$0x160];
	v7 =	vnsel vm4, $0x0, v30;
	vm4 =	veq.s32 v17, $0x6;
	v33 =	vsel vm12, v13, v14  }
0x52: {  	v39 =	vld [tilespmem:$0x1A0];
	v17 =	vnsel vm5, $0x0, v31;
	vm5 =	vne.s32 v32, $0x6;
	v33 =	vmax.f32 v33, v29  }
0x53: {  	v40 =	vld [tilespmem:$0x1E0];
	v9 =	vnsel vm3, $0x0, v30;
	v11 =	vnsel vm2, $0x0, v30;
	v33 =	vsel vm15, v14, v33  }
0x54: {  	v13 =	vnsel vm1, $0x0, v30;
	v14 =	vnsel vm4, $0x0, v31;
	v36 =	vsub.f32 v33, v15  }
0x55: {  	v15 =	vnsel vm0, $0x0, v30;
	v30 =	vmax.f32 v63, v27;
	vm6 =	veq.f32 v29, v33  }
0x56: {  	vm4 =	veq.f32 v28, v33;
	v38 =	vmax.f32 v30, v35;
	vm0 =	vmand vm7, vm6  }
0x57: {  	vm6 =	vmand vm5, vm4;
	v37 =	vmul.f32 $1.442695020e+00, v36;
	v29 =	vmax.f32 v38, v39  }
0x58: {  	vm5 =	veq.f32 v25, v33;
	v41 =	vsel vm0, $0x7, v0;
	v29 =	vmax.f32 v29, v40  }
0x59: {  	v28 =	vsel vm6, $0x6, v41;
	(erf) = vpow2.f32 v37;
	vm7 =	veq.f32 v40, v29  }
0x5a: {  	vm4 =	veq.f32 v39, v29;
	vm6 =	veq.f32 v35, v29;
	v42 =	vsel vm7, $0x7, v0  }
0x5b: {  	vm0 =	veq.f32 v22, v29;
	vm2 =	veq.f32 v16, v29;
	v43 =	vsel vm4, $0x6, v42  }
0x5c: {  	vm7 =	vne.s32 v32, $0x5;
	vm4 =	veq.f32 v27, v29;
	v25 =	vsel vm6, $0x5, v43  }
0x5d: {  	vm1 =	vmand vm7, vm5;
	vm5 =	veq.f32 v26, v29;
	v25 =	vsel vm4, $0x4, v25  }
0x5e: {  	vm7 =	vne.f32 v18, v29;
	v28 =	vsel vm1, $0x5, v28;
	v44 =	vsel vm5, $0x3, v25  }
0x5f: {  	vm1 =	veq.f32 v24, v33;
	vm5 =	vmand vm7, vm2;
	v24 =	vsel vm0, $0x2, v44  }
0x60: {  	vm3 =	vne.s32 v32, $0x4;
	v46 =	vsel vm5, v18, v34;
	v24 =	vsel vm2, $0x1, v24  }
0x61: {  	vm6 =	vmand vm3, vm1;
	v47 =	vsel vm7, v46, v16;
	v36 =	vnsel vm7, $0x0, v24  }
0x62: {  	vm4 =	veq.f32 v23, v33;
	v48 =	vmax.f32 v47, v22;
	v45 =	vpop (erf);
	vm3 =	veq.s32 v36, $0x2  }
0x63: {  	v28 =	vsel vm6, $0x4, v28;
	v25 =	vadd.f32 $1.000000000e+00, v45;
	v49 =	vsel vm3, v47, v48  }
0x64: {  	vm6 =	vne.s32 v32, $0x3;
	vm1 =	veq.s32 v36, $0x3;
	v23 =	vmax.f32 v49, v26  }
0x65: {  	vm0 =	vmand vm6, vm4;
	(erf) = vrcp.f32 v25;
	v51 =	vsel vm1, v48, v23  }
0x66: {  	vm4 =	veq.f32 v21, v33;
	vm2 =	veq.s32 v36, $0x4;
	v21 =	vmax.f32 v51, v27  }
0x67: {  	vm6 =	vne.s32 v32, $0x2;
	v52 =	vsel vm0, $0x3, v28;
	v23 =	vsel vm2, v23, v21  }
0x68: {  	vm4 =	vmand vm6, vm4;
	vm0 =	veq.s32 v36, $0x5;
	v54 =	vmax.f32 v23, v35  }
0x69: {  	vm6 =	vne.f32 v20, v33;
	v55 =	vsel vm4, $0x2, v52;
	v21 =	vsel vm0, v21, v54  }
0x6a: {  	vm4 =	veq.s32 v36, $0x6;
	v20 =	vsel vm0, $0xFFFFFFFF, v53;
	v56 =	vmax.f32 v21, v39  }
0x6b: {  	v24 =	vsel vm1, $0xFFFFFFFF, v50;
	[tilespmem:$0x1FFF0] =	vst v20;
	vm1 =	vmor vm8, vm6;
	v20 =	vsel vm4, v54, v56  }
0x6c: {  	vm6 =	veq.s32 v36, $0x7;
	vm0 =	veq.f32 v19, v33;
	v20 =	vmax.f32 v20, v40  }
0x6d: {  	v57 =	vnsel vm1, $0x1, v55;
	vm0 =	vmand vm10, vm0;
	v43 =	vsel vm6, v56, v20  }
0x6e: {  	v3 =	vadd.f32 v6, v5;
	v58 =	vsel vm0, $0x0, v57;
	v41 =	vpop (erf);
	v59 =	vsub.f32 v43, v29  }
0x6f: {  	v42 =	vsub.f32 $1.000000000e+00, v41;
	v28 =	vsel vm10, $0x0, v41;
	v34 =	vnsel vm8, $0x0, v41  }
0x70: {  	v38 =	vnsel vm13, $0x0, v41;
	vm8 =	veq.s32 v58, $0x2;
	vm10 =	veq.s32 v58, $0x3  }
0x71: {  	v19 =	vld [tilespmem:$0x30];
	v45 =	vnsel vm11, $0x0, v41;
	v47 =	vnsel vm14, $0x0, v41;
	vm13 =	veq.s32 v58, $0x4  }
0x72: {  	v20 =	vld [tilespmem:$0x70];
	vm14 =	veq.s32 v58, $0x7;
	v29 =	vnsel vm9, $0x0, v41;
	v33 =	vnsel vm12, $0x0, v41  }
0x73: {  	v21 =	vld [tilespmem:$0xB0];
	vm11 =	veq.f32 v27, v43;
	vm12 =	veq.f32 v26, v43;
	v60 =	vmul.f32 $1.442695020e+00, v59  }
0x74: {  	v23 =	vld [tilespmem:$0xF0];
	v32 =	vnsel vm0, $0x0, v42;
	vm0 =	vmor vm0, vm1;
	v44 =	vnsel vm8, $0x0, v42  }
0x75: {  	[tilespmem:$0x1FFE0] =	vst v24;
	v24 =	vld [tilespmem:$0x130];
	v46 =	vnsel vm10, $0x0, v42;
	v48 =	vnsel vm13, $0x0, v42;
	vm1 =	veq.s32 v58, $0x6  }
0x76: {  	v25 =	vld [tilespmem:$0x170];
	vm13 =	veq.f32 v40, v43;
	vm10 =	veq.f32 v35, v43;
	v35 =	vnsel vm15, $0x0, v41  }
0x77: {  	v30 =	vld [tilespmem:$0x1B0];
	v41 =	vnsel vm14, $0x0, v42;
	(erf) = vpow2.f32 v60;
	v49 =	vmax.f32 v19, v20  }
0x78: {  	v50 =	vld [tilespmem:$0x1F0];
	vm14 =	vne.s32 v36, $0x7;
	v37 =	vsel vm0, $0x0, v42;
	v61 =	vmax.f32 v49, v21  }
0x79: {  	[tilespmem:$0x200] =	vst v1;
	vm0 =	veq.s32 v58, $0x5;
	v1 =	vadd.f32 v46, v45;
	v62 =	vmax.f32 v61, v23  }
0x7a: {  	v31 =	vnsel vm0, $0x0, v42;
	vm0 =	veq.f32 v39, v43;
	v63 =	vmax.f32 v62, v24  }
0x7b: {  	v39 =	vnsel vm1, $0x0, v42;
	vm1 =	vmand vm14, vm13;
	v51 =	vmax.f32 v63, v25  }
0x7c: {  	vm14 =	vne.s32 v36, $0x6;
	v55 =	vsel vm1, $0x7, v0;
	v40 =	vmax.f32 v51, v30  }
0x7d: {  	vm0 =	vmand vm14, vm0;
	vm14 =	vne.s32 v36, $0x5;
	v40 =	vmax.f32 v40, v50  }
0x7e: {  	v39 =	vadd.f32 v39, v33;
	v62 =	vadd.f32 v8, v7;
	vm8 =	veq.f32 v50, v40  }
0x7f: {  	v63 =	vadd.f32 v10, v9;
	vm15 =	veq.f32 v30, v40;
	v53 =	vsel vm8, $0x7, v0  }
0x80: {  	vm13 =	veq.f32 v25, v40;
	vm1 =	veq.f32 v21, v40;
	v52 =	vpop (erf);
	v27 =	vsel vm15, $0x6, v53  }
0x81: {  	vm15 =	veq.f32 v24, v40;
	v26 =	vadd.f32 $1.000000000e+00, v52;
	v27 =	vsel vm13, $0x5, v27  }
0x82: {  	vm9 =	vne.f32 v19, v40;
	vm13 =	veq.f32 v23, v40;
	v54 =	vsel vm15, $0x4, v27  }
0x83: {  	(erf) = vrcp.f32 v26;
	v26 =	vsel vm13, $0x3, v54;
	vm13 =	veq.f32 v20, v40  }
0x84: {  	v51 =	vadd.f32 v17, v15;
	v26 =	vsel vm1, $0x2, v26;
	vm8 =	vmand vm9, vm13  }
0x85: {  	v27 =	vsel vm0, $0x6, v55;
	v26 =	vsel vm13, $0x1, v26;
	v56 =	vsel vm8, v19, v49  }
0x86: {  	vm0 =	vmand vm14, vm10;
	v26 =	vnsel vm9, $0x0, v26;
	v42 =	vsel vm9, v56, v20  }
0x87: {  	vm15 =	vne.s32 v36, $0x4;
	vm10 =	veq.s32 v26, $0x2;
	v57 =	vmax.f32 v42, v21  }
0x88: {  	v27 =	vsel vm0, $0x5, v27;
	vm0 =	vmand vm15, vm11;
	v42 =	vsel vm10, v42, v57  }
0x89: {  	vm1 =	veq.f32 v22, v43;
	vm11 =	veq.s32 v26, $0x3;
	v42 =	vmax.f32 v42, v23  }
0x8a: {  	v27 =	vsel vm0, $0x4, v27;
	vm13 =	vne.s32 v36, $0x3;
	v22 =	vsel vm11, v57, v42  }
0x8b: {  	vm0 =	vmand vm13, vm12;
	vm12 =	veq.s32 v26, $0x4;
	v22 =	vmax.f32 v22, v24  }
0x8c: {  	vm14 =	vne.s32 v36, $0x2;
	vm15 =	veq.f32 v18, v43;
	v58 =	vsel vm12, v42, v22  }
0x8d: {  	v27 =	vsel vm0, $0x3, v27;
	vm13 =	veq.s32 v26, $0x5;
	v36 =	vmax.f32 v58, v25  }
0x8e: {  	vm0 =	vmand vm14, vm1;
	vm14 =	veq.s32 v26, $0x6;
	v59 =	vsel vm13, v22, v36  }
0x8f: {  	v27 =	vsel vm0, $0x2, v27;
	vm0 =	vmand vm7, vm15;
	v22 =	vpop (erf);
	v18 =	vmax.f32 v59, v30  }
0x90: {  	v42 =	vsel vm7, $0x0, v22;
	vm7 =	vne.f32 v16, v43;
	v60 =	vsel vm14, v36, v18  }
0x91: {  	vm1 =	vmor vm5, vm7;
	vm7 =	veq.s32 v26, $0x7;
	v16 =	vmax.f32 v60, v50  }
0x92: {  	v55 =	vadd.f32 v37, v34;
	v54 =	vadd.f32 v32, v28;
	v16 =	vsel vm7, v18, v16  }
0x93: {  	v49 =	vadd.f32 v14, v13;
	v40 =	vsub.f32 v16, v40  }
0x94: {  	v52 =	vld [tilespmem:$0x1FFE0];
	v56 =	vadd.f32 v44, v38;
	v38 =	vadd.f32 v31, v29;
	v8 =	vnsel vm3, $0x0, v22  }
0x95: {  	v57 =	vnsel vm2, $0x0, v22;
	v59 =	vadd.f32 v48, v47;
	v61 =	vmul.f32 $1.442695020e+00, v40  }
0x96: {  	[tilespmem:$0x280] =	vst v3;
	v3 =	vnsel vm6, $0x0, v22;
	vm6 =	vne.s32 v26, $0x7;
	v36 =	vsub.f32 $1.000000000e+00, v22  }
0x97: {  	v27 =	vnsel vm1, $0x1, v27;
	v60 =	vnsel vm4, $0x0, v22;
	(erf) = vpow2.f32 v61  }
0x98: {  	v27 =	vsel vm0, $0x0, v27;
	v43 =	vnsel vm0, $0x0, v36;
	vm0 =	vmor vm0, vm1  }
0x99: {  	[tilespmem:$0x240] =	vst v2;
	v2 =	vld [tilespmem:$0x1FFF0];
	v18 =	vnsel vm5, $0x0, v22;
	vm5 =	vnez.u8 v52;
	v5 =	vsel vm0, $0x0, v36  }
0x9a: {  	vm15 =	veq.s32 v27, $0x2;
	vm4 =	veq.s32 v27, $0x7;
	v42 =	vadd.f32 v43, v42  }
0x9b: {  	[tilespmem:$0x300] =	vst v63;
	v4 =	vnsel vm15, $0x0, v36;
	vm15 =	veq.s32 v27, $0x3;
	v63 =	vnsel vm4, $0x0, v36  }
0x9c: {  	vm4 =	vne.s32 v26, $0x6;
	v5 =	vadd.f32 v5, v18;
	v40 =	vadd.f32 v12, v11  }
0x9d: {  	v12 =	vnsel vm5, $0x0, v22;
	v53 =	vnsel vm15, $0x0, v36;
	vm5 =	veq.s32 v27, $0x4  }
0x9e: {  	[tilespmem:$0x2D0] =	vst v1;
	vm15 =	vnez.u8 v2;
	v1 =	vadd.f32 v4, v8;
	v3 =	vadd.f32 v63, v3  }
0x9f: {  	[tilespmem:$0x390] =	vst v39;
	v58 =	vnsel vm5, $0x0, v36;
	v2 =	vnsel vm15, $0x0, v22;
	vm15 =	veq.s32 v27, $0x6  }
0xa0: {  	[tilespmem:$0x2C0] =	vst v62;
	vm5 =	veq.s32 v27, $0x5;
	v62 =	vnsel vm15, $0x0, v36;
	vm15 =	veq.f32 v30, v16;
	v30 =	vpop (erf)  }
0xa1: {  	[tilespmem:$0x3C0] =	vst v51;
	v43 =	vadd.f32 v53, v12;
	v61 =	vnsel vm5, $0x0, v36;
	v36 =	vadd.f32 $1.000000000e+00, v30  }
0xa2: {  	vm5 =	veq.f32 v50, v16;
	[tilespmem:$0x340] =	vst v40;
	v40 =	vadd.f32 v41, v35;
	v45 =	vadd.f32 v58, v57  }
0xa3: {  	[tilespmem:$0x250] =	vst v55;
	vm0 =	vmand vm6, vm5;
	vm1 =	vmand vm4, vm15;
	(erf) = vrcp.f32 v36  }
0xa4: {  	[tilespmem:$0x210] =	vst v54;
	vm5 =	veq.f32 v25, v16;
	vm6 =	vne.s32 v26, $0x5;
	vm15 =	veq.f32 v24, v16  }
0xa5: {  	[tilespmem:$0x380] =	vst v49;
	vm4 =	vne.s32 v26, $0x4;
	v41 =	vsel vm0, $0x7, v0;
	vm0 =	vmand vm6, vm5  }
0xa6: {  	[tilespmem:$0x290] =	vst v56;
	vm5 =	veq.f32 v23, v16;
	vm6 =	vne.s32 v26, $0x3;
	v9 =	vsel vm1, $0x6, v41  }
0xa7: {  	[tilespmem:$0x350] =	vst v38;
	v9 =	vsel vm0, $0x5, v9;
	vm0 =	vmand vm4, vm15;
	vm15 =	veq.f32 v21, v16  }
0xa8: {  	[tilespmem:$0x310] =	vst v59;
	vm4 =	vne.s32 v26, $0x2;
	v44 =	vsel vm0, $0x4, v9;
	vm0 =	vmand vm6, vm5  }
0xa9: {  	[tilespmem:$0x220] =	vst v42;
	vm5 =	vne.f32 v20, v16;
	v46 =	vsel vm0, $0x3, v44;
	vm0 =	vmand vm4, vm15  }
0xaa: {  	[tilespmem:$0x260] =	vst v5;
	vm6 =	veq.f32 v19, v16;
	v6 =	vsel vm0, $0x2, v46;
	vm0 =	vmor vm8, vm5  }
0xab: {  	[tilespmem:$0x2A0] =	vst v1;
	v2 =	vadd.f32 v61, v2;
	vm1 =	vmand vm9, vm6;
	v1 =	vnsel vm0, $0x1, v6  }
0xac: {  	[tilespmem:$0x3E0] =	vst v3;
	v47 =	vadd.f32 v62, v60;
	vm0 =	vmor vm1, vm0;
	v1 =	vsel vm1, $0x0, v1;
	v48 =	vpop (erf)  }
0xad: {  	[tilespmem:$0x2E0] =	vst v43;
	vm15 =	veq.s32 v1, $0x7;
	v49 =	vsub.f32 $1.000000000e+00, v48;
	v50 =	vsel vm9, $0x0, v48  }
0xae: {  	[tilespmem:$0x360] =	vst v2;
	v52 =	vnsel vm8, $0x0, v48;
	v2 =	vnsel vm10, $0x0, v48;
	vm10 =	veq.s32 v1, $0x2  }
0xaf: {  	[tilespmem:$0x3D0] =	vst v40;
	v56 =	vnsel vm11, $0x0, v48;
	v58 =	vnsel vm12, $0x0, v48;
	v51 =	vnsel vm1, $0x0, v49  }
0xb0: {  	[tilespmem:$0x320] =	vst v45;
	vm11 =	veq.s32 v1, $0x4;
	v53 =	vsel vm0, $0x0, v49;
	v4 =	vadd.f32 v51, v50  }
0xb1: {  	[tilespmem:$0x3A0] =	vst v47;
	vm1 =	veq.s32 v1, $0x3;
	v55 =	vnsel vm10, $0x0, v49;
	v54 =	vadd.f32 v53, v52  }
0xb2: {  	vm12 =	veq.s32 v1, $0x5;
	v57 =	vnsel vm1, $0x0, v49;
	v2 =	vadd.f32 v55, v2;
	[tilespmem:$0x230] =	vst v4  }
0xb3: {  	v60 =	vnsel vm13, $0x0, v48;
	v59 =	vnsel vm11, $0x0, v49;
	v3 =	vadd.f32 v57, v56;
	[tilespmem:$0x270] =	vst v54  }
0xb4: {  	vm13 =	veq.s32 v1, $0x6;
	v61 =	vnsel vm12, $0x0, v49;
	[tilespmem:$0x2B0] =	vst v2;
	v2 =	vadd.f32 v59, v58  }
0xb5: {  	v63 =	vnsel vm13, $0x0, v49;
	v62 =	vadd.f32 v61, v60;
	[tilespmem:$0x2F0] =	vst v3;
	v3 =	vnsel vm14, $0x0, v48  }
0xb6: {  	[tilespmem:$0x330] =	vst v2;
	v1 =	vadd.f32 v63, v3;
	v2 =	vnsel vm7, $0x0, v48;
	v3 =	vnsel vm15, $0x0, v49  }
0xb7: {  	[tilespmem:$0x370] =	vst v62;
	v2 =	vadd.f32 v3, v2  }
0xb8: {  	p0 =	sne.s32 s5, $0x1;
	[tilespmem:$0x3B0] =	vst v1  }
.Ltmp0:
0xb9: {  	[tilespmem:$0x3F0] =	vst v2;
	(pc) =	sbr.rel @p0 .LBB2_1-.Ltmp0, $4  }
0xba: {  	[hbm4b:s4+s2] =	stream.linear.scatter [tilespmem:s7], [sflag:$0x1], $0x200, $0x38;
	[tilespmem:$0x400] =	vst v63  }
0xbb: {  	_ =	swait.ge [sflag:s6], $0x200  }
0xbc: {  	[sflag:s6] =	ssyncset.done $0x0  }
0xbd: {  	s5 =	sadd.s32 $0xFFFFFFFF, s5;
	[sflag:s6] =	ssyncadd.s32 $0xFFFFFE00  }
0xbe: {  	_ =	sfence.sel $0x180000  }
0xbf: {  	[bflag:$0x0] =	sbarrier.arrive $0xFFFF  }
0xc0: {  	p0 =	sne.s32 s1, $0x0;
	_ =	strace $0x90000047  }
0xc1: {  	s0 =	sadd.s32 @!p0 $0x100000, s0;
	[bflag:$0x2] =	sbarrier.arrive $0xFFFF  }
0xc2: {  	[sflag:s0] =	ssyncadd.tile.s32 @!p0 $0x1;
	_ =	shalt  }
.Lfunc_end2:
_tile_overlayer_lowered:
.L_overlay_start_2:
0xc3: {  	(tag) =	ssettag $0x2  }
0xc4: {  	s0 =	rddreg [dreg:$0x0];
	s2 =	stileid.u32  }
0xc5: {  	s1 =	rddreg [dreg:$0x1];
	p0 =	sne.s32 s2, $0x0  }
0xc6: {  	s3 =	rddreg [dreg:$0x2];
	[bflag:$0x3] =	sbarrier.arrive $0xFFFF;
	s2 =	simm.s32 @!p0 $0x1C01  }
0xc7: {  	[timem:s3], [sflag:s2] =	dma.local @!p0 [hbm:s0], s1  }
0xc8: {  	s0 =	simm.s32 @!p0 $0x1  }
0xc9: {  	_ =	swait.ge @!p0 [sflag:s0], s1  }
0xca: {  	s1 =	ssub.s32 @!p0 $0x0, s1;
	[sflag:s0] =	ssyncset.done @!p0 $0x0  }
0xcb: {  	[sflag:s0] =	ssyncadd.s32 @!p0 s1  }
0xcc: {  	[bflag:$0x3] =	sbarrier.arrive $0xFFFF  }
0xcd: {  	_ =	shalt  }

</sc_bundles>
